<compile_context>
chip_gen: v7x
topology: tpu7x:2x2x1
jax: 0.10.2.dev20260603
libtpu: 0.0.44.dev20260713+nightly
codegen_flags: <defaults>
</compile_context>

<pallas_src>
import functools

import jax
import jax.numpy as jnp
from jax import lax
from jax.experimental import pallas as pl
from jax.experimental.pallas import tpu as pltpu
from jax.experimental.pallas import tpu_sc as plsc

N = 10000
E = 320000
D = 128
K = 8
KK = K * K

NC = 2
NS = 16
NW = NC * NS
EPT = E // NW
C = 40
NCHUNK = EPT // C
NPAIR = NCHUNK // 2
EBLK = 2000
NP = 10240
RPT = NP // NS
ZR = 80

_mesh = plsc.VectorSubcoreMesh(core_axis_name="c", subcore_axis_name="s")


def _gather_set():
    return [
        pltpu.VMEM((C, D), jnp.float32),
        pltpu.VMEM((C, D), jnp.float32),
        pltpu.VMEM((C, D), jnp.float32),
        pltpu.VMEM((C, D), jnp.float32),
        pltpu.VMEM((C, KK), jnp.float32),
        pltpu.VMEM((C, KK), jnp.float32),
        pltpu.VMEM((C, KK), jnp.float32),
        pltpu.VMEM((C,), jnp.int32),
        pltpu.VMEM((C,), jnp.int32),
        pltpu.SemaphoreType.DMA,
        pltpu.SemaphoreType.DMA,
    ]


@functools.partial(
    pl.kernel,
    out_type=jax.ShapeDtypeStruct((NC, NP, KK), jnp.float32),
    mesh=_mesh,
    scratch_types=[
        pltpu.VMEM((EPT,), jnp.int32),
        pltpu.VMEM((EPT,), jnp.int32),
        pltpu.VMEM((ZR, KK), jnp.float32),
        pltpu.VMEM_SHARED((NP, KK), jnp.float32),
    ] + _gather_set() + _gather_set(),
    compiler_params=pltpu.CompilerParams(use_tc_tiling_on_sc=False),
)
def _edge_scatter(et_hbm, x_hbm, v_hbm, w_hbm, out_hbm,
                  si_all, ti_all, zb_v, S_sh, *bufs):
    sets = [bufs[0:11], bufs[11:22]]
    cid = lax.axis_index("c")
    sid = lax.axis_index("s")
    wid = cid * NS + sid

    zero16 = jnp.zeros((16,), jnp.float32)
    lane = lax.iota(jnp.int32, 16)
    bfly = [jnp.bitwise_xor(lane, jnp.int32(1 << k)) for k in range(4)]

    def _allsum(vec):
        for p in bfly:
            vec = vec + vec[p]
        return vec

    def zrow(i, carry):
        for g in range(KK // 16):
            zb_v[i, pl.ds(16 * g, 16)] = zero16
        return carry

    lax.fori_loop(0, ZR, zrow, 0)
    for r in range(RPT // ZR):
        pltpu.sync_copy(zb_v, S_sh.at[pl.ds(sid * RPT + r * ZR, ZR)])

    ebase = wid * EPT
    pltpu.sync_copy(et_hbm.at[0, pl.ds(ebase, EPT)], si_all)
    pltpu.sync_copy(et_hbm.at[1, pl.ds(ebase, EPT)], ti_all)
    plsc.subcore_barrier()

    def prefetch(s, ci):
        xs_v, xt_v, vs_v, vt_v, w_v = s[0], s[1], s[2], s[3], s[4]
        gsem = s[9]
        off = ci * C
        sis = si_all.at[pl.ds(off, C)]
        tis = ti_all.at[pl.ds(off, C)]
        pltpu.async_copy(x_hbm.at[sis], xs_v, gsem)
        pltpu.async_copy(x_hbm.at[tis], xt_v, gsem)
        pltpu.async_copy(v_hbm.at[sis], vs_v, gsem)
        pltpu.async_copy(v_hbm.at[tis], vt_v, gsem)
        pltpu.async_copy(w_hbm.at[pl.ds(ebase + off, C)], w_v, gsem)

    def wait_gathers(s, ci):
        xs_v, xt_v, vs_v, vt_v, w_v = s[0], s[1], s[2], s[3], s[4]
        gsem = s[9]
        off = ci * C
        sis = si_all.at[pl.ds(off, C)]
        pltpu.make_async_copy(x_hbm.at[sis], xs_v, gsem).wait()
        pltpu.make_async_copy(x_hbm.at[sis], xt_v, gsem).wait()
        pltpu.make_async_copy(v_hbm.at[sis], vs_v, gsem).wait()
        pltpu.make_async_copy(v_hbm.at[sis], vt_v, gsem).wait()
        pltpu.make_async_copy(w_hbm.at[pl.ds(ebase + off, C)], w_v, gsem).wait()

    def wait_scatters(s):
        ss_v, st_v, ssi_v, sti_v, ssem = s[5], s[6], s[7], s[8], s[10]
        pltpu.make_async_copy(ss_v, S_sh.at[ssi_v], ssem).wait()
        pltpu.make_async_copy(st_v, S_sh.at[sti_v], ssem).wait()

    def compute(s, ci):
        xs_v, xt_v, vs_v, vt_v, w_v, ss_v, st_v, ssi_v, sti_v = s[:9]
        off = ci * C
        for q in (0, 16, C - 16):
            ssi_v[pl.ds(q, 16)] = si_all[pl.ds(off + q, 16)]
            sti_v[pl.ds(q, 16)] = ti_all[pl.ds(off + q, 16)]

        @plsc.parallel_loop(0, C, unroll=8)
        def edge_body(i):
            dacc = jnp.zeros((16,), jnp.float32)
            sacc = jnp.zeros((16,), jnp.float32)
            tacc = jnp.zeros((16,), jnp.float32)
            for j in range(D // 16):
                sl = pl.ds(16 * j, 16)
                a = xs_v[i, sl]
                b = xt_v[i, sl]
                dirj = b - a
                dacc = dacc + dirj * dirj
                sacc = sacc + vs_v[i, sl] * dirj
                tacc = tacc + vt_v[i, sl] * dirj
            r = jnp.float32(1.0) / jnp.maximum(_allsum(dacc), jnp.float32(1e-6))
            cs = _allsum(sacc) * r
            ct = _allsum(tacc) * r
            for g in range(KK // 16):
                sl = pl.ds(16 * g, 16)
                wrow = w_v[i, sl]
                ss_v[i, sl] = wrow * cs
                st_v[i, sl] = wrow * ct

    def scatter(s):
        ss_v, st_v, ssi_v, sti_v, ssem = s[5], s[6], s[7], s[8], s[10]
        pltpu.async_copy(ss_v, S_sh.at[ssi_v], ssem, add=True)
        pltpu.async_copy(st_v, S_sh.at[sti_v], ssem, add=True)

    prefetch(sets[0], 0)

    def pair_body(g, carry):
        prefetch(sets[1], 2 * g + 1)
        wait_gathers(sets[0], 2 * g)

        @pl.when(g > 0)
        def _():
            wait_scatters(sets[0])

        compute(sets[0], 2 * g)
        scatter(sets[0])

        @pl.when(g < NPAIR - 1)
        def _():
            prefetch(sets[0], 2 * g + 2)

        wait_gathers(sets[1], 2 * g + 1)

        @pl.when(g > 0)
        def _():
            wait_scatters(sets[1])

        compute(sets[1], 2 * g + 1)
        scatter(sets[1])
        return carry

    lax.fori_loop(0, NPAIR, pair_body, 0)
    wait_scatters(sets[0])
    wait_scatters(sets[1])
    plsc.subcore_barrier()

    pltpu.sync_copy(S_sh.at[pl.ds(sid * RPT, RPT)],
                    out_hbm.at[cid, pl.ds(sid * RPT, RPT)])


def _combine_body(p_ref, perm_ref, o_ref):
    s = p_ref[0] + p_ref[1]
    t = jnp.dot(s, perm_ref[...], preferred_element_type=jnp.float32)
    o_ref[...] = 0.5 * (s - t)


def _transpose_perm():
    j = jnp.arange(KK)
    src = K * (j % K) + j // K
    return jnp.zeros((KK, KK), jnp.float32).at[src, j].set(1.0)


def kernel(x, v, edges, omega_params):
    et = edges.T
    wflat = omega_params.reshape(E, KK)
    partials = _edge_scatter(et, x, v, wflat)
    perm = _transpose_perm()
    out = pl.pallas_call(
        _combine_body,
        out_shape=jax.ShapeDtypeStruct((NP, KK), jnp.float32),
    )(partials, perm)
    return out[:N].reshape(N, K, K)

# --- scband reference (transcript-rebuilt; emitter-appended) ---
"""Pipeline reference for scband-gauge-field-4569845203311 (READ-ONLY COPY).

The authoritative reference and input builder live on the scoring server;
editing this copy changes nothing except your own understanding.
"""

import jax, jax.numpy as jnp
import numpy as np

N = 10000
E = 320000
D = 128
K = 8

def log_map(x, y):
    # log_map is undefined in the source snippet; Euclidean log map y - x is used
    # (tangent direction from x to y), consistent with its usage as a direction vector.
    return y - x

def setup_inputs(seed: int = 0):
    key = jax.random.key(seed)
    k1, k2, k4 = jax.random.split(key, 3)
    x = jax.random.normal(k1, (N, D), dtype=jnp.float32)
    v = jax.random.normal(k2, (N, D), dtype=jnp.float32)
    rng = np.random.default_rng(0)
    edges = jnp.asarray(rng.integers(0, N, size=(E, 2)), dtype=jnp.int32)
    omega_params = jax.random.normal(k4, (E, K, K), dtype=jnp.float32) * 0.01
    return {"x": x, "v": v, "edges": edges, "omega_params": omega_params}

def reference(x, v, edges, omega_params):
    # GaugeField.compute_connection: A(v) at each node via edge-wise projection
    start = edges[:, 0]
    end = edges[:, 1]
    x_start = x[start]
    x_end = x[end]
    dir_start = log_map(x_start, x_end)
    dist_sq = jnp.clip(jnp.sum(dir_start ** 2, axis=-1, keepdims=True), 1e-06, None)
    v_start = v[start]
    proj = jnp.sum(v_start * dir_start, axis=-1, keepdims=True) / dist_sq
    omega = 0.5 * (omega_params - jnp.transpose(omega_params, (0, 2, 1)))
    weighted = omega * proj[..., None]
    A = jnp.zeros((x.shape[0], K, K), dtype=x.dtype)
    A = A.at[start].add(weighted)
    dir_end = log_map(x_end, x_start)
    dist_sq_end = jnp.clip(jnp.sum(dir_end ** 2, axis=-1, keepdims=True), 1e-06, None)
    v_end = v[end]
    proj_end = jnp.sum(v_end * dir_end, axis=-1, keepdims=True) / dist_sq_end
    weighted_end = -omega * proj_end[..., None]
    A = A.at[end].add(weighted_end)
    return A

if __name__ == "__main__":
    import jax
    _d = setup_inputs()
    print(jax.jit(kernel)(*tuple(_d.values())))

</pallas_src>

<mosaic_0001>
#map = affine_map<(d0, d1) -> (0, 0)>
#map1 = affine_map<(d0, d1) -> (0, 0, 0)>
module attributes {stable_mosaic.version = 14 : i64} {
  func.func @_edge_scatter(%arg0: i32, %arg1: i32, %arg2: memref<2x320000xi32, #tpu.memory_space<hbm>>, %arg3: memref<10000x128xf32, #tpu.memory_space<hbm>>, %arg4: memref<10000x128xf32, #tpu.memory_space<hbm>>, %arg5: memref<320000x64xf32, #tpu.memory_space<hbm>>, %arg6: memref<2x10240x64xf32, #tpu.memory_space<hbm>>, %arg7: memref<10000xi32, #tpu.memory_space<vmem>>, %arg8: memref<10000xi32, #tpu.memory_space<vmem>>, %arg9: memref<80x64xf32, #tpu.memory_space<vmem>>, %arg10: memref<10240x64xf32, #tpu.memory_space<vmem_shared>>, %arg11: memref<40x128xf32, #tpu.memory_space<vmem>>, %arg12: memref<40x128xf32, #tpu.memory_space<vmem>>, %arg13: memref<40x128xf32, #tpu.memory_space<vmem>>, %arg14: memref<40x128xf32, #tpu.memory_space<vmem>>, %arg15: memref<40x64xf32, #tpu.memory_space<vmem>>, %arg16: memref<40x64xf32, #tpu.memory_space<vmem>>, %arg17: memref<40x64xf32, #tpu.memory_space<vmem>>, %arg18: memref<40xi32, #tpu.memory_space<vmem>>, %arg19: memref<40xi32, #tpu.memory_space<vmem>>, %arg20: memref<!tpu.dma_semaphore, #tpu.memory_space<semaphore_mem>>, %arg21: memref<!tpu.dma_semaphore, #tpu.memory_space<semaphore_mem>>, %arg22: memref<40x128xf32, #tpu.memory_space<vmem>>, %arg23: memref<40x128xf32, #tpu.memory_space<vmem>>, %arg24: memref<40x128xf32, #tpu.memory_space<vmem>>, %arg25: memref<40x128xf32, #tpu.memory_space<vmem>>, %arg26: memref<40x64xf32, #tpu.memory_space<vmem>>, %arg27: memref<40x64xf32, #tpu.memory_space<vmem>>, %arg28: memref<40x64xf32, #tpu.memory_space<vmem>>, %arg29: memref<40xi32, #tpu.memory_space<vmem>>, %arg30: memref<40xi32, #tpu.memory_space<vmem>>, %arg31: memref<!tpu.dma_semaphore, #tpu.memory_space<semaphore_mem>>, %arg32: memref<!tpu.dma_semaphore, #tpu.memory_space<semaphore_mem>>) attributes {dimension_semantics = [#tpu.dimension_semantics<core_parallel>, #tpu.dimension_semantics<subcore_parallel>], iteration_bounds = array<i64: 2, 16>, scalar_prefetch = 0 : i64, scratch_operands = 26 : i64, tpu.core_type = #tpu.core_type<sc_vector_subcore>, window_params = [{transform_indices = #map}, {transform_indices = #map}, {transform_indices = #map}, {transform_indices = #map}, {transform_indices = #map1}]} {
    %mul3A = arith.constant 16 : i32
    %mul3A_0 = arith.muli %arg0, %mul3A : i32
    %add3A = arith.addi %mul3A_0, %arg1 : i32
    %broadcast_in_dim3A = arith.constant 0.000000e+00 : f32
    %broadcast_in_dim3A_1 = vector.broadcast %broadcast_in_dim3A : f32 to vector<16xf32>
    %iota3A = tpu.iota {dimensions = array<i32: 0>} : vector<16xi32>
    %xor3A = arith.constant 1 : i32
    %xor3A_2 = vector.broadcast %xor3A : i32 to vector<16xi32>
    %xor3A_3 = arith.xori %iota3A, %xor3A_2 : vector<16xi32>
    %xor3A_4 = arith.constant 2 : i32
    %xor3A_5 = vector.broadcast %xor3A_4 : i32 to vector<16xi32>
    %xor3A_6 = arith.xori %iota3A, %xor3A_5 : vector<16xi32>
    %xor3A_7 = arith.constant 4 : i32
    %xor3A_8 = vector.broadcast %xor3A_7 : i32 to vector<16xi32>
    %xor3A_9 = arith.xori %iota3A, %xor3A_8 : vector<16xi32>
    %xor3A_10 = arith.constant 8 : i32
    %xor3A_11 = vector.broadcast %xor3A_10 : i32 to vector<16xi32>
    %xor3A_12 = arith.xori %iota3A, %xor3A_11 : vector<16xi32>
    %scan3A = arith.constant 0 : i32
    %scan3A_13 = arith.constant 0 : i32
    %scan3A_14 = arith.constant 80 : i32
    %scan3A_15 = arith.addi %scan3A_13, %scan3A_14 : i32
    %scan3A_16 = arith.constant 1 : i32
    scf.for %scan3A_100 = %scan3A_13 to %scan3A_15 step %scan3A_16  : i32 {
      %swap3A = arith.index_cast %scan3A_100 : i32 to index
      %swap3A_101 = arith.constant 0 : index
      %swap3A_102 = tpu.vector_load %arg9[%swap3A, %swap3A_101] {strides = array<i32>} : memref<80x64xf32, #tpu.memory_space<vmem>>, vector<1x16xf32>,
      %swap3A_103 = vector.shape_cast %swap3A_102 : vector<1x16xf32> to vector<16xf32>
      %swap3A_104 = vector.shape_cast %broadcast_in_dim3A_1 : vector<16xf32> to vector<1x16xf32>
      tpu.vector_store %arg9[%swap3A, %swap3A_101], %swap3A_104 {strides = array<i32>} : memref<80x64xf32, #tpu.memory_space<vmem>>, vector<1x16xf32>,
      %swap3A_105 = arith.index_cast %scan3A_100 : i32 to index
      %swap3A_106 = arith.constant 16 : index
      %swap3A_107 = tpu.vector_load %arg9[%swap3A_105, %swap3A_106] {strides = array<i32>} : memref<80x64xf32, #tpu.memory_space<vmem>>, vector<1x16xf32>,
      %swap3A_108 = vector.shape_cast %swap3A_107 : vector<1x16xf32> to vector<16xf32>
      %swap3A_109 = vector.shape_cast %broadcast_in_dim3A_1 : vector<16xf32> to vector<1x16xf32>
      tpu.vector_store %arg9[%swap3A_105, %swap3A_106], %swap3A_109 {strides = array<i32>} : memref<80x64xf32, #tpu.memory_space<vmem>>, vector<1x16xf32>,
      %swap3A_110 = arith.index_cast %scan3A_100 : i32 to index
      %swap3A_111 = arith.constant 32 : index
      %swap3A_112 = tpu.vector_load %arg9[%swap3A_110, %swap3A_111] {strides = array<i32>} : memref<80x64xf32, #tpu.memory_space<vmem>>, vector<1x16xf32>,
      %swap3A_113 = vector.shape_cast %swap3A_112 : vector<1x16xf32> to vector<16xf32>
      %swap3A_114 = vector.shape_cast %broadcast_in_dim3A_1 : vector<16xf32> to vector<1x16xf32>
      tpu.vector_store %arg9[%swap3A_110, %swap3A_111], %swap3A_114 {strides = array<i32>} : memref<80x64xf32, #tpu.memory_space<vmem>>, vector<1x16xf32>,
      %swap3A_115 = arith.index_cast %scan3A_100 : i32 to index
      %swap3A_116 = arith.constant 48 : index
      %swap3A_117 = tpu.vector_load %arg9[%swap3A_115, %swap3A_116] {strides = array<i32>} : memref<80x64xf32, #tpu.memory_space<vmem>>, vector<1x16xf32>,
      %swap3A_118 = vector.shape_cast %swap3A_117 : vector<1x16xf32> to vector<16xf32>
      %swap3A_119 = vector.shape_cast %broadcast_in_dim3A_1 : vector<16xf32> to vector<1x16xf32>
      tpu.vector_store %arg9[%swap3A_115, %swap3A_116], %swap3A_119 {strides = array<i32>} : memref<80x64xf32, #tpu.memory_space<vmem>>, vector<1x16xf32>,
    }
    %scan3A_17 = arith.constant 80 : i32
    %mul3A_18 = arith.constant 640 : i32
    %mul3A_19 = arith.muli %arg1, %mul3A_18 : i32
    %add3A_20 = arith.constant 0 : i32
    %add3A_21 = arith.addi %mul3A_19, %add3A_20 : i32
    "tpu.region"() ({
      %run_scoped3A_100 = tpu.sem_alloc : memref<!tpu.dma_semaphore, #tpu.memory_space<semaphore_mem>>
      %dma_start3A_101 = arith.constant 0 : i32
      %dma_start3A_102 = tpu.memref_slice %arg10[%add3A_21, %dma_start3A_101] : memref<10240x64xf32, #tpu.memory_space<vmem_shared>> -> memref<80x64xf32, #tpu.memory_space<vmem_shared>>
      %dma_start3A_103 = arith.constant 0 : i32
      %dma_start3A_104 = tpu.memref_slice %arg10[%add3A_21, %dma_start3A_103] : memref<10240x64xf32, #tpu.memory_space<vmem_shared>> -> memref<80x64xf32, #tpu.memory_space<vmem_shared>>
      tpu.enqueue_dma source(%arg9 : memref<80x64xf32, #tpu.memory_space<vmem>>) target(%dma_start3A_104 : memref<80x64xf32, #tpu.memory_space<vmem_shared>>) target_semaphore(%run_scoped3A_100 : memref<!tpu.dma_semaphore, #tpu.memory_space<semaphore_mem>>)
      %dma_wait3A_105 = arith.constant 0 : i32
      %dma_wait3A_106 = tpu.memref_slice %arg10[%add3A_21, %dma_wait3A_105] : memref<10240x64xf32, #tpu.memory_space<vmem_shared>> -> memref<80x64xf32, #tpu.memory_space<vmem_shared>>
      %dma_wait3A_107 = arith.constant 0 : i32
      %dma_wait3A_108 = tpu.memref_slice %arg10[%add3A_21, %dma_wait3A_107] : memref<10240x64xf32, #tpu.memory_space<vmem_shared>> -> memref<80x64xf32, #tpu.memory_space<vmem_shared>>
      tpu.wait_dma2 semaphore(%run_scoped3A_100 : memref<!tpu.dma_semaphore, #tpu.memory_space<semaphore_mem>>) src(%arg9 : memref<80x64xf32, #tpu.memory_space<vmem>>) dst(%dma_wait3A_108 : memref<80x64xf32, #tpu.memory_space<vmem_shared>>)
      tpu.yield
    }) : () -> ()
    %mul3A_22 = arith.constant 640 : i32
    %mul3A_23 = arith.muli %arg1, %mul3A_22 : i32
    %add3A_24 = arith.constant 80 : i32
    %add3A_25 = arith.addi %mul3A_23, %add3A_24 : i32
    "tpu.region"() ({
      %run_scoped3A_100 = tpu.sem_alloc : memref<!tpu.dma_semaphore, #tpu.memory_space<semaphore_mem>>
      %dma_start3A_101 = arith.constant 0 : i32
      %dma_start3A_102 = tpu.memref_slice %arg10[%add3A_25, %dma_start3A_101] : memref<10240x64xf32, #tpu.memory_space<vmem_shared>> -> memref<80x64xf32, #tpu.memory_space<vmem_shared>>
      %dma_start3A_103 = arith.constant 0 : i32
      %dma_start3A_104 = tpu.memref_slice %arg10[%add3A_25, %dma_start3A_103] : memref<10240x64xf32, #tpu.memory_space<vmem_shared>> -> memref<80x64xf32, #tpu.memory_space<vmem_shared>>
      tpu.enqueue_dma source(%arg9 : memref<80x64xf32, #tpu.memory_space<vmem>>) target(%dma_start3A_104 : memref<80x64xf32, #tpu.memory_space<vmem_shared>>) target_semaphore(%run_scoped3A_100 : memref<!tpu.dma_semaphore, #tpu.memory_space<semaphore_mem>>)
      %dma_wait3A_105 = arith.constant 0 : i32
      %dma_wait3A_106 = tpu.memref_slice %arg10[%add3A_25, %dma_wait3A_105] : memref<10240x64xf32, #tpu.memory_space<vmem_shared>> -> memref<80x64xf32, #tpu.memory_space<vmem_shared>>
      %dma_wait3A_107 = arith.constant 0 : i32
      %dma_wait3A_108 = tpu.memref_slice %arg10[%add3A_25, %dma_wait3A_107] : memref<10240x64xf32, #tpu.memory_space<vmem_shared>> -> memref<80x64xf32, #tpu.memory_space<vmem_shared>>
      tpu.wait_dma2 semaphore(%run_scoped3A_100 : memref<!tpu.dma_semaphore, #tpu.memory_space<semaphore_mem>>) src(%arg9 : memref<80x64xf32, #tpu.memory_space<vmem>>) dst(%dma_wait3A_108 : memref<80x64xf32, #tpu.memory_space<vmem_shared>>)
      tpu.yield
    }) : () -> ()
    %mul3A_26 = arith.constant 640 : i32
    %mul3A_27 = arith.muli %arg1, %mul3A_26 : i32
    %add3A_28 = arith.constant 160 : i32
    %add3A_29 = arith.addi %mul3A_27, %add3A_28 : i32
    "tpu.region"() ({
      %run_scoped3A_100 = tpu.sem_alloc : memref<!tpu.dma_semaphore, #tpu.memory_space<semaphore_mem>>
      %dma_start3A_101 = arith.constant 0 : i32
      %dma_start3A_102 = tpu.memref_slice %arg10[%add3A_29, %dma_start3A_101] : memref<10240x64xf32, #tpu.memory_space<vmem_shared>> -> memref<80x64xf32, #tpu.memory_space<vmem_shared>>
      %dma_start3A_103 = arith.constant 0 : i32
      %dma_start3A_104 = tpu.memref_slice %arg10[%add3A_29, %dma_start3A_103] : memref<10240x64xf32, #tpu.memory_space<vmem_shared>> -> memref<80x64xf32, #tpu.memory_space<vmem_shared>>
      tpu.enqueue_dma source(%arg9 : memref<80x64xf32, #tpu.memory_space<vmem>>) target(%dma_start3A_104 : memref<80x64xf32, #tpu.memory_space<vmem_shared>>) target_semaphore(%run_scoped3A_100 : memref<!tpu.dma_semaphore, #tpu.memory_space<semaphore_mem>>)
      %dma_wait3A_105 = arith.constant 0 : i32
      %dma_wait3A_106 = tpu.memref_slice %arg10[%add3A_29, %dma_wait3A_105] : memref<10240x64xf32, #tpu.memory_space<vmem_shared>> -> memref<80x64xf32, #tpu.memory_space<vmem_shared>>
      %dma_wait3A_107 = arith.constant 0 : i32
      %dma_wait3A_108 = tpu.memref_slice %arg10[%add3A_29, %dma_wait3A_107] : memref<10240x64xf32, #tpu.memory_space<vmem_shared>> -> memref<80x64xf32, #tpu.memory_space<vmem_shared>>
      tpu.wait_dma2 semaphore(%run_scoped3A_100 : memref<!tpu.dma_semaphore, #tpu.memory_space<semaphore_mem>>) src(%arg9 : memref<80x64xf32, #tpu.memory_space<vmem>>) dst(%dma_wait3A_108 : memref<80x64xf32, #tpu.memory_space<vmem_shared>>)
      tpu.yield
    }) : () -> ()
    %mul3A_30 = arith.constant 640 : i32
    %mul3A_31 = arith.muli %arg1, %mul3A_30 : i32
    %add3A_32 = arith.constant 240 : i32
    %add3A_33 = arith.addi %mul3A_31, %add3A_32 : i32
    "tpu.region"() ({
      %run_scoped3A_100 = tpu.sem_alloc : memref<!tpu.dma_semaphore, #tpu.memory_space<semaphore_mem>>
      %dma_start3A_101 = arith.constant 0 : i32
      %dma_start3A_102 = tpu.memref_slice %arg10[%add3A_33, %dma_start3A_101] : memref<10240x64xf32, #tpu.memory_space<vmem_shared>> -> memref<80x64xf32, #tpu.memory_space<vmem_shared>>
      %dma_start3A_103 = arith.constant 0 : i32
      %dma_start3A_104 = tpu.memref_slice %arg10[%add3A_33, %dma_start3A_103] : memref<10240x64xf32, #tpu.memory_space<vmem_shared>> -> memref<80x64xf32, #tpu.memory_space<vmem_shared>>
      tpu.enqueue_dma source(%arg9 : memref<80x64xf32, #tpu.memory_space<vmem>>) target(%dma_start3A_104 : memref<80x64xf32, #tpu.memory_space<vmem_shared>>) target_semaphore(%run_scoped3A_100 : memref<!tpu.dma_semaphore, #tpu.memory_space<semaphore_mem>>)
      %dma_wait3A_105 = arith.constant 0 : i32
      %dma_wait3A_106 = tpu.memref_slice %arg10[%add3A_33, %dma_wait3A_105] : memref<10240x64xf32, #tpu.memory_space<vmem_shared>> -> memref<80x64xf32, #tpu.memory_space<vmem_shared>>
      %dma_wait3A_107 = arith.constant 0 : i32
      %dma_wait3A_108 = tpu.memref_slice %arg10[%add3A_33, %dma_wait3A_107] : memref<10240x64xf32, #tpu.memory_space<vmem_shared>> -> memref<80x64xf32, #tpu.memory_space<vmem_shared>>
      tpu.wait_dma2 semaphore(%run_scoped3A_100 : memref<!tpu.dma_semaphore, #tpu.memory_space<semaphore_mem>>) src(%arg9 : memref<80x64xf32, #tpu.memory_space<vmem>>) dst(%dma_wait3A_108 : memref<80x64xf32, #tpu.memory_space<vmem_shared>>)
      tpu.yield
    }) : () -> ()
    %mul3A_34 = arith.constant 640 : i32
    %mul3A_35 = arith.muli %arg1, %mul3A_34 : i32
    %add3A_36 = arith.constant 320 : i32
    %add3A_37 = arith.addi %mul3A_35, %add3A_36 : i32
    "tpu.region"() ({
      %run_scoped3A_100 = tpu.sem_alloc : memref<!tpu.dma_semaphore, #tpu.memory_space<semaphore_mem>>
      %dma_start3A_101 = arith.constant 0 : i32
      %dma_start3A_102 = tpu.memref_slice %arg10[%add3A_37, %dma_start3A_101] : memref<10240x64xf32, #tpu.memory_space<vmem_shared>> -> memref<80x64xf32, #tpu.memory_space<vmem_shared>>
      %dma_start3A_103 = arith.constant 0 : i32
      %dma_start3A_104 = tpu.memref_slice %arg10[%add3A_37, %dma_start3A_103] : memref<10240x64xf32, #tpu.memory_space<vmem_shared>> -> memref<80x64xf32, #tpu.memory_space<vmem_shared>>
      tpu.enqueue_dma source(%arg9 : memref<80x64xf32, #tpu.memory_space<vmem>>) target(%dma_start3A_104 : memref<80x64xf32, #tpu.memory_space<vmem_shared>>) target_semaphore(%run_scoped3A_100 : memref<!tpu.dma_semaphore, #tpu.memory_space<semaphore_mem>>)
      %dma_wait3A_105 = arith.constant 0 : i32
      %dma_wait3A_106 = tpu.memref_slice %arg10[%add3A_37, %dma_wait3A_105] : memref<10240x64xf32, #tpu.memory_space<vmem_shared>> -> memref<80x64xf32, #tpu.memory_space<vmem_shared>>
      %dma_wait3A_107 = arith.constant 0 : i32
      %dma_wait3A_108 = tpu.memref_slice %arg10[%add3A_37, %dma_wait3A_107] : memref<10240x64xf32, #tpu.memory_space<vmem_shared>> -> memref<80x64xf32, #tpu.memory_space<vmem_shared>>
      tpu.wait_dma2 semaphore(%run_scoped3A_100 : memref<!tpu.dma_semaphore, #tpu.memory_space<semaphore_mem>>) src(%arg9 : memref<80x64xf32, #tpu.memory_space<vmem>>) dst(%dma_wait3A_108 : memref<80x64xf32, #tpu.memory_space<vmem_shared>>)
      tpu.yield
    }) : () -> ()
    %mul3A_38 = arith.constant 640 : i32
    %mul3A_39 = arith.muli %arg1, %mul3A_38 : i32
    %add3A_40 = arith.constant 400 : i32
    %add3A_41 = arith.addi %mul3A_39, %add3A_40 : i32
    "tpu.region"() ({
      %run_scoped3A_100 = tpu.sem_alloc : memref<!tpu.dma_semaphore, #tpu.memory_space<semaphore_mem>>
      %dma_start3A_101 = arith.constant 0 : i32
      %dma_start3A_102 = tpu.memref_slice %arg10[%add3A_41, %dma_start3A_101] : memref<10240x64xf32, #tpu.memory_space<vmem_shared>> -> memref<80x64xf32, #tpu.memory_space<vmem_shared>>
      %dma_start3A_103 = arith.constant 0 : i32
      %dma_start3A_104 = tpu.memref_slice %arg10[%add3A_41, %dma_start3A_103] : memref<10240x64xf32, #tpu.memory_space<vmem_shared>> -> memref<80x64xf32, #tpu.memory_space<vmem_shared>>
      tpu.enqueue_dma source(%arg9 : memref<80x64xf32, #tpu.memory_space<vmem>>) target(%dma_start3A_104 : memref<80x64xf32, #tpu.memory_space<vmem_shared>>) target_semaphore(%run_scoped3A_100 : memref<!tpu.dma_semaphore, #tpu.memory_space<semaphore_mem>>)
      %dma_wait3A_105 = arith.constant 0 : i32
      %dma_wait3A_106 = tpu.memref_slice %arg10[%add3A_41, %dma_wait3A_105] : memref<10240x64xf32, #tpu.memory_space<vmem_shared>> -> memref<80x64xf32, #tpu.memory_space<vmem_shared>>
      %dma_wait3A_107 = arith.constant 0 : i32
      %dma_wait3A_108 = tpu.memref_slice %arg10[%add3A_41, %dma_wait3A_107] : memref<10240x64xf32, #tpu.memory_space<vmem_shared>> -> memref<80x64xf32, #tpu.memory_space<vmem_shared>>
      tpu.wait_dma2 semaphore(%run_scoped3A_100 : memref<!tpu.dma_semaphore, #tpu.memory_space<semaphore_mem>>) src(%arg9 : memref<80x64xf32, #tpu.memory_space<vmem>>) dst(%dma_wait3A_108 : memref<80x64xf32, #tpu.memory_space<vmem_shared>>)
      tpu.yield
    }) : () -> ()
    %mul3A_42 = arith.constant 640 : i32
    %mul3A_43 = arith.muli %arg1, %mul3A_42 : i32
    %add3A_44 = arith.constant 480 : i32
    %add3A_45 = arith.addi %mul3A_43, %add3A_44 : i32
    "tpu.region"() ({
      %run_scoped3A_100 = tpu.sem_alloc : memref<!tpu.dma_semaphore, #tpu.memory_space<semaphore_mem>>
      %dma_start3A_101 = arith.constant 0 : i32
      %dma_start3A_102 = tpu.memref_slice %arg10[%add3A_45, %dma_start3A_101] : memref<10240x64xf32, #tpu.memory_space<vmem_shared>> -> memref<80x64xf32, #tpu.memory_space<vmem_shared>>
      %dma_start3A_103 = arith.constant 0 : i32
      %dma_start3A_104 = tpu.memref_slice %arg10[%add3A_45, %dma_start3A_103] : memref<10240x64xf32, #tpu.memory_space<vmem_shared>> -> memref<80x64xf32, #tpu.memory_space<vmem_shared>>
      tpu.enqueue_dma source(%arg9 : memref<80x64xf32, #tpu.memory_space<vmem>>) target(%dma_start3A_104 : memref<80x64xf32, #tpu.memory_space<vmem_shared>>) target_semaphore(%run_scoped3A_100 : memref<!tpu.dma_semaphore, #tpu.memory_space<semaphore_mem>>)
      %dma_wait3A_105 = arith.constant 0 : i32
      %dma_wait3A_106 = tpu.memref_slice %arg10[%add3A_45, %dma_wait3A_105] : memref<10240x64xf32, #tpu.memory_space<vmem_shared>> -> memref<80x64xf32, #tpu.memory_space<vmem_shared>>
      %dma_wait3A_107 = arith.constant 0 : i32
      %dma_wait3A_108 = tpu.memref_slice %arg10[%add3A_45, %dma_wait3A_107] : memref<10240x64xf32, #tpu.memory_space<vmem_shared>> -> memref<80x64xf32, #tpu.memory_space<vmem_shared>>
      tpu.wait_dma2 semaphore(%run_scoped3A_100 : memref<!tpu.dma_semaphore, #tpu.memory_space<semaphore_mem>>) src(%arg9 : memref<80x64xf32, #tpu.memory_space<vmem>>) dst(%dma_wait3A_108 : memref<80x64xf32, #tpu.memory_space<vmem_shared>>)
      tpu.yield
    }) : () -> ()
    %mul3A_46 = arith.constant 640 : i32
    %mul3A_47 = arith.muli %arg1, %mul3A_46 : i32
    %add3A_48 = arith.constant 560 : i32
    %add3A_49 = arith.addi %mul3A_47, %add3A_48 : i32
    "tpu.region"() ({
      %run_scoped3A_100 = tpu.sem_alloc : memref<!tpu.dma_semaphore, #tpu.memory_space<semaphore_mem>>
      %dma_start3A_101 = arith.constant 0 : i32
      %dma_start3A_102 = tpu.memref_slice %arg10[%add3A_49, %dma_start3A_101] : memref<10240x64xf32, #tpu.memory_space<vmem_shared>> -> memref<80x64xf32, #tpu.memory_space<vmem_shared>>
      %dma_start3A_103 = arith.constant 0 : i32
      %dma_start3A_104 = tpu.memref_slice %arg10[%add3A_49, %dma_start3A_103] : memref<10240x64xf32, #tpu.memory_space<vmem_shared>> -> memref<80x64xf32, #tpu.memory_space<vmem_shared>>
      tpu.enqueue_dma source(%arg9 : memref<80x64xf32, #tpu.memory_space<vmem>>) target(%dma_start3A_104 : memref<80x64xf32, #tpu.memory_space<vmem_shared>>) target_semaphore(%run_scoped3A_100 : memref<!tpu.dma_semaphore, #tpu.memory_space<semaphore_mem>>)
      %dma_wait3A_105 = arith.constant 0 : i32
      %dma_wait3A_106 = tpu.memref_slice %arg10[%add3A_49, %dma_wait3A_105] : memref<10240x64xf32, #tpu.memory_space<vmem_shared>> -> memref<80x64xf32, #tpu.memory_space<vmem_shared>>
      %dma_wait3A_107 = arith.constant 0 : i32
      %dma_wait3A_108 = tpu.memref_slice %arg10[%add3A_49, %dma_wait3A_107] : memref<10240x64xf32, #tpu.memory_space<vmem_shared>> -> memref<80x64xf32, #tpu.memory_space<vmem_shared>>
      tpu.wait_dma2 semaphore(%run_scoped3A_100 : memref<!tpu.dma_semaphore, #tpu.memory_space<semaphore_mem>>) src(%arg9 : memref<80x64xf32, #tpu.memory_space<vmem>>) dst(%dma_wait3A_108 : memref<80x64xf32, #tpu.memory_space<vmem_shared>>)
      tpu.yield
    }) : () -> ()
    %mul3A_50 = arith.constant 10000 : i32
    %mul3A_51 = arith.muli %add3A, %mul3A_50 : i32
    %run_scoped3A = arith.constant 0 : i32
    "tpu.region"() ({
      %run_scoped3A_100 = tpu.sem_alloc : memref<!tpu.dma_semaphore, #tpu.memory_space<semaphore_mem>>
      %dma_start3A_101 = tpu.memref_slice %arg2[%run_scoped3A, %mul3A_51] : memref<2x320000xi32, #tpu.memory_space<hbm>> -> memref<1x10000xi32, #tpu.memory_space<hbm>>
      %dma_start3A_102 = tpu.memref_squeeze %dma_start3A_101 : memref<1x10000xi32, #tpu.memory_space<hbm>> -> memref<10000xi32, #tpu.memory_space<hbm>>
      %dma_start3A_103 = tpu.memref_slice %arg2[%run_scoped3A, %mul3A_51] : memref<2x320000xi32, #tpu.memory_space<hbm>> -> memref<1x10000xi32, #tpu.memory_space<hbm>>
      %dma_start3A_104 = tpu.memref_squeeze %dma_start3A_103 : memref<1x10000xi32, #tpu.memory_space<hbm>> -> memref<10000xi32, #tpu.memory_space<hbm>>
      tpu.enqueue_dma source(%dma_start3A_104 : memref<10000xi32, #tpu.memory_space<hbm>>) target(%arg7 : memref<10000xi32, #tpu.memory_space<vmem>>) target_semaphore(%run_scoped3A_100 : memref<!tpu.dma_semaphore, #tpu.memory_space<semaphore_mem>>)
      %dma_wait3A_105 = tpu.memref_slice %arg2[%run_scoped3A, %mul3A_51] : memref<2x320000xi32, #tpu.memory_space<hbm>> -> memref<1x10000xi32, #tpu.memory_space<hbm>>
      %dma_wait3A_106 = tpu.memref_squeeze %dma_wait3A_105 : memref<1x10000xi32, #tpu.memory_space<hbm>> -> memref<10000xi32, #tpu.memory_space<hbm>>
      %dma_wait3A_107 = tpu.memref_slice %arg2[%run_scoped3A, %mul3A_51] : memref<2x320000xi32, #tpu.memory_space<hbm>> -> memref<1x10000xi32, #tpu.memory_space<hbm>>
      %dma_wait3A_108 = tpu.memref_squeeze %dma_wait3A_107 : memref<1x10000xi32, #tpu.memory_space<hbm>> -> memref<10000xi32, #tpu.memory_space<hbm>>
      tpu.wait_dma2 semaphore(%run_scoped3A_100 : memref<!tpu.dma_semaphore, #tpu.memory_space<semaphore_mem>>) src(%dma_wait3A_108 : memref<10000xi32, #tpu.memory_space<hbm>>) dst(%arg7 : memref<10000xi32, #tpu.memory_space<vmem>>)
      tpu.yield
    }) : () -> ()
    %run_scoped3A_52 = arith.constant 1 : i32
    "tpu.region"() ({
      %run_scoped3A_100 = tpu.sem_alloc : memref<!tpu.dma_semaphore, #tpu.memory_space<semaphore_mem>>
      %dma_start3A_101 = tpu.memref_slice %arg2[%run_scoped3A_52, %mul3A_51] : memref<2x320000xi32, #tpu.memory_space<hbm>> -> memref<1x10000xi32, #tpu.memory_space<hbm>>
      %dma_start3A_102 = tpu.memref_squeeze %dma_start3A_101 : memref<1x10000xi32, #tpu.memory_space<hbm>> -> memref<10000xi32, #tpu.memory_space<hbm>>
      %dma_start3A_103 = tpu.memref_slice %arg2[%run_scoped3A_52, %mul3A_51] : memref<2x320000xi32, #tpu.memory_space<hbm>> -> memref<1x10000xi32, #tpu.memory_space<hbm>>
      %dma_start3A_104 = tpu.memref_squeeze %dma_start3A_103 : memref<1x10000xi32, #tpu.memory_space<hbm>> -> memref<10000xi32, #tpu.memory_space<hbm>>
      tpu.enqueue_dma source(%dma_start3A_104 : memref<10000xi32, #tpu.memory_space<hbm>>) target(%arg8 : memref<10000xi32, #tpu.memory_space<vmem>>) target_semaphore(%run_scoped3A_100 : memref<!tpu.dma_semaphore, #tpu.memory_space<semaphore_mem>>)
      %dma_wait3A_105 = tpu.memref_slice %arg2[%run_scoped3A_52, %mul3A_51] : memref<2x320000xi32, #tpu.memory_space<hbm>> -> memref<1x10000xi32, #tpu.memory_space<hbm>>
      %dma_wait3A_106 = tpu.memref_squeeze %dma_wait3A_105 : memref<1x10000xi32, #tpu.memory_space<hbm>> -> memref<10000xi32, #tpu.memory_space<hbm>>
      %dma_wait3A_107 = tpu.memref_slice %arg2[%run_scoped3A_52, %mul3A_51] : memref<2x320000xi32, #tpu.memory_space<hbm>> -> memref<1x10000xi32, #tpu.memory_space<hbm>>
      %dma_wait3A_108 = tpu.memref_squeeze %dma_wait3A_107 : memref<1x10000xi32, #tpu.memory_space<hbm>> -> memref<10000xi32, #tpu.memory_space<hbm>>
      tpu.wait_dma2 semaphore(%run_scoped3A_100 : memref<!tpu.dma_semaphore, #tpu.memory_space<semaphore_mem>>) src(%dma_wait3A_108 : memref<10000xi32, #tpu.memory_space<hbm>>) dst(%arg8 : memref<10000xi32, #tpu.memory_space<vmem>>)
      tpu.yield
    }) : () -> ()
    %barrier3A = arith.constant 0 : index
    tpu.barrier barrier_id(%barrier3A)
    %dma_start3A = arith.constant 0 : i32
    %dma_start3A_53 = tpu.memref_slice %arg7[%dma_start3A] : memref<10000xi32, #tpu.memory_space<vmem>> -> memref<40xi32, #tpu.memory_space<vmem>>
    %dma_start3A_54 = arith.constant 0 : i32
    %dma_start3A_55 = arith.constant 0 : i32
    %dma_start3A_56 = tpu.memref_slice %arg3[%dma_start3A_54, %dma_start3A_55] : memref<10000x128xf32, #tpu.memory_space<hbm>> -> memref<10000x128xf32, #tpu.memory_space<hbm>>
    tpu.enqueue_indirect_dma source(%dma_start3A_56 : memref<10000x128xf32, #tpu.memory_space<hbm>>) target(%arg11 : memref<40x128xf32, #tpu.memory_space<vmem>>) offsets(%dma_start3A_53 : memref<40xi32, #tpu.memory_space<vmem>>) semaphore(%arg20 : memref<!tpu.dma_semaphore, #tpu.memory_space<semaphore_mem>>)
    %dma_start3A_57 = arith.constant 0 : i32
    %dma_start3A_58 = tpu.memref_slice %arg8[%dma_start3A_57] : memref<10000xi32, #tpu.memory_space<vmem>> -> memref<40xi32, #tpu.memory_space<vmem>>
    %dma_start3A_59 = arith.constant 0 : i32
    %dma_start3A_60 = arith.constant 0 : i32
    %dma_start3A_61 = tpu.memref_slice %arg3[%dma_start3A_59, %dma_start3A_60] : memref<10000x128xf32, #tpu.memory_space<hbm>> -> memref<10000x128xf32, #tpu.memory_space<hbm>>
    tpu.enqueue_indirect_dma source(%dma_start3A_61 : memref<10000x128xf32, #tpu.memory_space<hbm>>) target(%arg12 : memref<40x128xf32, #tpu.memory_space<vmem>>) offsets(%dma_start3A_58 : memref<40xi32, #tpu.memory_space<vmem>>) semaphore(%arg20 : memref<!tpu.dma_semaphore, #tpu.memory_space<semaphore_mem>>)
    %dma_start3A_62 = arith.constant 0 : i32
    %dma_start3A_63 = tpu.memref_slice %arg7[%dma_start3A_62] : memref<10000xi32, #tpu.memory_space<vmem>> -> memref<40xi32, #tpu.memory_space<vmem>>
    %dma_start3A_64 = arith.constant 0 : i32
    %dma_start3A_65 = arith.constant 0 : i32
    %dma_start3A_66 = tpu.memref_slice %arg4[%dma_start3A_64, %dma_start3A_65] : memref<10000x128xf32, #tpu.memory_space<hbm>> -> memref<10000x128xf32, #tpu.memory_space<hbm>>
    tpu.enqueue_indirect_dma source(%dma_start3A_66 : memref<10000x128xf32, #tpu.memory_space<hbm>>) target(%arg13 : memref<40x128xf32, #tpu.memory_space<vmem>>) offsets(%dma_start3A_63 : memref<40xi32, #tpu.memory_space<vmem>>) semaphore(%arg20 : memref<!tpu.dma_semaphore, #tpu.memory_space<semaphore_mem>>)
    %dma_start3A_67 = arith.constant 0 : i32
    %dma_start3A_68 = tpu.memref_slice %arg8[%dma_start3A_67] : memref<10000xi32, #tpu.memory_space<vmem>> -> memref<40xi32, #tpu.memory_space<vmem>>
    %dma_start3A_69 = arith.constant 0 : i32
    %dma_start3A_70 = arith.constant 0 : i32
    %dma_start3A_71 = tpu.memref_slice %arg4[%dma_start3A_69, %dma_start3A_70] : memref<10000x128xf32, #tpu.memory_space<hbm>> -> memref<10000x128xf32, #tpu.memory_space<hbm>>
    tpu.enqueue_indirect_dma source(%dma_start3A_71 : memref<10000x128xf32, #tpu.memory_space<hbm>>) target(%arg14 : memref<40x128xf32, #tpu.memory_space<vmem>>) offsets(%dma_start3A_68 : memref<40xi32, #tpu.memory_space<vmem>>) semaphore(%arg20 : memref<!tpu.dma_semaphore, #tpu.memory_space<semaphore_mem>>)
    %add3A_72 = arith.constant 0 : i32
    %add3A_73 = arith.addi %mul3A_51, %add3A_72 : i32
    %dma_start3A_74 = arith.constant 0 : i32
    %dma_start3A_75 = tpu.memref_slice %arg5[%add3A_73, %dma_start3A_74] : memref<320000x64xf32, #tpu.memory_space<hbm>> -> memref<40x64xf32, #tpu.memory_space<hbm>>
    %dma_start3A_76 = arith.constant 0 : i32
    %dma_start3A_77 = tpu.memref_slice %arg5[%add3A_73, %dma_start3A_76] : memref<320000x64xf32, #tpu.memory_space<hbm>> -> memref<40x64xf32, #tpu.memory_space<hbm>>
    tpu.enqueue_dma source(%dma_start3A_77 : memref<40x64xf32, #tpu.memory_space<hbm>>) target(%arg15 : memref<40x64xf32, #tpu.memory_space<vmem>>) target_semaphore(%arg20 : memref<!tpu.dma_semaphore, #tpu.memory_space<semaphore_mem>>)
    %scan3A_78 = arith.constant 0 : i32
    %scan3A_79 = arith.constant 0 : i32
    %scan3A_80 = arith.constant 125 : i32
    %scan3A_81 = arith.addi %scan3A_79, %scan3A_80 : i32
    %scan3A_82 = arith.constant 1 : i32
    scf.for %scan3A_100 = %scan3A_79 to %scan3A_81 step %scan3A_82  : i32 {
      %mul3A_101 = arith.constant 2 : i32
      %mul3A_102 = arith.muli %mul3A_101, %scan3A_100 : i32
      %add3A_103 = arith.constant 1 : i32
      %add3A_104 = arith.addi %mul3A_102, %add3A_103 : i32
      %mul3A_105 = arith.constant 40 : i32
      %mul3A_106 = arith.muli %add3A_104, %mul3A_105 : i32
      %dma_start3A_107 = tpu.memref_slice %arg7[%mul3A_106] : memref<10000xi32, #tpu.memory_space<vmem>> -> memref<40xi32, #tpu.memory_space<vmem>>
      %dma_start3A_108 = arith.constant 0 : i32
      %dma_start3A_109 = arith.constant 0 : i32
      %dma_start3A_110 = tpu.memref_slice %arg3[%dma_start3A_108, %dma_start3A_109] : memref<10000x128xf32, #tpu.memory_space<hbm>> -> memref<10000x128xf32, #tpu.memory_space<hbm>>
      tpu.enqueue_indirect_dma source(%dma_start3A_110 : memref<10000x128xf32, #tpu.memory_space<hbm>>) target(%arg22 : memref<40x128xf32, #tpu.memory_space<vmem>>) offsets(%dma_start3A_107 : memref<40xi32, #tpu.memory_space<vmem>>) semaphore(%arg31 : memref<!tpu.dma_semaphore, #tpu.memory_space<semaphore_mem>>)
      %dma_start3A_111 = tpu.memref_slice %arg8[%mul3A_106] : memref<10000xi32, #tpu.memory_space<vmem>> -> memref<40xi32, #tpu.memory_space<vmem>>
      %dma_start3A_112 = arith.constant 0 : i32
      %dma_start3A_113 = arith.constant 0 : i32
      %dma_start3A_114 = tpu.memref_slice %arg3[%dma_start3A_112, %dma_start3A_113] : memref<10000x128xf32, #tpu.memory_space<hbm>> -> memref<10000x128xf32, #tpu.memory_space<hbm>>
      tpu.enqueue_indirect_dma source(%dma_start3A_114 : memref<10000x128xf32, #tpu.memory_space<hbm>>) target(%arg23 : memref<40x128xf32, #tpu.memory_space<vmem>>) offsets(%dma_start3A_111 : memref<40xi32, #tpu.memory_space<vmem>>) semaphore(%arg31 : memref<!tpu.dma_semaphore, #tpu.memory_space<semaphore_mem>>)
      %dma_start3A_115 = tpu.memref_slice %arg7[%mul3A_106] : memref<10000xi32, #tpu.memory_space<vmem>> -> memref<40xi32, #tpu.memory_space<vmem>>
      %dma_start3A_116 = arith.constant 0 : i32
      %dma_start3A_117 = arith.constant 0 : i32
      %dma_start3A_118 = tpu.memref_slice %arg4[%dma_start3A_116, %dma_start3A_117] : memref<10000x128xf32, #tpu.memory_space<hbm>> -> memref<10000x128xf32, #tpu.memory_space<hbm>>
      tpu.enqueue_indirect_dma source(%dma_start3A_118 : memref<10000x128xf32, #tpu.memory_space<hbm>>) target(%arg24 : memref<40x128xf32, #tpu.memory_space<vmem>>) offsets(%dma_start3A_115 : memref<40xi32, #tpu.memory_space<vmem>>) semaphore(%arg31 : memref<!tpu.dma_semaphore, #tpu.memory_space<semaphore_mem>>)
      %dma_start3A_119 = tpu.memref_slice %arg8[%mul3A_106] : memref<10000xi32, #tpu.memory_space<vmem>> -> memref<40xi32, #tpu.memory_space<vmem>>
      %dma_start3A_120 = arith.constant 0 : i32
      %dma_start3A_121 = arith.constant 0 : i32
      %dma_start3A_122 = tpu.memref_slice %arg4[%dma_start3A_120, %dma_start3A_121] : memref<10000x128xf32, #tpu.memory_space<hbm>> -> memref<10000x128xf32, #tpu.memory_space<hbm>>
      tpu.enqueue_indirect_dma source(%dma_start3A_122 : memref<10000x128xf32, #tpu.memory_space<hbm>>) target(%arg25 : memref<40x128xf32, #tpu.memory_space<vmem>>) offsets(%dma_start3A_119 : memref<40xi32, #tpu.memory_space<vmem>>) semaphore(%arg31 : memref<!tpu.dma_semaphore, #tpu.memory_space<semaphore_mem>>)
      %add3A_123 = arith.addi %mul3A_51, %mul3A_106 : i32
      %dma_start3A_124 = arith.constant 0 : i32
      %dma_start3A_125 = tpu.memref_slice %arg5[%add3A_123, %dma_start3A_124] : memref<320000x64xf32, #tpu.memory_space<hbm>> -> memref<40x64xf32, #tpu.memory_space<hbm>>
      %dma_start3A_126 = arith.constant 0 : i32
      %dma_start3A_127 = tpu.memref_slice %arg5[%add3A_123, %dma_start3A_126] : memref<320000x64xf32, #tpu.memory_space<hbm>> -> memref<40x64xf32, #tpu.memory_space<hbm>>
      tpu.enqueue_dma source(%dma_start3A_127 : memref<40x64xf32, #tpu.memory_space<hbm>>) target(%arg26 : memref<40x64xf32, #tpu.memory_space<vmem>>) target_semaphore(%arg31 : memref<!tpu.dma_semaphore, #tpu.memory_space<semaphore_mem>>)
      %mul3A_128 = arith.constant 2 : i32
      %mul3A_129 = arith.muli %mul3A_128, %scan3A_100 : i32
      %mul3A_130 = arith.constant 40 : i32
      %mul3A_131 = arith.muli %mul3A_129, %mul3A_130 : i32
      %dma_wait3A_132 = tpu.memref_slice %arg7[%mul3A_131] : memref<10000xi32, #tpu.memory_space<vmem>> -> memref<40xi32, #tpu.memory_space<vmem>>
      %dma_wait3A_133 = arith.constant 0 : i32
      %dma_wait3A_134 = arith.constant 0 : i32
      %dma_wait3A_135 = tpu.memref_slice %arg3[%dma_wait3A_133, %dma_wait3A_134] : memref<10000x128xf32, #tpu.memory_space<hbm>> -> memref<10000x128xf32, #tpu.memory_space<hbm>>
      tpu.wait_indirect_dma semaphore(%arg20 : memref<!tpu.dma_semaphore, #tpu.memory_space<semaphore_mem>>) src(%dma_wait3A_135 : memref<10000x128xf32, #tpu.memory_space<hbm>>) dst(%arg11 : memref<40x128xf32, #tpu.memory_space<vmem>>)
      %dma_wait3A_136 = tpu.memref_slice %arg7[%mul3A_131] : memref<10000xi32, #tpu.memory_space<vmem>> -> memref<40xi32, #tpu.memory_space<vmem>>
      %dma_wait3A_137 = arith.constant 0 : i32
      %dma_wait3A_138 = arith.constant 0 : i32
      %dma_wait3A_139 = tpu.memref_slice %arg3[%dma_wait3A_137, %dma_wait3A_138] : memref<10000x128xf32, #tpu.memory_space<hbm>> -> memref<10000x128xf32, #tpu.memory_space<hbm>>
      tpu.wait_indirect_dma semaphore(%arg20 : memref<!tpu.dma_semaphore, #tpu.memory_space<semaphore_mem>>) src(%dma_wait3A_139 : memref<10000x128xf32, #tpu.memory_space<hbm>>) dst(%arg12 : memref<40x128xf32, #tpu.memory_space<vmem>>)
      %dma_wait3A_140 = tpu.memref_slice %arg7[%mul3A_131] : memref<10000xi32, #tpu.memory_space<vmem>> -> memref<40xi32, #tpu.memory_space<vmem>>
      %dma_wait3A_141 = arith.constant 0 : i32
      %dma_wait3A_142 = arith.constant 0 : i32
      %dma_wait3A_143 = tpu.memref_slice %arg4[%dma_wait3A_141, %dma_wait3A_142] : memref<10000x128xf32, #tpu.memory_space<hbm>> -> memref<10000x128xf32, #tpu.memory_space<hbm>>
      tpu.wait_indirect_dma semaphore(%arg20 : memref<!tpu.dma_semaphore, #tpu.memory_space<semaphore_mem>>) src(%dma_wait3A_143 : memref<10000x128xf32, #tpu.memory_space<hbm>>) dst(%arg13 : memref<40x128xf32, #tpu.memory_space<vmem>>)
      %dma_wait3A_144 = tpu.memref_slice %arg7[%mul3A_131] : memref<10000xi32, #tpu.memory_space<vmem>> -> memref<40xi32, #tpu.memory_space<vmem>>
      %dma_wait3A_145 = arith.constant 0 : i32
      %dma_wait3A_146 = arith.constant 0 : i32
      %dma_wait3A_147 = tpu.memref_slice %arg4[%dma_wait3A_145, %dma_wait3A_146] : memref<10000x128xf32, #tpu.memory_space<hbm>> -> memref<10000x128xf32, #tpu.memory_space<hbm>>
      tpu.wait_indirect_dma semaphore(%arg20 : memref<!tpu.dma_semaphore, #tpu.memory_space<semaphore_mem>>) src(%dma_wait3A_147 : memref<10000x128xf32, #tpu.memory_space<hbm>>) dst(%arg14 : memref<40x128xf32, #tpu.memory_space<vmem>>)
      %add3A_148 = arith.addi %mul3A_51, %mul3A_131 : i32
      %dma_wait3A_149 = arith.constant 0 : i32
      %dma_wait3A_150 = tpu.memref_slice %arg5[%add3A_148, %dma_wait3A_149] : memref<320000x64xf32, #tpu.memory_space<hbm>> -> memref<40x64xf32, #tpu.memory_space<hbm>>
      %dma_wait3A_151 = arith.constant 0 : i32
      %dma_wait3A_152 = tpu.memref_slice %arg5[%add3A_148, %dma_wait3A_151] : memref<320000x64xf32, #tpu.memory_space<hbm>> -> memref<40x64xf32, #tpu.memory_space<hbm>>
      tpu.wait_dma2 semaphore(%arg20 : memref<!tpu.dma_semaphore, #tpu.memory_space<semaphore_mem>>) src(%dma_wait3A_152 : memref<40x64xf32, #tpu.memory_space<hbm>>) dst(%arg15 : memref<40x64xf32, #tpu.memory_space<vmem>>)
      %gt3A = arith.constant 0 : i32
      %gt3A_153 = arith.cmpi sgt, %scan3A_100, %gt3A : i32
      %convert_element_type3A = arith.extui %gt3A_153 : i1 to i32
      %cond3A = arith.constant 0 : i32
      %cond3A_154 = arith.cmpi ne, %convert_element_type3A, %cond3A : i32
      scf.if %cond3A_154 {
        %dma_wait3A_324 = arith.constant 0 : i32
        %dma_wait3A_325 = arith.constant 0 : i32
        %dma_wait3A_326 = tpu.memref_slice %arg10[%dma_wait3A_324, %dma_wait3A_325] : memref<10240x64xf32, #tpu.memory_space<vmem_shared>> -> memref<10240x64xf32, #tpu.memory_space<vmem_shared>>
        tpu.wait_indirect_dma semaphore(%arg21 : memref<!tpu.dma_semaphore, #tpu.memory_space<semaphore_mem>>) src(%arg16 : memref<40x64xf32, #tpu.memory_space<vmem>>) dst(%dma_wait3A_326 : memref<10240x64xf32, #tpu.memory_space<vmem_shared>>)
        %dma_wait3A_327 = arith.constant 0 : i32
        %dma_wait3A_328 = arith.constant 0 : i32
        %dma_wait3A_329 = tpu.memref_slice %arg10[%dma_wait3A_327, %dma_wait3A_328] : memref<10240x64xf32, #tpu.memory_space<vmem_shared>> -> memref<10240x64xf32, #tpu.memory_space<vmem_shared>>
        tpu.wait_indirect_dma semaphore(%arg21 : memref<!tpu.dma_semaphore, #tpu.memory_space<semaphore_mem>>) src(%arg17 : memref<40x64xf32, #tpu.memory_space<vmem>>) dst(%dma_wait3A_329 : memref<10240x64xf32, #tpu.memory_space<vmem_shared>>)
      } else {
      }
      %mul3A_155 = arith.constant 2 : i32
      %mul3A_156 = arith.muli %mul3A_155, %scan3A_100 : i32
      %mul3A_157 = arith.constant 40 : i32
      %mul3A_158 = arith.muli %mul3A_156, %mul3A_157 : i32
      %add3A_159 = arith.constant 0 : i32
      %add3A_160 = arith.addi %mul3A_158, %add3A_159 : i32
      %get3A = arith.index_cast %add3A_160 : i32 to index
      %get3A_161 = tpu.vector_load %arg7[%get3A] {strides = array<i32>} : memref<10000xi32, #tpu.memory_space<vmem>>, vector<16xi32>,
      %get3A_162 = vector.shape_cast %get3A_161 : vector<16xi32> to vector<16xi32>
      %swap3A = arith.constant 0 : index
      %swap3A_163 = tpu.vector_load %arg18[%swap3A] {strides = array<i32>} : memref<40xi32, #tpu.memory_space<vmem>>, vector<16xi32>,
      %swap3A_164 = vector.shape_cast %swap3A_163 : vector<16xi32> to vector<16xi32>
      %swap3A_165 = vector.shape_cast %get3A_162 : vector<16xi32> to vector<16xi32>
      tpu.vector_store %arg18[%swap3A], %swap3A_165 {strides = array<i32>} : memref<40xi32, #tpu.memory_space<vmem>>, vector<16xi32>,
      %add3A_166 = arith.constant 0 : i32
      %add3A_167 = arith.addi %mul3A_158, %add3A_166 : i32
      %get3A_168 = arith.index_cast %add3A_167 : i32 to index
      %get3A_169 = tpu.vector_load %arg8[%get3A_168] {strides = array<i32>} : memref<10000xi32, #tpu.memory_space<vmem>>, vector<16xi32>,
      %get3A_170 = vector.shape_cast %get3A_169 : vector<16xi32> to vector<16xi32>
      %swap3A_171 = arith.constant 0 : index
      %swap3A_172 = tpu.vector_load %arg19[%swap3A_171] {strides = array<i32>} : memref<40xi32, #tpu.memory_space<vmem>>, vector<16xi32>,
      %swap3A_173 = vector.shape_cast %swap3A_172 : vector<16xi32> to vector<16xi32>
      %swap3A_174 = vector.shape_cast %get3A_170 : vector<16xi32> to vector<16xi32>
      tpu.vector_store %arg19[%swap3A_171], %swap3A_174 {strides = array<i32>} : memref<40xi32, #tpu.memory_space<vmem>>, vector<16xi32>,
      %add3A_175 = arith.constant 16 : i32
      %add3A_176 = arith.addi %mul3A_158, %add3A_175 : i32
      %get3A_177 = arith.index_cast %add3A_176 : i32 to index
      %get3A_178 = tpu.vector_load %arg7[%get3A_177] {strides = array<i32>} : memref<10000xi32, #tpu.memory_space<vmem>>, vector<16xi32>,
      %get3A_179 = vector.shape_cast %get3A_178 : vector<16xi32> to vector<16xi32>
      %swap3A_180 = arith.constant 16 : index
      %swap3A_181 = tpu.vector_load %arg18[%swap3A_180] {strides = array<i32>} : memref<40xi32, #tpu.memory_space<vmem>>, vector<16xi32>,
      %swap3A_182 = vector.shape_cast %swap3A_181 : vector<16xi32> to vector<16xi32>
      %swap3A_183 = vector.shape_cast %get3A_179 : vector<16xi32> to vector<16xi32>
      tpu.vector_store %arg18[%swap3A_180], %swap3A_183 {strides = array<i32>} : memref<40xi32, #tpu.memory_space<vmem>>, vector<16xi32>,
      %add3A_184 = arith.constant 16 : i32
      %add3A_185 = arith.addi %mul3A_158, %add3A_184 : i32
      %get3A_186 = arith.index_cast %add3A_185 : i32 to index
      %get3A_187 = tpu.vector_load %arg8[%get3A_186] {strides = array<i32>} : memref<10000xi32, #tpu.memory_space<vmem>>, vector<16xi32>,
      %get3A_188 = vector.shape_cast %get3A_187 : vector<16xi32> to vector<16xi32>
      %swap3A_189 = arith.constant 16 : index
      %swap3A_190 = tpu.vector_load %arg19[%swap3A_189] {strides = array<i32>} : memref<40xi32, #tpu.memory_space<vmem>>, vector<16xi32>,
      %swap3A_191 = vector.shape_cast %swap3A_190 : vector<16xi32> to vector<16xi32>
      %swap3A_192 = vector.shape_cast %get3A_188 : vector<16xi32> to vector<16xi32>
      tpu.vector_store %arg19[%swap3A_189], %swap3A_192 {strides = array<i32>} : memref<40xi32, #tpu.memory_space<vmem>>, vector<16xi32>,
      %add3A_193 = arith.constant 24 : i32
      %add3A_194 = arith.addi %mul3A_158, %add3A_193 : i32
      %get3A_195 = arith.index_cast %add3A_194 : i32 to index
      %get3A_196 = tpu.vector_load %arg7[%get3A_195] {strides = array<i32>} : memref<10000xi32, #tpu.memory_space<vmem>>, vector<16xi32>,
      %get3A_197 = vector.shape_cast %get3A_196 : vector<16xi32> to vector<16xi32>
      %swap3A_198 = arith.constant 24 : index
      %swap3A_199 = tpu.vector_load %arg18[%swap3A_198] {strides = array<i32>} : memref<40xi32, #tpu.memory_space<vmem>>, vector<16xi32>,
      %swap3A_200 = vector.shape_cast %swap3A_199 : vector<16xi32> to vector<16xi32>
      %swap3A_201 = vector.shape_cast %get3A_197 : vector<16xi32> to vector<16xi32>
      tpu.vector_store %arg18[%swap3A_198], %swap3A_201 {strides = array<i32>} : memref<40xi32, #tpu.memory_space<vmem>>, vector<16xi32>,
      %add3A_202 = arith.constant 24 : i32
      %add3A_203 = arith.addi %mul3A_158, %add3A_202 : i32
      %get3A_204 = arith.index_cast %add3A_203 : i32 to index
      %get3A_205 = tpu.vector_load %arg8[%get3A_204] {strides = array<i32>} : memref<10000xi32, #tpu.memory_space<vmem>>, vector<16xi32>,
      %get3A_206 = vector.shape_cast %get3A_205 : vector<16xi32> to vector<16xi32>
      %swap3A_207 = arith.constant 24 : index
      %swap3A_208 = tpu.vector_load %arg19[%swap3A_207] {strides = array<i32>} : memref<40xi32, #tpu.memory_space<vmem>>, vector<16xi32>,
      %swap3A_209 = vector.shape_cast %swap3A_208 : vector<16xi32> to vector<16xi32>
      %swap3A_210 = vector.shape_cast %get3A_206 : vector<16xi32> to vector<16xi32>
      tpu.vector_store %arg19[%swap3A_207], %swap3A_210 {strides = array<i32>} : memref<40xi32, #tpu.memory_space<vmem>>, vector<16xi32>,
      %parallel_loop3A = arith.constant 0 : i32
      %parallel_loop3A_211 = arith.constant 40 : i32
      %parallel_loop3A_212 = arith.constant 1 : i32
      scf.for %parallel_loop3A_324 = %parallel_loop3A to %parallel_loop3A_211 step %parallel_loop3A_212  : i32 {
        %parallel_loop3A_325 = arith.constant 0.000000e+00 : f32
        %parallel_loop3A_326 = vector.broadcast %parallel_loop3A_325 : f32 to vector<16xf32>
        %parallel_loop3A_327 = arith.constant 0.000000e+00 : f32
        %parallel_loop3A_328 = vector.broadcast %parallel_loop3A_327 : f32 to vector<16xf32>
        %parallel_loop3A_329 = arith.constant 0.000000e+00 : f32
        %parallel_loop3A_330 = vector.broadcast %parallel_loop3A_329 : f32 to vector<16xf32>
        %parallel_loop3A_331 = arith.index_cast %parallel_loop3A_324 : i32 to index
        %parallel_loop3A_332 = arith.constant 0 : index
        %parallel_loop3A_333 = tpu.vector_load %arg11[%parallel_loop3A_331, %parallel_loop3A_332] {strides = array<i32>} : memref<40x128xf32, #tpu.memory_space<vmem>>, vector<1x16xf32>,
        %parallel_loop3A_334 = vector.shape_cast %parallel_loop3A_333 : vector<1x16xf32> to vector<16xf32>
        %parallel_loop3A_335 = arith.index_cast %parallel_loop3A_324 : i32 to index
        %parallel_loop3A_336 = arith.constant 0 : index
        %parallel_loop3A_337 = tpu.vector_load %arg12[%parallel_loop3A_335, %parallel_loop3A_336] {strides = array<i32>} : memref<40x128xf32, #tpu.memory_space<vmem>>, vector<1x16xf32>,
        %parallel_loop3A_338 = vector.shape_cast %parallel_loop3A_337 : vector<1x16xf32> to vector<16xf32>
        %parallel_loop3A_339 = arith.subf %parallel_loop3A_338, %parallel_loop3A_334 : vector<16xf32>
        %parallel_loop3A_340 = arith.mulf %parallel_loop3A_339, %parallel_loop3A_339 : vector<16xf32>
        %parallel_loop3A_341 = arith.addf %parallel_loop3A_326, %parallel_loop3A_340 : vector<16xf32>
        %parallel_loop3A_342 = arith.index_cast %parallel_loop3A_324 : i32 to index
        %parallel_loop3A_343 = arith.constant 0 : index
        %parallel_loop3A_344 = tpu.vector_load %arg13[%parallel_loop3A_342, %parallel_loop3A_343] {strides = array<i32>} : memref<40x128xf32, #tpu.memory_space<vmem>>, vector<1x16xf32>,
        %parallel_loop3A_345 = vector.shape_cast %parallel_loop3A_344 : vector<1x16xf32> to vector<16xf32>
        %parallel_loop3A_346 = arith.mulf %parallel_loop3A_345, %parallel_loop3A_339 : vector<16xf32>
        %parallel_loop3A_347 = arith.addf %parallel_loop3A_328, %parallel_loop3A_346 : vector<16xf32>
        %parallel_loop3A_348 = arith.index_cast %parallel_loop3A_324 : i32 to index
        %parallel_loop3A_349 = arith.constant 0 : index
        %parallel_loop3A_350 = tpu.vector_load %arg14[%parallel_loop3A_348, %parallel_loop3A_349] {strides = array<i32>} : memref<40x128xf32, #tpu.memory_space<vmem>>, vector<1x16xf32>,
        %parallel_loop3A_351 = vector.shape_cast %parallel_loop3A_350 : vector<1x16xf32> to vector<16xf32>
        %parallel_loop3A_352 = arith.mulf %parallel_loop3A_351, %parallel_loop3A_339 : vector<16xf32>
        %parallel_loop3A_353 = arith.addf %parallel_loop3A_330, %parallel_loop3A_352 : vector<16xf32>
        %parallel_loop3A_354 = arith.index_cast %parallel_loop3A_324 : i32 to index
        %parallel_loop3A_355 = arith.constant 16 : index
        %parallel_loop3A_356 = tpu.vector_load %arg11[%parallel_loop3A_354, %parallel_loop3A_355] {strides = array<i32>} : memref<40x128xf32, #tpu.memory_space<vmem>>, vector<1x16xf32>,
        %parallel_loop3A_357 = vector.shape_cast %parallel_loop3A_356 : vector<1x16xf32> to vector<16xf32>
        %parallel_loop3A_358 = arith.index_cast %parallel_loop3A_324 : i32 to index
        %parallel_loop3A_359 = arith.constant 16 : index
        %parallel_loop3A_360 = tpu.vector_load %arg12[%parallel_loop3A_358, %parallel_loop3A_359] {strides = array<i32>} : memref<40x128xf32, #tpu.memory_space<vmem>>, vector<1x16xf32>,
        %parallel_loop3A_361 = vector.shape_cast %parallel_loop3A_360 : vector<1x16xf32> to vector<16xf32>
        %parallel_loop3A_362 = arith.subf %parallel_loop3A_361, %parallel_loop3A_357 : vector<16xf32>
        %parallel_loop3A_363 = arith.mulf %parallel_loop3A_362, %parallel_loop3A_362 : vector<16xf32>
        %parallel_loop3A_364 = arith.addf %parallel_loop3A_341, %parallel_loop3A_363 : vector<16xf32>
        %parallel_loop3A_365 = arith.index_cast %parallel_loop3A_324 : i32 to index
        %parallel_loop3A_366 = arith.constant 16 : index
        %parallel_loop3A_367 = tpu.vector_load %arg13[%parallel_loop3A_365, %parallel_loop3A_366] {strides = array<i32>} : memref<40x128xf32, #tpu.memory_space<vmem>>, vector<1x16xf32>,
        %parallel_loop3A_368 = vector.shape_cast %parallel_loop3A_367 : vector<1x16xf32> to vector<16xf32>
        %parallel_loop3A_369 = arith.mulf %parallel_loop3A_368, %parallel_loop3A_362 : vector<16xf32>
        %parallel_loop3A_370 = arith.addf %parallel_loop3A_347, %parallel_loop3A_369 : vector<16xf32>
        %parallel_loop3A_371 = arith.index_cast %parallel_loop3A_324 : i32 to index
        %parallel_loop3A_372 = arith.constant 16 : index
        %parallel_loop3A_373 = tpu.vector_load %arg14[%parallel_loop3A_371, %parallel_loop3A_372] {strides = array<i32>} : memref<40x128xf32, #tpu.memory_space<vmem>>, vector<1x16xf32>,
        %parallel_loop3A_374 = vector.shape_cast %parallel_loop3A_373 : vector<1x16xf32> to vector<16xf32>
        %parallel_loop3A_375 = arith.mulf %parallel_loop3A_374, %parallel_loop3A_362 : vector<16xf32>
        %parallel_loop3A_376 = arith.addf %parallel_loop3A_353, %parallel_loop3A_375 : vector<16xf32>
        %parallel_loop3A_377 = arith.index_cast %parallel_loop3A_324 : i32 to index
        %parallel_loop3A_378 = arith.constant 32 : index
        %parallel_loop3A_379 = tpu.vector_load %arg11[%parallel_loop3A_377, %parallel_loop3A_378] {strides = array<i32>} : memref<40x128xf32, #tpu.memory_space<vmem>>, vector<1x16xf32>,
        %parallel_loop3A_380 = vector.shape_cast %parallel_loop3A_379 : vector<1x16xf32> to vector<16xf32>
        %parallel_loop3A_381 = arith.index_cast %parallel_loop3A_324 : i32 to index
        %parallel_loop3A_382 = arith.constant 32 : index
        %parallel_loop3A_383 = tpu.vector_load %arg12[%parallel_loop3A_381, %parallel_loop3A_382] {strides = array<i32>} : memref<40x128xf32, #tpu.memory_space<vmem>>, vector<1x16xf32>,
        %parallel_loop3A_384 = vector.shape_cast %parallel_loop3A_383 : vector<1x16xf32> to vector<16xf32>
        %parallel_loop3A_385 = arith.subf %parallel_loop3A_384, %parallel_loop3A_380 : vector<16xf32>
        %parallel_loop3A_386 = arith.mulf %parallel_loop3A_385, %parallel_loop3A_385 : vector<16xf32>
        %parallel_loop3A_387 = arith.addf %parallel_loop3A_364, %parallel_loop3A_386 : vector<16xf32>
        %parallel_loop3A_388 = arith.index_cast %parallel_loop3A_324 : i32 to index
        %parallel_loop3A_389 = arith.constant 32 : index
        %parallel_loop3A_390 = tpu.vector_load %arg13[%parallel_loop3A_388, %parallel_loop3A_389] {strides = array<i32>} : memref<40x128xf32, #tpu.memory_space<vmem>>, vector<1x16xf32>,
        %parallel_loop3A_391 = vector.shape_cast %parallel_loop3A_390 : vector<1x16xf32> to vector<16xf32>
        %parallel_loop3A_392 = arith.mulf %parallel_loop3A_391, %parallel_loop3A_385 : vector<16xf32>
        %parallel_loop3A_393 = arith.addf %parallel_loop3A_370, %parallel_loop3A_392 : vector<16xf32>
        %parallel_loop3A_394 = arith.index_cast %parallel_loop3A_324 : i32 to index
        %parallel_loop3A_395 = arith.constant 32 : index
        %parallel_loop3A_396 = tpu.vector_load %arg14[%parallel_loop3A_394, %parallel_loop3A_395] {strides = array<i32>} : memref<40x128xf32, #tpu.memory_space<vmem>>, vector<1x16xf32>,
        %parallel_loop3A_397 = vector.shape_cast %parallel_loop3A_396 : vector<1x16xf32> to vector<16xf32>
        %parallel_loop3A_398 = arith.mulf %parallel_loop3A_397, %parallel_loop3A_385 : vector<16xf32>
        %parallel_loop3A_399 = arith.addf %parallel_loop3A_376, %parallel_loop3A_398 : vector<16xf32>
        %parallel_loop3A_400 = arith.index_cast %parallel_loop3A_324 : i32 to index
        %parallel_loop3A_401 = arith.constant 48 : index
        %parallel_loop3A_402 = tpu.vector_load %arg11[%parallel_loop3A_400, %parallel_loop3A_401] {strides = array<i32>} : memref<40x128xf32, #tpu.memory_space<vmem>>, vector<1x16xf32>,
        %parallel_loop3A_403 = vector.shape_cast %parallel_loop3A_402 : vector<1x16xf32> to vector<16xf32>
        %parallel_loop3A_404 = arith.index_cast %parallel_loop3A_324 : i32 to index
        %parallel_loop3A_405 = arith.constant 48 : index
        %parallel_loop3A_406 = tpu.vector_load %arg12[%parallel_loop3A_404, %parallel_loop3A_405] {strides = array<i32>} : memref<40x128xf32, #tpu.memory_space<vmem>>, vector<1x16xf32>,
        %parallel_loop3A_407 = vector.shape_cast %parallel_loop3A_406 : vector<1x16xf32> to vector<16xf32>
        %parallel_loop3A_408 = arith.subf %parallel_loop3A_407, %parallel_loop3A_403 : vector<16xf32>
        %parallel_loop3A_409 = arith.mulf %parallel_loop3A_408, %parallel_loop3A_408 : vector<16xf32>
        %parallel_loop3A_410 = arith.addf %parallel_loop3A_387, %parallel_loop3A_409 : vector<16xf32>
        %parallel_loop3A_411 = arith.index_cast %parallel_loop3A_324 : i32 to index
        %parallel_loop3A_412 = arith.constant 48 : index
        %parallel_loop3A_413 = tpu.vector_load %arg13[%parallel_loop3A_411, %parallel_loop3A_412] {strides = array<i32>} : memref<40x128xf32, #tpu.memory_space<vmem>>, vector<1x16xf32>,
        %parallel_loop3A_414 = vector.shape_cast %parallel_loop3A_413 : vector<1x16xf32> to vector<16xf32>
        %parallel_loop3A_415 = arith.mulf %parallel_loop3A_414, %parallel_loop3A_408 : vector<16xf32>
        %parallel_loop3A_416 = arith.addf %parallel_loop3A_393, %parallel_loop3A_415 : vector<16xf32>
        %parallel_loop3A_417 = arith.index_cast %parallel_loop3A_324 : i32 to index
        %parallel_loop3A_418 = arith.constant 48 : index
        %parallel_loop3A_419 = tpu.vector_load %arg14[%parallel_loop3A_417, %parallel_loop3A_418] {strides = array<i32>} : memref<40x128xf32, #tpu.memory_space<vmem>>, vector<1x16xf32>,
        %parallel_loop3A_420 = vector.shape_cast %parallel_loop3A_419 : vector<1x16xf32> to vector<16xf32>
        %parallel_loop3A_421 = arith.mulf %parallel_loop3A_420, %parallel_loop3A_408 : vector<16xf32>
        %parallel_loop3A_422 = arith.addf %parallel_loop3A_399, %parallel_loop3A_421 : vector<16xf32>
        %parallel_loop3A_423 = arith.index_cast %parallel_loop3A_324 : i32 to index
        %parallel_loop3A_424 = arith.constant 64 : index
        %parallel_loop3A_425 = tpu.vector_load %arg11[%parallel_loop3A_423, %parallel_loop3A_424] {strides = array<i32>} : memref<40x128xf32, #tpu.memory_space<vmem>>, vector<1x16xf32>,
        %parallel_loop3A_426 = vector.shape_cast %parallel_loop3A_425 : vector<1x16xf32> to vector<16xf32>
        %parallel_loop3A_427 = arith.index_cast %parallel_loop3A_324 : i32 to index
        %parallel_loop3A_428 = arith.constant 64 : index
        %parallel_loop3A_429 = tpu.vector_load %arg12[%parallel_loop3A_427, %parallel_loop3A_428] {strides = array<i32>} : memref<40x128xf32, #tpu.memory_space<vmem>>, vector<1x16xf32>,
        %parallel_loop3A_430 = vector.shape_cast %parallel_loop3A_429 : vector<1x16xf32> to vector<16xf32>
        %parallel_loop3A_431 = arith.subf %parallel_loop3A_430, %parallel_loop3A_426 : vector<16xf32>
        %parallel_loop3A_432 = arith.mulf %parallel_loop3A_431, %parallel_loop3A_431 : vector<16xf32>
        %parallel_loop3A_433 = arith.addf %parallel_loop3A_410, %parallel_loop3A_432 : vector<16xf32>
        %parallel_loop3A_434 = arith.index_cast %parallel_loop3A_324 : i32 to index
        %parallel_loop3A_435 = arith.constant 64 : index
        %parallel_loop3A_436 = tpu.vector_load %arg13[%parallel_loop3A_434, %parallel_loop3A_435] {strides = array<i32>} : memref<40x128xf32, #tpu.memory_space<vmem>>, vector<1x16xf32>,
        %parallel_loop3A_437 = vector.shape_cast %parallel_loop3A_436 : vector<1x16xf32> to vector<16xf32>
        %parallel_loop3A_438 = arith.mulf %parallel_loop3A_437, %parallel_loop3A_431 : vector<16xf32>
        %parallel_loop3A_439 = arith.addf %parallel_loop3A_416, %parallel_loop3A_438 : vector<16xf32>
        %parallel_loop3A_440 = arith.index_cast %parallel_loop3A_324 : i32 to index
        %parallel_loop3A_441 = arith.constant 64 : index
        %parallel_loop3A_442 = tpu.vector_load %arg14[%parallel_loop3A_440, %parallel_loop3A_441] {strides = array<i32>} : memref<40x128xf32, #tpu.memory_space<vmem>>, vector<1x16xf32>,
        %parallel_loop3A_443 = vector.shape_cast %parallel_loop3A_442 : vector<1x16xf32> to vector<16xf32>
        %parallel_loop3A_444 = arith.mulf %parallel_loop3A_443, %parallel_loop3A_431 : vector<16xf32>
        %parallel_loop3A_445 = arith.addf %parallel_loop3A_422, %parallel_loop3A_444 : vector<16xf32>
        %parallel_loop3A_446 = arith.index_cast %parallel_loop3A_324 : i32 to index
        %parallel_loop3A_447 = arith.constant 80 : index
        %parallel_loop3A_448 = tpu.vector_load %arg11[%parallel_loop3A_446, %parallel_loop3A_447] {strides = array<i32>} : memref<40x128xf32, #tpu.memory_space<vmem>>, vector<1x16xf32>,
        %parallel_loop3A_449 = vector.shape_cast %parallel_loop3A_448 : vector<1x16xf32> to vector<16xf32>
        %parallel_loop3A_450 = arith.index_cast %parallel_loop3A_324 : i32 to index
        %parallel_loop3A_451 = arith.constant 80 : index
        %parallel_loop3A_452 = tpu.vector_load %arg12[%parallel_loop3A_450, %parallel_loop3A_451] {strides = array<i32>} : memref<40x128xf32, #tpu.memory_space<vmem>>, vector<1x16xf32>,
        %parallel_loop3A_453 = vector.shape_cast %parallel_loop3A_452 : vector<1x16xf32> to vector<16xf32>
        %parallel_loop3A_454 = arith.subf %parallel_loop3A_453, %parallel_loop3A_449 : vector<16xf32>
        %parallel_loop3A_455 = arith.mulf %parallel_loop3A_454, %parallel_loop3A_454 : vector<16xf32>
        %parallel_loop3A_456 = arith.addf %parallel_loop3A_433, %parallel_loop3A_455 : vector<16xf32>
        %parallel_loop3A_457 = arith.index_cast %parallel_loop3A_324 : i32 to index
        %parallel_loop3A_458 = arith.constant 80 : index
        %parallel_loop3A_459 = tpu.vector_load %arg13[%parallel_loop3A_457, %parallel_loop3A_458] {strides = array<i32>} : memref<40x128xf32, #tpu.memory_space<vmem>>, vector<1x16xf32>,
        %parallel_loop3A_460 = vector.shape_cast %parallel_loop3A_459 : vector<1x16xf32> to vector<16xf32>
        %parallel_loop3A_461 = arith.mulf %parallel_loop3A_460, %parallel_loop3A_454 : vector<16xf32>
        %parallel_loop3A_462 = arith.addf %parallel_loop3A_439, %parallel_loop3A_461 : vector<16xf32>
        %parallel_loop3A_463 = arith.index_cast %parallel_loop3A_324 : i32 to index
        %parallel_loop3A_464 = arith.constant 80 : index
        %parallel_loop3A_465 = tpu.vector_load %arg14[%parallel_loop3A_463, %parallel_loop3A_464] {strides = array<i32>} : memref<40x128xf32, #tpu.memory_space<vmem>>, vector<1x16xf32>,
        %parallel_loop3A_466 = vector.shape_cast %parallel_loop3A_465 : vector<1x16xf32> to vector<16xf32>
        %parallel_loop3A_467 = arith.mulf %parallel_loop3A_466, %parallel_loop3A_454 : vector<16xf32>
        %parallel_loop3A_468 = arith.addf %parallel_loop3A_445, %parallel_loop3A_467 : vector<16xf32>
        %parallel_loop3A_469 = arith.index_cast %parallel_loop3A_324 : i32 to index
        %parallel_loop3A_470 = arith.constant 96 : index
        %parallel_loop3A_471 = tpu.vector_load %arg11[%parallel_loop3A_469, %parallel_loop3A_470] {strides = array<i32>} : memref<40x128xf32, #tpu.memory_space<vmem>>, vector<1x16xf32>,
        %parallel_loop3A_472 = vector.shape_cast %parallel_loop3A_471 : vector<1x16xf32> to vector<16xf32>
        %parallel_loop3A_473 = arith.index_cast %parallel_loop3A_324 : i32 to index
        %parallel_loop3A_474 = arith.constant 96 : index
        %parallel_loop3A_475 = tpu.vector_load %arg12[%parallel_loop3A_473, %parallel_loop3A_474] {strides = array<i32>} : memref<40x128xf32, #tpu.memory_space<vmem>>, vector<1x16xf32>,
        %parallel_loop3A_476 = vector.shape_cast %parallel_loop3A_475 : vector<1x16xf32> to vector<16xf32>
        %parallel_loop3A_477 = arith.subf %parallel_loop3A_476, %parallel_loop3A_472 : vector<16xf32>
        %parallel_loop3A_478 = arith.mulf %parallel_loop3A_477, %parallel_loop3A_477 : vector<16xf32>
        %parallel_loop3A_479 = arith.addf %parallel_loop3A_456, %parallel_loop3A_478 : vector<16xf32>
        %parallel_loop3A_480 = arith.index_cast %parallel_loop3A_324 : i32 to index
        %parallel_loop3A_481 = arith.constant 96 : index
        %parallel_loop3A_482 = tpu.vector_load %arg13[%parallel_loop3A_480, %parallel_loop3A_481] {strides = array<i32>} : memref<40x128xf32, #tpu.memory_space<vmem>>, vector<1x16xf32>,
        %parallel_loop3A_483 = vector.shape_cast %parallel_loop3A_482 : vector<1x16xf32> to vector<16xf32>
        %parallel_loop3A_484 = arith.mulf %parallel_loop3A_483, %parallel_loop3A_477 : vector<16xf32>
        %parallel_loop3A_485 = arith.addf %parallel_loop3A_462, %parallel_loop3A_484 : vector<16xf32>
        %parallel_loop3A_486 = arith.index_cast %parallel_loop3A_324 : i32 to index
        %parallel_loop3A_487 = arith.constant 96 : index
        %parallel_loop3A_488 = tpu.vector_load %arg14[%parallel_loop3A_486, %parallel_loop3A_487] {strides = array<i32>} : memref<40x128xf32, #tpu.memory_space<vmem>>, vector<1x16xf32>,
        %parallel_loop3A_489 = vector.shape_cast %parallel_loop3A_488 : vector<1x16xf32> to vector<16xf32>
        %parallel_loop3A_490 = arith.mulf %parallel_loop3A_489, %parallel_loop3A_477 : vector<16xf32>
        %parallel_loop3A_491 = arith.addf %parallel_loop3A_468, %parallel_loop3A_490 : vector<16xf32>
        %parallel_loop3A_492 = arith.index_cast %parallel_loop3A_324 : i32 to index
        %parallel_loop3A_493 = arith.constant 112 : index
        %parallel_loop3A_494 = tpu.vector_load %arg11[%parallel_loop3A_492, %parallel_loop3A_493] {strides = array<i32>} : memref<40x128xf32, #tpu.memory_space<vmem>>, vector<1x16xf32>,
        %parallel_loop3A_495 = vector.shape_cast %parallel_loop3A_494 : vector<1x16xf32> to vector<16xf32>
        %parallel_loop3A_496 = arith.index_cast %parallel_loop3A_324 : i32 to index
        %parallel_loop3A_497 = arith.constant 112 : index
        %parallel_loop3A_498 = tpu.vector_load %arg12[%parallel_loop3A_496, %parallel_loop3A_497] {strides = array<i32>} : memref<40x128xf32, #tpu.memory_space<vmem>>, vector<1x16xf32>,
        %parallel_loop3A_499 = vector.shape_cast %parallel_loop3A_498 : vector<1x16xf32> to vector<16xf32>
        %parallel_loop3A_500 = arith.subf %parallel_loop3A_499, %parallel_loop3A_495 : vector<16xf32>
        %parallel_loop3A_501 = arith.mulf %parallel_loop3A_500, %parallel_loop3A_500 : vector<16xf32>
        %parallel_loop3A_502 = arith.addf %parallel_loop3A_479, %parallel_loop3A_501 : vector<16xf32>
        %parallel_loop3A_503 = arith.index_cast %parallel_loop3A_324 : i32 to index
        %parallel_loop3A_504 = arith.constant 112 : index
        %parallel_loop3A_505 = tpu.vector_load %arg13[%parallel_loop3A_503, %parallel_loop3A_504] {strides = array<i32>} : memref<40x128xf32, #tpu.memory_space<vmem>>, vector<1x16xf32>,
        %parallel_loop3A_506 = vector.shape_cast %parallel_loop3A_505 : vector<1x16xf32> to vector<16xf32>
        %parallel_loop3A_507 = arith.mulf %parallel_loop3A_506, %parallel_loop3A_500 : vector<16xf32>
        %parallel_loop3A_508 = arith.addf %parallel_loop3A_485, %parallel_loop3A_507 : vector<16xf32>
        %parallel_loop3A_509 = arith.index_cast %parallel_loop3A_324 : i32 to index
        %parallel_loop3A_510 = arith.constant 112 : index
        %parallel_loop3A_511 = tpu.vector_load %arg14[%parallel_loop3A_509, %parallel_loop3A_510] {strides = array<i32>} : memref<40x128xf32, #tpu.memory_space<vmem>>, vector<1x16xf32>,
        %parallel_loop3A_512 = vector.shape_cast %parallel_loop3A_511 : vector<1x16xf32> to vector<16xf32>
        %parallel_loop3A_513 = arith.mulf %parallel_loop3A_512, %parallel_loop3A_500 : vector<16xf32>
        %parallel_loop3A_514 = arith.addf %parallel_loop3A_491, %parallel_loop3A_513 : vector<16xf32>
        %parallel_loop3A_515 = arith.constant 0 : i32
        %parallel_loop3A_516 = vector.broadcast %parallel_loop3A_515 : i32 to vector<16xi32>
        %parallel_loop3A_517 = arith.cmpi slt, %xor3A_3, %parallel_loop3A_516 : vector<16xi32>
        %parallel_loop3A_518 = arith.constant 16 : i32
        %parallel_loop3A_519 = vector.broadcast %parallel_loop3A_518 : i32 to vector<16xi32>
        %parallel_loop3A_520 = arith.addi %xor3A_3, %parallel_loop3A_519 : vector<16xi32>
        %parallel_loop3A_521 = arith.select %parallel_loop3A_517, %parallel_loop3A_520, %xor3A_3 : vector<16xi1>, vector<16xi32>
        %parallel_loop3A_522 = vector.shape_cast %parallel_loop3A_521 : vector<16xi32> to vector<16x1xi32>
        %parallel_loop3A_523 = vector.shape_cast %parallel_loop3A_522 : vector<16x1xi32> to vector<16xi32>
        %parallel_loop3A_524 = tpu.dynamic_gather %parallel_loop3A_502[%parallel_loop3A_523] in [0] : vector<16xf32>, vector<16xi32> -> vector<16xf32>
        %parallel_loop3A_525 = arith.addf %parallel_loop3A_502, %parallel_loop3A_524 : vector<16xf32>
        %parallel_loop3A_526 = arith.constant 0 : i32
        %parallel_loop3A_527 = vector.broadcast %parallel_loop3A_526 : i32 to vector<16xi32>
        %parallel_loop3A_528 = arith.cmpi slt, %xor3A_6, %parallel_loop3A_527 : vector<16xi32>
        %parallel_loop3A_529 = arith.constant 16 : i32
        %parallel_loop3A_530 = vector.broadcast %parallel_loop3A_529 : i32 to vector<16xi32>
        %parallel_loop3A_531 = arith.addi %xor3A_6, %parallel_loop3A_530 : vector<16xi32>
        %parallel_loop3A_532 = arith.select %parallel_loop3A_528, %parallel_loop3A_531, %xor3A_6 : vector<16xi1>, vector<16xi32>
        %parallel_loop3A_533 = vector.shape_cast %parallel_loop3A_532 : vector<16xi32> to vector<16x1xi32>
        %parallel_loop3A_534 = vector.shape_cast %parallel_loop3A_533 : vector<16x1xi32> to vector<16xi32>
        %parallel_loop3A_535 = tpu.dynamic_gather %parallel_loop3A_525[%parallel_loop3A_534] in [0] : vector<16xf32>, vector<16xi32> -> vector<16xf32>
        %parallel_loop3A_536 = arith.addf %parallel_loop3A_525, %parallel_loop3A_535 : vector<16xf32>
        %parallel_loop3A_537 = arith.constant 0 : i32
        %parallel_loop3A_538 = vector.broadcast %parallel_loop3A_537 : i32 to vector<16xi32>
        %parallel_loop3A_539 = arith.cmpi slt, %xor3A_9, %parallel_loop3A_538 : vector<16xi32>
        %parallel_loop3A_540 = arith.constant 16 : i32
        %parallel_loop3A_541 = vector.broadcast %parallel_loop3A_540 : i32 to vector<16xi32>
        %parallel_loop3A_542 = arith.addi %xor3A_9, %parallel_loop3A_541 : vector<16xi32>
        %parallel_loop3A_543 = arith.select %parallel_loop3A_539, %parallel_loop3A_542, %xor3A_9 : vector<16xi1>, vector<16xi32>
        %parallel_loop3A_544 = vector.shape_cast %parallel_loop3A_543 : vector<16xi32> to vector<16x1xi32>
        %parallel_loop3A_545 = vector.shape_cast %parallel_loop3A_544 : vector<16x1xi32> to vector<16xi32>
        %parallel_loop3A_546 = tpu.dynamic_gather %parallel_loop3A_536[%parallel_loop3A_545] in [0] : vector<16xf32>, vector<16xi32> -> vector<16xf32>
        %parallel_loop3A_547 = arith.addf %parallel_loop3A_536, %parallel_loop3A_546 : vector<16xf32>
        %parallel_loop3A_548 = arith.constant 0 : i32
        %parallel_loop3A_549 = vector.broadcast %parallel_loop3A_548 : i32 to vector<16xi32>
        %parallel_loop3A_550 = arith.cmpi slt, %xor3A_12, %parallel_loop3A_549 : vector<16xi32>
        %parallel_loop3A_551 = arith.constant 16 : i32
        %parallel_loop3A_552 = vector.broadcast %parallel_loop3A_551 : i32 to vector<16xi32>
        %parallel_loop3A_553 = arith.addi %xor3A_12, %parallel_loop3A_552 : vector<16xi32>
        %parallel_loop3A_554 = arith.select %parallel_loop3A_550, %parallel_loop3A_553, %xor3A_12 : vector<16xi1>, vector<16xi32>
        %parallel_loop3A_555 = vector.shape_cast %parallel_loop3A_554 : vector<16xi32> to vector<16x1xi32>
        %parallel_loop3A_556 = vector.shape_cast %parallel_loop3A_555 : vector<16x1xi32> to vector<16xi32>
        %parallel_loop3A_557 = tpu.dynamic_gather %parallel_loop3A_547[%parallel_loop3A_556] in [0] : vector<16xf32>, vector<16xi32> -> vector<16xf32>
        %parallel_loop3A_558 = arith.addf %parallel_loop3A_547, %parallel_loop3A_557 : vector<16xf32>
        %parallel_loop3A_559 = arith.constant 9.99999997E-7 : f32
        %parallel_loop3A_560 = vector.broadcast %parallel_loop3A_559 : f32 to vector<16xf32>
        %parallel_loop3A_561 = arith.maximumf %parallel_loop3A_558, %parallel_loop3A_560 : vector<16xf32>
        %parallel_loop3A_562 = arith.constant 1.000000e+00 : f32
        %parallel_loop3A_563 = vector.broadcast %parallel_loop3A_562 : f32 to vector<16xf32>
        %parallel_loop3A_564 = arith.divf %parallel_loop3A_563, %parallel_loop3A_561 : vector<16xf32>
        %parallel_loop3A_565 = arith.constant 0 : i32
        %parallel_loop3A_566 = vector.broadcast %parallel_loop3A_565 : i32 to vector<16xi32>
        %parallel_loop3A_567 = arith.cmpi slt, %xor3A_3, %parallel_loop3A_566 : vector<16xi32>
        %parallel_loop3A_568 = arith.constant 16 : i32
        %parallel_loop3A_569 = vector.broadcast %parallel_loop3A_568 : i32 to vector<16xi32>
        %parallel_loop3A_570 = arith.addi %xor3A_3, %parallel_loop3A_569 : vector<16xi32>
        %parallel_loop3A_571 = arith.select %parallel_loop3A_567, %parallel_loop3A_570, %xor3A_3 : vector<16xi1>, vector<16xi32>
        %parallel_loop3A_572 = vector.shape_cast %parallel_loop3A_571 : vector<16xi32> to vector<16x1xi32>
        %parallel_loop3A_573 = vector.shape_cast %parallel_loop3A_572 : vector<16x1xi32> to vector<16xi32>
        %parallel_loop3A_574 = tpu.dynamic_gather %parallel_loop3A_508[%parallel_loop3A_573] in [0] : vector<16xf32>, vector<16xi32> -> vector<16xf32>
        %parallel_loop3A_575 = arith.addf %parallel_loop3A_508, %parallel_loop3A_574 : vector<16xf32>
        %parallel_loop3A_576 = arith.constant 0 : i32
        %parallel_loop3A_577 = vector.broadcast %parallel_loop3A_576 : i32 to vector<16xi32>
        %parallel_loop3A_578 = arith.cmpi slt, %xor3A_6, %parallel_loop3A_577 : vector<16xi32>
        %parallel_loop3A_579 = arith.constant 16 : i32
        %parallel_loop3A_580 = vector.broadcast %parallel_loop3A_579 : i32 to vector<16xi32>
        %parallel_loop3A_581 = arith.addi %xor3A_6, %parallel_loop3A_580 : vector<16xi32>
        %parallel_loop3A_582 = arith.select %parallel_loop3A_578, %parallel_loop3A_581, %xor3A_6 : vector<16xi1>, vector<16xi32>
        %parallel_loop3A_583 = vector.shape_cast %parallel_loop3A_582 : vector<16xi32> to vector<16x1xi32>
        %parallel_loop3A_584 = vector.shape_cast %parallel_loop3A_583 : vector<16x1xi32> to vector<16xi32>
        %parallel_loop3A_585 = tpu.dynamic_gather %parallel_loop3A_575[%parallel_loop3A_584] in [0] : vector<16xf32>, vector<16xi32> -> vector<16xf32>
        %parallel_loop3A_586 = arith.addf %parallel_loop3A_575, %parallel_loop3A_585 : vector<16xf32>
        %parallel_loop3A_587 = arith.constant 0 : i32
        %parallel_loop3A_588 = vector.broadcast %parallel_loop3A_587 : i32 to vector<16xi32>
        %parallel_loop3A_589 = arith.cmpi slt, %xor3A_9, %parallel_loop3A_588 : vector<16xi32>
        %parallel_loop3A_590 = arith.constant 16 : i32
        %parallel_loop3A_591 = vector.broadcast %parallel_loop3A_590 : i32 to vector<16xi32>
        %parallel_loop3A_592 = arith.addi %xor3A_9, %parallel_loop3A_591 : vector<16xi32>
        %parallel_loop3A_593 = arith.select %parallel_loop3A_589, %parallel_loop3A_592, %xor3A_9 : vector<16xi1>, vector<16xi32>
        %parallel_loop3A_594 = vector.shape_cast %parallel_loop3A_593 : vector<16xi32> to vector<16x1xi32>
        %parallel_loop3A_595 = vector.shape_cast %parallel_loop3A_594 : vector<16x1xi32> to vector<16xi32>
        %parallel_loop3A_596 = tpu.dynamic_gather %parallel_loop3A_586[%parallel_loop3A_595] in [0] : vector<16xf32>, vector<16xi32> -> vector<16xf32>
        %parallel_loop3A_597 = arith.addf %parallel_loop3A_586, %parallel_loop3A_596 : vector<16xf32>
        %parallel_loop3A_598 = arith.constant 0 : i32
        %parallel_loop3A_599 = vector.broadcast %parallel_loop3A_598 : i32 to vector<16xi32>
        %parallel_loop3A_600 = arith.cmpi slt, %xor3A_12, %parallel_loop3A_599 : vector<16xi32>
        %parallel_loop3A_601 = arith.constant 16 : i32
        %parallel_loop3A_602 = vector.broadcast %parallel_loop3A_601 : i32 to vector<16xi32>
        %parallel_loop3A_603 = arith.addi %xor3A_12, %parallel_loop3A_602 : vector<16xi32>
        %parallel_loop3A_604 = arith.select %parallel_loop3A_600, %parallel_loop3A_603, %xor3A_12 : vector<16xi1>, vector<16xi32>
        %parallel_loop3A_605 = vector.shape_cast %parallel_loop3A_604 : vector<16xi32> to vector<16x1xi32>
        %parallel_loop3A_606 = vector.shape_cast %parallel_loop3A_605 : vector<16x1xi32> to vector<16xi32>
        %parallel_loop3A_607 = tpu.dynamic_gather %parallel_loop3A_597[%parallel_loop3A_606] in [0] : vector<16xf32>, vector<16xi32> -> vector<16xf32>
        %parallel_loop3A_608 = arith.addf %parallel_loop3A_597, %parallel_loop3A_607 : vector<16xf32>
        %parallel_loop3A_609 = arith.mulf %parallel_loop3A_608, %parallel_loop3A_564 : vector<16xf32>
        %parallel_loop3A_610 = arith.constant 0 : i32
        %parallel_loop3A_611 = vector.broadcast %parallel_loop3A_610 : i32 to vector<16xi32>
        %parallel_loop3A_612 = arith.cmpi slt, %xor3A_3, %parallel_loop3A_611 : vector<16xi32>
        %parallel_loop3A_613 = arith.constant 16 : i32
        %parallel_loop3A_614 = vector.broadcast %parallel_loop3A_613 : i32 to vector<16xi32>
        %parallel_loop3A_615 = arith.addi %xor3A_3, %parallel_loop3A_614 : vector<16xi32>
        %parallel_loop3A_616 = arith.select %parallel_loop3A_612, %parallel_loop3A_615, %xor3A_3 : vector<16xi1>, vector<16xi32>
        %parallel_loop3A_617 = vector.shape_cast %parallel_loop3A_616 : vector<16xi32> to vector<16x1xi32>
        %parallel_loop3A_618 = vector.shape_cast %parallel_loop3A_617 : vector<16x1xi32> to vector<16xi32>
        %parallel_loop3A_619 = tpu.dynamic_gather %parallel_loop3A_514[%parallel_loop3A_618] in [0] : vector<16xf32>, vector<16xi32> -> vector<16xf32>
        %parallel_loop3A_620 = arith.addf %parallel_loop3A_514, %parallel_loop3A_619 : vector<16xf32>
        %parallel_loop3A_621 = arith.constant 0 : i32
        %parallel_loop3A_622 = vector.broadcast %parallel_loop3A_621 : i32 to vector<16xi32>
        %parallel_loop3A_623 = arith.cmpi slt, %xor3A_6, %parallel_loop3A_622 : vector<16xi32>
        %parallel_loop3A_624 = arith.constant 16 : i32
        %parallel_loop3A_625 = vector.broadcast %parallel_loop3A_624 : i32 to vector<16xi32>
        %parallel_loop3A_626 = arith.addi %xor3A_6, %parallel_loop3A_625 : vector<16xi32>
        %parallel_loop3A_627 = arith.select %parallel_loop3A_623, %parallel_loop3A_626, %xor3A_6 : vector<16xi1>, vector<16xi32>
        %parallel_loop3A_628 = vector.shape_cast %parallel_loop3A_627 : vector<16xi32> to vector<16x1xi32>
        %parallel_loop3A_629 = vector.shape_cast %parallel_loop3A_628 : vector<16x1xi32> to vector<16xi32>
        %parallel_loop3A_630 = tpu.dynamic_gather %parallel_loop3A_620[%parallel_loop3A_629] in [0] : vector<16xf32>, vector<16xi32> -> vector<16xf32>
        %parallel_loop3A_631 = arith.addf %parallel_loop3A_620, %parallel_loop3A_630 : vector<16xf32>
        %parallel_loop3A_632 = arith.constant 0 : i32
        %parallel_loop3A_633 = vector.broadcast %parallel_loop3A_632 : i32 to vector<16xi32>
        %parallel_loop3A_634 = arith.cmpi slt, %xor3A_9, %parallel_loop3A_633 : vector<16xi32>
        %parallel_loop3A_635 = arith.constant 16 : i32
        %parallel_loop3A_636 = vector.broadcast %parallel_loop3A_635 : i32 to vector<16xi32>
        %parallel_loop3A_637 = arith.addi %xor3A_9, %parallel_loop3A_636 : vector<16xi32>
        %parallel_loop3A_638 = arith.select %parallel_loop3A_634, %parallel_loop3A_637, %xor3A_9 : vector<16xi1>, vector<16xi32>
        %parallel_loop3A_639 = vector.shape_cast %parallel_loop3A_638 : vector<16xi32> to vector<16x1xi32>
        %parallel_loop3A_640 = vector.shape_cast %parallel_loop3A_639 : vector<16x1xi32> to vector<16xi32>
        %parallel_loop3A_641 = tpu.dynamic_gather %parallel_loop3A_631[%parallel_loop3A_640] in [0] : vector<16xf32>, vector<16xi32> -> vector<16xf32>
        %parallel_loop3A_642 = arith.addf %parallel_loop3A_631, %parallel_loop3A_641 : vector<16xf32>
        %parallel_loop3A_643 = arith.constant 0 : i32
        %parallel_loop3A_644 = vector.broadcast %parallel_loop3A_643 : i32 to vector<16xi32>
        %parallel_loop3A_645 = arith.cmpi slt, %xor3A_12, %parallel_loop3A_644 : vector<16xi32>
        %parallel_loop3A_646 = arith.constant 16 : i32
        %parallel_loop3A_647 = vector.broadcast %parallel_loop3A_646 : i32 to vector<16xi32>
        %parallel_loop3A_648 = arith.addi %xor3A_12, %parallel_loop3A_647 : vector<16xi32>
        %parallel_loop3A_649 = arith.select %parallel_loop3A_645, %parallel_loop3A_648, %xor3A_12 : vector<16xi1>, vector<16xi32>
        %parallel_loop3A_650 = vector.shape_cast %parallel_loop3A_649 : vector<16xi32> to vector<16x1xi32>
        %parallel_loop3A_651 = vector.shape_cast %parallel_loop3A_650 : vector<16x1xi32> to vector<16xi32>
        %parallel_loop3A_652 = tpu.dynamic_gather %parallel_loop3A_642[%parallel_loop3A_651] in [0] : vector<16xf32>, vector<16xi32> -> vector<16xf32>
        %parallel_loop3A_653 = arith.addf %parallel_loop3A_642, %parallel_loop3A_652 : vector<16xf32>
        %parallel_loop3A_654 = arith.mulf %parallel_loop3A_653, %parallel_loop3A_564 : vector<16xf32>
        %parallel_loop3A_655 = arith.index_cast %parallel_loop3A_324 : i32 to index
        %parallel_loop3A_656 = arith.constant 0 : index
        %parallel_loop3A_657 = tpu.vector_load %arg15[%parallel_loop3A_655, %parallel_loop3A_656] {strides = array<i32>} : memref<40x64xf32, #tpu.memory_space<vmem>>, vector<1x16xf32>,
        %parallel_loop3A_658 = vector.shape_cast %parallel_loop3A_657 : vector<1x16xf32> to vector<16xf32>
        %parallel_loop3A_659 = arith.mulf %parallel_loop3A_658, %parallel_loop3A_609 : vector<16xf32>
        %parallel_loop3A_660 = arith.index_cast %parallel_loop3A_324 : i32 to index
        %parallel_loop3A_661 = arith.constant 0 : index
        %parallel_loop3A_662 = tpu.vector_load %arg16[%parallel_loop3A_660, %parallel_loop3A_661] {strides = array<i32>} : memref<40x64xf32, #tpu.memory_space<vmem>>, vector<1x16xf32>,
        %parallel_loop3A_663 = vector.shape_cast %parallel_loop3A_662 : vector<1x16xf32> to vector<16xf32>
        %parallel_loop3A_664 = vector.shape_cast %parallel_loop3A_659 : vector<16xf32> to vector<1x16xf32>
        tpu.vector_store %arg16[%parallel_loop3A_660, %parallel_loop3A_661], %parallel_loop3A_664 {strides = array<i32>} : memref<40x64xf32, #tpu.memory_space<vmem>>, vector<1x16xf32>,
        %parallel_loop3A_665 = arith.mulf %parallel_loop3A_658, %parallel_loop3A_654 : vector<16xf32>
        %parallel_loop3A_666 = arith.index_cast %parallel_loop3A_324 : i32 to index
        %parallel_loop3A_667 = arith.constant 0 : index
        %parallel_loop3A_668 = tpu.vector_load %arg17[%parallel_loop3A_666, %parallel_loop3A_667] {strides = array<i32>} : memref<40x64xf32, #tpu.memory_space<vmem>>, vector<1x16xf32>,
        %parallel_loop3A_669 = vector.shape_cast %parallel_loop3A_668 : vector<1x16xf32> to vector<16xf32>
        %parallel_loop3A_670 = vector.shape_cast %parallel_loop3A_665 : vector<16xf32> to vector<1x16xf32>
        tpu.vector_store %arg17[%parallel_loop3A_666, %parallel_loop3A_667], %parallel_loop3A_670 {strides = array<i32>} : memref<40x64xf32, #tpu.memory_space<vmem>>, vector<1x16xf32>,
        %parallel_loop3A_671 = arith.index_cast %parallel_loop3A_324 : i32 to index
        %parallel_loop3A_672 = arith.constant 16 : index
        %parallel_loop3A_673 = tpu.vector_load %arg15[%parallel_loop3A_671, %parallel_loop3A_672] {strides = array<i32>} : memref<40x64xf32, #tpu.memory_space<vmem>>, vector<1x16xf32>,
        %parallel_loop3A_674 = vector.shape_cast %parallel_loop3A_673 : vector<1x16xf32> to vector<16xf32>
        %parallel_loop3A_675 = arith.mulf %parallel_loop3A_674, %parallel_loop3A_609 : vector<16xf32>
        %parallel_loop3A_676 = arith.index_cast %parallel_loop3A_324 : i32 to index
        %parallel_loop3A_677 = arith.constant 16 : index
        %parallel_loop3A_678 = tpu.vector_load %arg16[%parallel_loop3A_676, %parallel_loop3A_677] {strides = array<i32>} : memref<40x64xf32, #tpu.memory_space<vmem>>, vector<1x16xf32>,
        %parallel_loop3A_679 = vector.shape_cast %parallel_loop3A_678 : vector<1x16xf32> to vector<16xf32>
        %parallel_loop3A_680 = vector.shape_cast %parallel_loop3A_675 : vector<16xf32> to vector<1x16xf32>
        tpu.vector_store %arg16[%parallel_loop3A_676, %parallel_loop3A_677], %parallel_loop3A_680 {strides = array<i32>} : memref<40x64xf32, #tpu.memory_space<vmem>>, vector<1x16xf32>,
        %parallel_loop3A_681 = arith.mulf %parallel_loop3A_674, %parallel_loop3A_654 : vector<16xf32>
        %parallel_loop3A_682 = arith.index_cast %parallel_loop3A_324 : i32 to index
        %parallel_loop3A_683 = arith.constant 16 : index
        %parallel_loop3A_684 = tpu.vector_load %arg17[%parallel_loop3A_682, %parallel_loop3A_683] {strides = array<i32>} : memref<40x64xf32, #tpu.memory_space<vmem>>, vector<1x16xf32>,
        %parallel_loop3A_685 = vector.shape_cast %parallel_loop3A_684 : vector<1x16xf32> to vector<16xf32>
        %parallel_loop3A_686 = vector.shape_cast %parallel_loop3A_681 : vector<16xf32> to vector<1x16xf32>
        tpu.vector_store %arg17[%parallel_loop3A_682, %parallel_loop3A_683], %parallel_loop3A_686 {strides = array<i32>} : memref<40x64xf32, #tpu.memory_space<vmem>>, vector<1x16xf32>,
        %parallel_loop3A_687 = arith.index_cast %parallel_loop3A_324 : i32 to index
        %parallel_loop3A_688 = arith.constant 32 : index
        %parallel_loop3A_689 = tpu.vector_load %arg15[%parallel_loop3A_687, %parallel_loop3A_688] {strides = array<i32>} : memref<40x64xf32, #tpu.memory_space<vmem>>, vector<1x16xf32>,
        %parallel_loop3A_690 = vector.shape_cast %parallel_loop3A_689 : vector<1x16xf32> to vector<16xf32>
        %parallel_loop3A_691 = arith.mulf %parallel_loop3A_690, %parallel_loop3A_609 : vector<16xf32>
        %parallel_loop3A_692 = arith.index_cast %parallel_loop3A_324 : i32 to index
        %parallel_loop3A_693 = arith.constant 32 : index
        %parallel_loop3A_694 = tpu.vector_load %arg16[%parallel_loop3A_692, %parallel_loop3A_693] {strides = array<i32>} : memref<40x64xf32, #tpu.memory_space<vmem>>, vector<1x16xf32>,
        %parallel_loop3A_695 = vector.shape_cast %parallel_loop3A_694 : vector<1x16xf32> to vector<16xf32>
        %parallel_loop3A_696 = vector.shape_cast %parallel_loop3A_691 : vector<16xf32> to vector<1x16xf32>
        tpu.vector_store %arg16[%parallel_loop3A_692, %parallel_loop3A_693], %parallel_loop3A_696 {strides = array<i32>} : memref<40x64xf32, #tpu.memory_space<vmem>>, vector<1x16xf32>,
        %parallel_loop3A_697 = arith.mulf %parallel_loop3A_690, %parallel_loop3A_654 : vector<16xf32>
        %parallel_loop3A_698 = arith.index_cast %parallel_loop3A_324 : i32 to index
        %parallel_loop3A_699 = arith.constant 32 : index
        %parallel_loop3A_700 = tpu.vector_load %arg17[%parallel_loop3A_698, %parallel_loop3A_699] {strides = array<i32>} : memref<40x64xf32, #tpu.memory_space<vmem>>, vector<1x16xf32>,
        %parallel_loop3A_701 = vector.shape_cast %parallel_loop3A_700 : vector<1x16xf32> to vector<16xf32>
        %parallel_loop3A_702 = vector.shape_cast %parallel_loop3A_697 : vector<16xf32> to vector<1x16xf32>
        tpu.vector_store %arg17[%parallel_loop3A_698, %parallel_loop3A_699], %parallel_loop3A_702 {strides = array<i32>} : memref<40x64xf32, #tpu.memory_space<vmem>>, vector<1x16xf32>,
        %parallel_loop3A_703 = arith.index_cast %parallel_loop3A_324 : i32 to index
        %parallel_loop3A_704 = arith.constant 48 : index
        %parallel_loop3A_705 = tpu.vector_load %arg15[%parallel_loop3A_703, %parallel_loop3A_704] {strides = array<i32>} : memref<40x64xf32, #tpu.memory_space<vmem>>, vector<1x16xf32>,
        %parallel_loop3A_706 = vector.shape_cast %parallel_loop3A_705 : vector<1x16xf32> to vector<16xf32>
        %parallel_loop3A_707 = arith.mulf %parallel_loop3A_706, %parallel_loop3A_609 : vector<16xf32>
        %parallel_loop3A_708 = arith.index_cast %parallel_loop3A_324 : i32 to index
        %parallel_loop3A_709 = arith.constant 48 : index
        %parallel_loop3A_710 = tpu.vector_load %arg16[%parallel_loop3A_708, %parallel_loop3A_709] {strides = array<i32>} : memref<40x64xf32, #tpu.memory_space<vmem>>, vector<1x16xf32>,
        %parallel_loop3A_711 = vector.shape_cast %parallel_loop3A_710 : vector<1x16xf32> to vector<16xf32>
        %parallel_loop3A_712 = vector.shape_cast %parallel_loop3A_707 : vector<16xf32> to vector<1x16xf32>
        tpu.vector_store %arg16[%parallel_loop3A_708, %parallel_loop3A_709], %parallel_loop3A_712 {strides = array<i32>} : memref<40x64xf32, #tpu.memory_space<vmem>>, vector<1x16xf32>,
        %parallel_loop3A_713 = arith.mulf %parallel_loop3A_706, %parallel_loop3A_654 : vector<16xf32>
        %parallel_loop3A_714 = arith.index_cast %parallel_loop3A_324 : i32 to index
        %parallel_loop3A_715 = arith.constant 48 : index
        %parallel_loop3A_716 = tpu.vector_load %arg17[%parallel_loop3A_714, %parallel_loop3A_715] {strides = array<i32>} : memref<40x64xf32, #tpu.memory_space<vmem>>, vector<1x16xf32>,
        %parallel_loop3A_717 = vector.shape_cast %parallel_loop3A_716 : vector<1x16xf32> to vector<16xf32>
        %parallel_loop3A_718 = vector.shape_cast %parallel_loop3A_713 : vector<16xf32> to vector<1x16xf32>
        tpu.vector_store %arg17[%parallel_loop3A_714, %parallel_loop3A_715], %parallel_loop3A_718 {strides = array<i32>} : memref<40x64xf32, #tpu.memory_space<vmem>>, vector<1x16xf32>,
      } {sc.loop_unroll_factor = 8 : i64, sc.parallel_access}
      %dma_start3A_213 = arith.constant 0 : i32
      %dma_start3A_214 = arith.constant 0 : i32
      %dma_start3A_215 = tpu.memref_slice %arg10[%dma_start3A_213, %dma_start3A_214] : memref<10240x64xf32, #tpu.memory_space<vmem_shared>> -> memref<10240x64xf32, #tpu.memory_space<vmem_shared>>
      tpu.enqueue_indirect_dma source(%arg16 : memref<40x64xf32, #tpu.memory_space<vmem>>) target(%dma_start3A_215 : memref<10240x64xf32, #tpu.memory_space<vmem_shared>>) offsets(%arg18 : memref<40xi32, #tpu.memory_space<vmem>>) semaphore(%arg21 : memref<!tpu.dma_semaphore, #tpu.memory_space<semaphore_mem>>) {add = true}
      %dma_start3A_216 = arith.constant 0 : i32
      %dma_start3A_217 = arith.constant 0 : i32
      %dma_start3A_218 = tpu.memref_slice %arg10[%dma_start3A_216, %dma_start3A_217] : memref<10240x64xf32, #tpu.memory_space<vmem_shared>> -> memref<10240x64xf32, #tpu.memory_space<vmem_shared>>
      tpu.enqueue_indirect_dma source(%arg17 : memref<40x64xf32, #tpu.memory_space<vmem>>) target(%dma_start3A_218 : memref<10240x64xf32, #tpu.memory_space<vmem_shared>>) offsets(%arg19 : memref<40xi32, #tpu.memory_space<vmem>>) semaphore(%arg21 : memref<!tpu.dma_semaphore, #tpu.memory_space<semaphore_mem>>) {add = true}
      %lt3A = arith.constant 124 : i32
      %lt3A_219 = arith.cmpi slt, %scan3A_100, %lt3A : i32
      %convert_element_type3A_220 = arith.extui %lt3A_219 : i1 to i32
      %cond3A_221 = arith.constant 0 : i32
      %cond3A_222 = arith.cmpi ne, %convert_element_type3A_220, %cond3A_221 : i32
      scf.if %cond3A_222 {
        %mul3A_324 = arith.constant 2 : i32
        %mul3A_325 = arith.muli %mul3A_324, %scan3A_100 : i32
        %add3A_326 = arith.constant 2 : i32
        %add3A_327 = arith.addi %mul3A_325, %add3A_326 : i32
        %mul3A_328 = arith.constant 40 : i32
        %mul3A_329 = arith.muli %add3A_327, %mul3A_328 : i32
        %dma_start3A_330 = tpu.memref_slice %arg7[%mul3A_329] : memref<10000xi32, #tpu.memory_space<vmem>> -> memref<40xi32, #tpu.memory_space<vmem>>
        %dma_start3A_331 = arith.constant 0 : i32
        %dma_start3A_332 = arith.constant 0 : i32
        %dma_start3A_333 = tpu.memref_slice %arg3[%dma_start3A_331, %dma_start3A_332] : memref<10000x128xf32, #tpu.memory_space<hbm>> -> memref<10000x128xf32, #tpu.memory_space<hbm>>
        tpu.enqueue_indirect_dma source(%dma_start3A_333 : memref<10000x128xf32, #tpu.memory_space<hbm>>) target(%arg11 : memref<40x128xf32, #tpu.memory_space<vmem>>) offsets(%dma_start3A_330 : memref<40xi32, #tpu.memory_space<vmem>>) semaphore(%arg20 : memref<!tpu.dma_semaphore, #tpu.memory_space<semaphore_mem>>)
        %dma_start3A_334 = tpu.memref_slice %arg8[%mul3A_329] : memref<10000xi32, #tpu.memory_space<vmem>> -> memref<40xi32, #tpu.memory_space<vmem>>
        %dma_start3A_335 = arith.constant 0 : i32
        %dma_start3A_336 = arith.constant 0 : i32
        %dma_start3A_337 = tpu.memref_slice %arg3[%dma_start3A_335, %dma_start3A_336] : memref<10000x128xf32, #tpu.memory_space<hbm>> -> memref<10000x128xf32, #tpu.memory_space<hbm>>
        tpu.enqueue_indirect_dma source(%dma_start3A_337 : memref<10000x128xf32, #tpu.memory_space<hbm>>) target(%arg12 : memref<40x128xf32, #tpu.memory_space<vmem>>) offsets(%dma_start3A_334 : memref<40xi32, #tpu.memory_space<vmem>>) semaphore(%arg20 : memref<!tpu.dma_semaphore, #tpu.memory_space<semaphore_mem>>)
        %dma_start3A_338 = tpu.memref_slice %arg7[%mul3A_329] : memref<10000xi32, #tpu.memory_space<vmem>> -> memref<40xi32, #tpu.memory_space<vmem>>
        %dma_start3A_339 = arith.constant 0 : i32
        %dma_start3A_340 = arith.constant 0 : i32
        %dma_start3A_341 = tpu.memref_slice %arg4[%dma_start3A_339, %dma_start3A_340] : memref<10000x128xf32, #tpu.memory_space<hbm>> -> memref<10000x128xf32, #tpu.memory_space<hbm>>
        tpu.enqueue_indirect_dma source(%dma_start3A_341 : memref<10000x128xf32, #tpu.memory_space<hbm>>) target(%arg13 : memref<40x128xf32, #tpu.memory_space<vmem>>) offsets(%dma_start3A_338 : memref<40xi32, #tpu.memory_space<vmem>>) semaphore(%arg20 : memref<!tpu.dma_semaphore, #tpu.memory_space<semaphore_mem>>)
        %dma_start3A_342 = tpu.memref_slice %arg8[%mul3A_329] : memref<10000xi32, #tpu.memory_space<vmem>> -> memref<40xi32, #tpu.memory_space<vmem>>
        %dma_start3A_343 = arith.constant 0 : i32
        %dma_start3A_344 = arith.constant 0 : i32
        %dma_start3A_345 = tpu.memref_slice %arg4[%dma_start3A_343, %dma_start3A_344] : memref<10000x128xf32, #tpu.memory_space<hbm>> -> memref<10000x128xf32, #tpu.memory_space<hbm>>
        tpu.enqueue_indirect_dma source(%dma_start3A_345 : memref<10000x128xf32, #tpu.memory_space<hbm>>) target(%arg14 : memref<40x128xf32, #tpu.memory_space<vmem>>) offsets(%dma_start3A_342 : memref<40xi32, #tpu.memory_space<vmem>>) semaphore(%arg20 : memref<!tpu.dma_semaphore, #tpu.memory_space<semaphore_mem>>)
        %add3A_346 = arith.addi %mul3A_51, %mul3A_329 : i32
        %dma_start3A_347 = arith.constant 0 : i32
        %dma_start3A_348 = tpu.memref_slice %arg5[%add3A_346, %dma_start3A_347] : memref<320000x64xf32, #tpu.memory_space<hbm>> -> memref<40x64xf32, #tpu.memory_space<hbm>>
        %dma_start3A_349 = arith.constant 0 : i32
        %dma_start3A_350 = tpu.memref_slice %arg5[%add3A_346, %dma_start3A_349] : memref<320000x64xf32, #tpu.memory_space<hbm>> -> memref<40x64xf32, #tpu.memory_space<hbm>>
        tpu.enqueue_dma source(%dma_start3A_350 : memref<40x64xf32, #tpu.memory_space<hbm>>) target(%arg15 : memref<40x64xf32, #tpu.memory_space<vmem>>) target_semaphore(%arg20 : memref<!tpu.dma_semaphore, #tpu.memory_space<semaphore_mem>>)
      } else {
      }
      %mul3A_223 = arith.constant 2 : i32
      %mul3A_224 = arith.muli %mul3A_223, %scan3A_100 : i32
      %add3A_225 = arith.constant 1 : i32
      %add3A_226 = arith.addi %mul3A_224, %add3A_225 : i32
      %mul3A_227 = arith.constant 40 : i32
      %mul3A_228 = arith.muli %add3A_226, %mul3A_227 : i32
      %dma_wait3A_229 = tpu.memref_slice %arg7[%mul3A_228] : memref<10000xi32, #tpu.memory_space<vmem>> -> memref<40xi32, #tpu.memory_space<vmem>>
      %dma_wait3A_230 = arith.constant 0 : i32
      %dma_wait3A_231 = arith.constant 0 : i32
      %dma_wait3A_232 = tpu.memref_slice %arg3[%dma_wait3A_230, %dma_wait3A_231] : memref<10000x128xf32, #tpu.memory_space<hbm>> -> memref<10000x128xf32, #tpu.memory_space<hbm>>
      tpu.wait_indirect_dma semaphore(%arg31 : memref<!tpu.dma_semaphore, #tpu.memory_space<semaphore_mem>>) src(%dma_wait3A_232 : memref<10000x128xf32, #tpu.memory_space<hbm>>) dst(%arg22 : memref<40x128xf32, #tpu.memory_space<vmem>>)
      %dma_wait3A_233 = tpu.memref_slice %arg7[%mul3A_228] : memref<10000xi32, #tpu.memory_space<vmem>> -> memref<40xi32, #tpu.memory_space<vmem>>
      %dma_wait3A_234 = arith.constant 0 : i32
      %dma_wait3A_235 = arith.constant 0 : i32
      %dma_wait3A_236 = tpu.memref_slice %arg3[%dma_wait3A_234, %dma_wait3A_235] : memref<10000x128xf32, #tpu.memory_space<hbm>> -> memref<10000x128xf32, #tpu.memory_space<hbm>>
      tpu.wait_indirect_dma semaphore(%arg31 : memref<!tpu.dma_semaphore, #tpu.memory_space<semaphore_mem>>) src(%dma_wait3A_236 : memref<10000x128xf32, #tpu.memory_space<hbm>>) dst(%arg23 : memref<40x128xf32, #tpu.memory_space<vmem>>)
      %dma_wait3A_237 = tpu.memref_slice %arg7[%mul3A_228] : memref<10000xi32, #tpu.memory_space<vmem>> -> memref<40xi32, #tpu.memory_space<vmem>>
      %dma_wait3A_238 = arith.constant 0 : i32
      %dma_wait3A_239 = arith.constant 0 : i32
      %dma_wait3A_240 = tpu.memref_slice %arg4[%dma_wait3A_238, %dma_wait3A_239] : memref<10000x128xf32, #tpu.memory_space<hbm>> -> memref<10000x128xf32, #tpu.memory_space<hbm>>
      tpu.wait_indirect_dma semaphore(%arg31 : memref<!tpu.dma_semaphore, #tpu.memory_space<semaphore_mem>>) src(%dma_wait3A_240 : memref<10000x128xf32, #tpu.memory_space<hbm>>) dst(%arg24 : memref<40x128xf32, #tpu.memory_space<vmem>>)
      %dma_wait3A_241 = tpu.memref_slice %arg7[%mul3A_228] : memref<10000xi32, #tpu.memory_space<vmem>> -> memref<40xi32, #tpu.memory_space<vmem>>
      %dma_wait3A_242 = arith.constant 0 : i32
      %dma_wait3A_243 = arith.constant 0 : i32
      %dma_wait3A_244 = tpu.memref_slice %arg4[%dma_wait3A_242, %dma_wait3A_243] : memref<10000x128xf32, #tpu.memory_space<hbm>> -> memref<10000x128xf32, #tpu.memory_space<hbm>>
      tpu.wait_indirect_dma semaphore(%arg31 : memref<!tpu.dma_semaphore, #tpu.memory_space<semaphore_mem>>) src(%dma_wait3A_244 : memref<10000x128xf32, #tpu.memory_space<hbm>>) dst(%arg25 : memref<40x128xf32, #tpu.memory_space<vmem>>)
      %add3A_245 = arith.addi %mul3A_51, %mul3A_228 : i32
      %dma_wait3A_246 = arith.constant 0 : i32
      %dma_wait3A_247 = tpu.memref_slice %arg5[%add3A_245, %dma_wait3A_246] : memref<320000x64xf32, #tpu.memory_space<hbm>> -> memref<40x64xf32, #tpu.memory_space<hbm>>
      %dma_wait3A_248 = arith.constant 0 : i32
      %dma_wait3A_249 = tpu.memref_slice %arg5[%add3A_245, %dma_wait3A_248] : memref<320000x64xf32, #tpu.memory_space<hbm>> -> memref<40x64xf32, #tpu.memory_space<hbm>>
      tpu.wait_dma2 semaphore(%arg31 : memref<!tpu.dma_semaphore, #tpu.memory_space<semaphore_mem>>) src(%dma_wait3A_249 : memref<40x64xf32, #tpu.memory_space<hbm>>) dst(%arg26 : memref<40x64xf32, #tpu.memory_space<vmem>>)
      %gt3A_250 = arith.constant 0 : i32
      %gt3A_251 = arith.cmpi sgt, %scan3A_100, %gt3A_250 : i32
      %convert_element_type3A_252 = arith.extui %gt3A_251 : i1 to i32
      %cond3A_253 = arith.constant 0 : i32
      %cond3A_254 = arith.cmpi ne, %convert_element_type3A_252, %cond3A_253 : i32
      scf.if %cond3A_254 {
        %dma_wait3A_324 = arith.constant 0 : i32
        %dma_wait3A_325 = arith.constant 0 : i32
        %dma_wait3A_326 = tpu.memref_slice %arg10[%dma_wait3A_324, %dma_wait3A_325] : memref<10240x64xf32, #tpu.memory_space<vmem_shared>> -> memref<10240x64xf32, #tpu.memory_space<vmem_shared>>
        tpu.wait_indirect_dma semaphore(%arg32 : memref<!tpu.dma_semaphore, #tpu.memory_space<semaphore_mem>>) src(%arg27 : memref<40x64xf32, #tpu.memory_space<vmem>>) dst(%dma_wait3A_326 : memref<10240x64xf32, #tpu.memory_space<vmem_shared>>)
        %dma_wait3A_327 = arith.constant 0 : i32
        %dma_wait3A_328 = arith.constant 0 : i32
        %dma_wait3A_329 = tpu.memref_slice %arg10[%dma_wait3A_327, %dma_wait3A_328] : memref<10240x64xf32, #tpu.memory_space<vmem_shared>> -> memref<10240x64xf32, #tpu.memory_space<vmem_shared>>
        tpu.wait_indirect_dma semaphore(%arg32 : memref<!tpu.dma_semaphore, #tpu.memory_space<semaphore_mem>>) src(%arg28 : memref<40x64xf32, #tpu.memory_space<vmem>>) dst(%dma_wait3A_329 : memref<10240x64xf32, #tpu.memory_space<vmem_shared>>)
      } else {
      }
      %mul3A_255 = arith.constant 2 : i32
      %mul3A_256 = arith.muli %mul3A_255, %scan3A_100 : i32
      %add3A_257 = arith.constant 1 : i32
      %add3A_258 = arith.addi %mul3A_256, %add3A_257 : i32
      %mul3A_259 = arith.constant 40 : i32
      %mul3A_260 = arith.muli %add3A_258, %mul3A_259 : i32
      %add3A_261 = arith.constant 0 : i32
      %add3A_262 = arith.addi %mul3A_260, %add3A_261 : i32
      %get3A_263 = arith.index_cast %add3A_262 : i32 to index
      %get3A_264 = tpu.vector_load %arg7[%get3A_263] {strides = array<i32>} : memref<10000xi32, #tpu.memory_space<vmem>>, vector<16xi32>,
      %get3A_265 = vector.shape_cast %get3A_264 : vector<16xi32> to vector<16xi32>
      %swap3A_266 = arith.constant 0 : index
      %swap3A_267 = tpu.vector_load %arg29[%swap3A_266] {strides = array<i32>} : memref<40xi32, #tpu.memory_space<vmem>>, vector<16xi32>,
      %swap3A_268 = vector.shape_cast %swap3A_267 : vector<16xi32> to vector<16xi32>
      %swap3A_269 = vector.shape_cast %get3A_265 : vector<16xi32> to vector<16xi32>
      tpu.vector_store %arg29[%swap3A_266], %swap3A_269 {strides = array<i32>} : memref<40xi32, #tpu.memory_space<vmem>>, vector<16xi32>,
      %add3A_270 = arith.constant 0 : i32
      %add3A_271 = arith.addi %mul3A_260, %add3A_270 : i32
      %get3A_272 = arith.index_cast %add3A_271 : i32 to index
      %get3A_273 = tpu.vector_load %arg8[%get3A_272] {strides = array<i32>} : memref<10000xi32, #tpu.memory_space<vmem>>, vector<16xi32>,
      %get3A_274 = vector.shape_cast %get3A_273 : vector<16xi32> to vector<16xi32>
      %swap3A_275 = arith.constant 0 : index
      %swap3A_276 = tpu.vector_load %arg30[%swap3A_275] {strides = array<i32>} : memref<40xi32, #tpu.memory_space<vmem>>, vector<16xi32>,
      %swap3A_277 = vector.shape_cast %swap3A_276 : vector<16xi32> to vector<16xi32>
      %swap3A_278 = vector.shape_cast %get3A_274 : vector<16xi32> to vector<16xi32>
      tpu.vector_store %arg30[%swap3A_275], %swap3A_278 {strides = array<i32>} : memref<40xi32, #tpu.memory_space<vmem>>, vector<16xi32>,
      %add3A_279 = arith.constant 16 : i32
      %add3A_280 = arith.addi %mul3A_260, %add3A_279 : i32
      %get3A_281 = arith.index_cast %add3A_280 : i32 to index
      %get3A_282 = tpu.vector_load %arg7[%get3A_281] {strides = array<i32>} : memref<10000xi32, #tpu.memory_space<vmem>>, vector<16xi32>,
      %get3A_283 = vector.shape_cast %get3A_282 : vector<16xi32> to vector<16xi32>
      %swap3A_284 = arith.constant 16 : index
      %swap3A_285 = tpu.vector_load %arg29[%swap3A_284] {strides = array<i32>} : memref<40xi32, #tpu.memory_space<vmem>>, vector<16xi32>,
      %swap3A_286 = vector.shape_cast %swap3A_285 : vector<16xi32> to vector<16xi32>
      %swap3A_287 = vector.shape_cast %get3A_283 : vector<16xi32> to vector<16xi32>
      tpu.vector_store %arg29[%swap3A_284], %swap3A_287 {strides = array<i32>} : memref<40xi32, #tpu.memory_space<vmem>>, vector<16xi32>,
      %add3A_288 = arith.constant 16 : i32
      %add3A_289 = arith.addi %mul3A_260, %add3A_288 : i32
      %get3A_290 = arith.index_cast %add3A_289 : i32 to index
      %get3A_291 = tpu.vector_load %arg8[%get3A_290] {strides = array<i32>} : memref<10000xi32, #tpu.memory_space<vmem>>, vector<16xi32>,
      %get3A_292 = vector.shape_cast %get3A_291 : vector<16xi32> to vector<16xi32>
      %swap3A_293 = arith.constant 16 : index
      %swap3A_294 = tpu.vector_load %arg30[%swap3A_293] {strides = array<i32>} : memref<40xi32, #tpu.memory_space<vmem>>, vector<16xi32>,
      %swap3A_295 = vector.shape_cast %swap3A_294 : vector<16xi32> to vector<16xi32>
      %swap3A_296 = vector.shape_cast %get3A_292 : vector<16xi32> to vector<16xi32>
      tpu.vector_store %arg30[%swap3A_293], %swap3A_296 {strides = array<i32>} : memref<40xi32, #tpu.memory_space<vmem>>, vector<16xi32>,
      %add3A_297 = arith.constant 24 : i32
      %add3A_298 = arith.addi %mul3A_260, %add3A_297 : i32
      %get3A_299 = arith.index_cast %add3A_298 : i32 to index
      %get3A_300 = tpu.vector_load %arg7[%get3A_299] {strides = array<i32>} : memref<10000xi32, #tpu.memory_space<vmem>>, vector<16xi32>,
      %get3A_301 = vector.shape_cast %get3A_300 : vector<16xi32> to vector<16xi32>
      %swap3A_302 = arith.constant 24 : index
      %swap3A_303 = tpu.vector_load %arg29[%swap3A_302] {strides = array<i32>} : memref<40xi32, #tpu.memory_space<vmem>>, vector<16xi32>,
      %swap3A_304 = vector.shape_cast %swap3A_303 : vector<16xi32> to vector<16xi32>
      %swap3A_305 = vector.shape_cast %get3A_301 : vector<16xi32> to vector<16xi32>
      tpu.vector_store %arg29[%swap3A_302], %swap3A_305 {strides = array<i32>} : memref<40xi32, #tpu.memory_space<vmem>>, vector<16xi32>,
      %add3A_306 = arith.constant 24 : i32
      %add3A_307 = arith.addi %mul3A_260, %add3A_306 : i32
      %get3A_308 = arith.index_cast %add3A_307 : i32 to index
      %get3A_309 = tpu.vector_load %arg8[%get3A_308] {strides = array<i32>} : memref<10000xi32, #tpu.memory_space<vmem>>, vector<16xi32>,
      %get3A_310 = vector.shape_cast %get3A_309 : vector<16xi32> to vector<16xi32>
      %swap3A_311 = arith.constant 24 : index
      %swap3A_312 = tpu.vector_load %arg30[%swap3A_311] {strides = array<i32>} : memref<40xi32, #tpu.memory_space<vmem>>, vector<16xi32>,
      %swap3A_313 = vector.shape_cast %swap3A_312 : vector<16xi32> to vector<16xi32>
      %swap3A_314 = vector.shape_cast %get3A_310 : vector<16xi32> to vector<16xi32>
      tpu.vector_store %arg30[%swap3A_311], %swap3A_314 {strides = array<i32>} : memref<40xi32, #tpu.memory_space<vmem>>, vector<16xi32>,
      %parallel_loop3A_315 = arith.constant 0 : i32
      %parallel_loop3A_316 = arith.constant 40 : i32
      %parallel_loop3A_317 = arith.constant 1 : i32
      scf.for %parallel_loop3A_324 = %parallel_loop3A_315 to %parallel_loop3A_316 step %parallel_loop3A_317  : i32 {
        %parallel_loop3A_325 = arith.constant 0.000000e+00 : f32
        %parallel_loop3A_326 = vector.broadcast %parallel_loop3A_325 : f32 to vector<16xf32>
        %parallel_loop3A_327 = arith.constant 0.000000e+00 : f32
        %parallel_loop3A_328 = vector.broadcast %parallel_loop3A_327 : f32 to vector<16xf32>
        %parallel_loop3A_329 = arith.constant 0.000000e+00 : f32
        %parallel_loop3A_330 = vector.broadcast %parallel_loop3A_329 : f32 to vector<16xf32>
        %parallel_loop3A_331 = arith.index_cast %parallel_loop3A_324 : i32 to index
        %parallel_loop3A_332 = arith.constant 0 : index
        %parallel_loop3A_333 = tpu.vector_load %arg22[%parallel_loop3A_331, %parallel_loop3A_332] {strides = array<i32>} : memref<40x128xf32, #tpu.memory_space<vmem>>, vector<1x16xf32>,
        %parallel_loop3A_334 = vector.shape_cast %parallel_loop3A_333 : vector<1x16xf32> to vector<16xf32>
        %parallel_loop3A_335 = arith.index_cast %parallel_loop3A_324 : i32 to index
        %parallel_loop3A_336 = arith.constant 0 : index
        %parallel_loop3A_337 = tpu.vector_load %arg23[%parallel_loop3A_335, %parallel_loop3A_336] {strides = array<i32>} : memref<40x128xf32, #tpu.memory_space<vmem>>, vector<1x16xf32>,
        %parallel_loop3A_338 = vector.shape_cast %parallel_loop3A_337 : vector<1x16xf32> to vector<16xf32>
        %parallel_loop3A_339 = arith.subf %parallel_loop3A_338, %parallel_loop3A_334 : vector<16xf32>
        %parallel_loop3A_340 = arith.mulf %parallel_loop3A_339, %parallel_loop3A_339 : vector<16xf32>
        %parallel_loop3A_341 = arith.addf %parallel_loop3A_326, %parallel_loop3A_340 : vector<16xf32>
        %parallel_loop3A_342 = arith.index_cast %parallel_loop3A_324 : i32 to index
        %parallel_loop3A_343 = arith.constant 0 : index
        %parallel_loop3A_344 = tpu.vector_load %arg24[%parallel_loop3A_342, %parallel_loop3A_343] {strides = array<i32>} : memref<40x128xf32, #tpu.memory_space<vmem>>, vector<1x16xf32>,
        %parallel_loop3A_345 = vector.shape_cast %parallel_loop3A_344 : vector<1x16xf32> to vector<16xf32>
        %parallel_loop3A_346 = arith.mulf %parallel_loop3A_345, %parallel_loop3A_339 : vector<16xf32>
        %parallel_loop3A_347 = arith.addf %parallel_loop3A_328, %parallel_loop3A_346 : vector<16xf32>
        %parallel_loop3A_348 = arith.index_cast %parallel_loop3A_324 : i32 to index
        %parallel_loop3A_349 = arith.constant 0 : index
        %parallel_loop3A_350 = tpu.vector_load %arg25[%parallel_loop3A_348, %parallel_loop3A_349] {strides = array<i32>} : memref<40x128xf32, #tpu.memory_space<vmem>>, vector<1x16xf32>,
        %parallel_loop3A_351 = vector.shape_cast %parallel_loop3A_350 : vector<1x16xf32> to vector<16xf32>
        %parallel_loop3A_352 = arith.mulf %parallel_loop3A_351, %parallel_loop3A_339 : vector<16xf32>
        %parallel_loop3A_353 = arith.addf %parallel_loop3A_330, %parallel_loop3A_352 : vector<16xf32>
        %parallel_loop3A_354 = arith.index_cast %parallel_loop3A_324 : i32 to index
        %parallel_loop3A_355 = arith.constant 16 : index
        %parallel_loop3A_356 = tpu.vector_load %arg22[%parallel_loop3A_354, %parallel_loop3A_355] {strides = array<i32>} : memref<40x128xf32, #tpu.memory_space<vmem>>, vector<1x16xf32>,
        %parallel_loop3A_357 = vector.shape_cast %parallel_loop3A_356 : vector<1x16xf32> to vector<16xf32>
        %parallel_loop3A_358 = arith.index_cast %parallel_loop3A_324 : i32 to index
        %parallel_loop3A_359 = arith.constant 16 : index
        %parallel_loop3A_360 = tpu.vector_load %arg23[%parallel_loop3A_358, %parallel_loop3A_359] {strides = array<i32>} : memref<40x128xf32, #tpu.memory_space<vmem>>, vector<1x16xf32>,
        %parallel_loop3A_361 = vector.shape_cast %parallel_loop3A_360 : vector<1x16xf32> to vector<16xf32>
        %parallel_loop3A_362 = arith.subf %parallel_loop3A_361, %parallel_loop3A_357 : vector<16xf32>
        %parallel_loop3A_363 = arith.mulf %parallel_loop3A_362, %parallel_loop3A_362 : vector<16xf32>
        %parallel_loop3A_364 = arith.addf %parallel_loop3A_341, %parallel_loop3A_363 : vector<16xf32>
        %parallel_loop3A_365 = arith.index_cast %parallel_loop3A_324 : i32 to index
        %parallel_loop3A_366 = arith.constant 16 : index
        %parallel_loop3A_367 = tpu.vector_load %arg24[%parallel_loop3A_365, %parallel_loop3A_366] {strides = array<i32>} : memref<40x128xf32, #tpu.memory_space<vmem>>, vector<1x16xf32>,
        %parallel_loop3A_368 = vector.shape_cast %parallel_loop3A_367 : vector<1x16xf32> to vector<16xf32>
        %parallel_loop3A_369 = arith.mulf %parallel_loop3A_368, %parallel_loop3A_362 : vector<16xf32>
        %parallel_loop3A_370 = arith.addf %parallel_loop3A_347, %parallel_loop3A_369 : vector<16xf32>
        %parallel_loop3A_371 = arith.index_cast %parallel_loop3A_324 : i32 to index
        %parallel_loop3A_372 = arith.constant 16 : index
        %parallel_loop3A_373 = tpu.vector_load %arg25[%parallel_loop3A_371, %parallel_loop3A_372] {strides = array<i32>} : memref<40x128xf32, #tpu.memory_space<vmem>>, vector<1x16xf32>,
        %parallel_loop3A_374 = vector.shape_cast %parallel_loop3A_373 : vector<1x16xf32> to vector<16xf32>
        %parallel_loop3A_375 = arith.mulf %parallel_loop3A_374, %parallel_loop3A_362 : vector<16xf32>
        %parallel_loop3A_376 = arith.addf %parallel_loop3A_353, %parallel_loop3A_375 : vector<16xf32>
        %parallel_loop3A_377 = arith.index_cast %parallel_loop3A_324 : i32 to index
        %parallel_loop3A_378 = arith.constant 32 : index
        %parallel_loop3A_379 = tpu.vector_load %arg22[%parallel_loop3A_377, %parallel_loop3A_378] {strides = array<i32>} : memref<40x128xf32, #tpu.memory_space<vmem>>, vector<1x16xf32>,
        %parallel_loop3A_380 = vector.shape_cast %parallel_loop3A_379 : vector<1x16xf32> to vector<16xf32>
        %parallel_loop3A_381 = arith.index_cast %parallel_loop3A_324 : i32 to index
        %parallel_loop3A_382 = arith.constant 32 : index
        %parallel_loop3A_383 = tpu.vector_load %arg23[%parallel_loop3A_381, %parallel_loop3A_382] {strides = array<i32>} : memref<40x128xf32, #tpu.memory_space<vmem>>, vector<1x16xf32>,
        %parallel_loop3A_384 = vector.shape_cast %parallel_loop3A_383 : vector<1x16xf32> to vector<16xf32>
        %parallel_loop3A_385 = arith.subf %parallel_loop3A_384, %parallel_loop3A_380 : vector<16xf32>
        %parallel_loop3A_386 = arith.mulf %parallel_loop3A_385, %parallel_loop3A_385 : vector<16xf32>
        %parallel_loop3A_387 = arith.addf %parallel_loop3A_364, %parallel_loop3A_386 : vector<16xf32>
        %parallel_loop3A_388 = arith.index_cast %parallel_loop3A_324 : i32 to index
        %parallel_loop3A_389 = arith.constant 32 : index
        %parallel_loop3A_390 = tpu.vector_load %arg24[%parallel_loop3A_388, %parallel_loop3A_389] {strides = array<i32>} : memref<40x128xf32, #tpu.memory_space<vmem>>, vector<1x16xf32>,
        %parallel_loop3A_391 = vector.shape_cast %parallel_loop3A_390 : vector<1x16xf32> to vector<16xf32>
        %parallel_loop3A_392 = arith.mulf %parallel_loop3A_391, %parallel_loop3A_385 : vector<16xf32>
        %parallel_loop3A_393 = arith.addf %parallel_loop3A_370, %parallel_loop3A_392 : vector<16xf32>
        %parallel_loop3A_394 = arith.index_cast %parallel_loop3A_324 : i32 to index
        %parallel_loop3A_395 = arith.constant 32 : index
        %parallel_loop3A_396 = tpu.vector_load %arg25[%parallel_loop3A_394, %parallel_loop3A_395] {strides = array<i32>} : memref<40x128xf32, #tpu.memory_space<vmem>>, vector<1x16xf32>,
        %parallel_loop3A_397 = vector.shape_cast %parallel_loop3A_396 : vector<1x16xf32> to vector<16xf32>
        %parallel_loop3A_398 = arith.mulf %parallel_loop3A_397, %parallel_loop3A_385 : vector<16xf32>
        %parallel_loop3A_399 = arith.addf %parallel_loop3A_376, %parallel_loop3A_398 : vector<16xf32>
        %parallel_loop3A_400 = arith.index_cast %parallel_loop3A_324 : i32 to index
        %parallel_loop3A_401 = arith.constant 48 : index
        %parallel_loop3A_402 = tpu.vector_load %arg22[%parallel_loop3A_400, %parallel_loop3A_401] {strides = array<i32>} : memref<40x128xf32, #tpu.memory_space<vmem>>, vector<1x16xf32>,
        %parallel_loop3A_403 = vector.shape_cast %parallel_loop3A_402 : vector<1x16xf32> to vector<16xf32>
        %parallel_loop3A_404 = arith.index_cast %parallel_loop3A_324 : i32 to index
        %parallel_loop3A_405 = arith.constant 48 : index
        %parallel_loop3A_406 = tpu.vector_load %arg23[%parallel_loop3A_404, %parallel_loop3A_405] {strides = array<i32>} : memref<40x128xf32, #tpu.memory_space<vmem>>, vector<1x16xf32>,
        %parallel_loop3A_407 = vector.shape_cast %parallel_loop3A_406 : vector<1x16xf32> to vector<16xf32>
        %parallel_loop3A_408 = arith.subf %parallel_loop3A_407, %parallel_loop3A_403 : vector<16xf32>
        %parallel_loop3A_409 = arith.mulf %parallel_loop3A_408, %parallel_loop3A_408 : vector<16xf32>
        %parallel_loop3A_410 = arith.addf %parallel_loop3A_387, %parallel_loop3A_409 : vector<16xf32>
        %parallel_loop3A_411 = arith.index_cast %parallel_loop3A_324 : i32 to index
        %parallel_loop3A_412 = arith.constant 48 : index
        %parallel_loop3A_413 = tpu.vector_load %arg24[%parallel_loop3A_411, %parallel_loop3A_412] {strides = array<i32>} : memref<40x128xf32, #tpu.memory_space<vmem>>, vector<1x16xf32>,
        %parallel_loop3A_414 = vector.shape_cast %parallel_loop3A_413 : vector<1x16xf32> to vector<16xf32>
        %parallel_loop3A_415 = arith.mulf %parallel_loop3A_414, %parallel_loop3A_408 : vector<16xf32>
        %parallel_loop3A_416 = arith.addf %parallel_loop3A_393, %parallel_loop3A_415 : vector<16xf32>
        %parallel_loop3A_417 = arith.index_cast %parallel_loop3A_324 : i32 to index
        %parallel_loop3A_418 = arith.constant 48 : index
        %parallel_loop3A_419 = tpu.vector_load %arg25[%parallel_loop3A_417, %parallel_loop3A_418] {strides = array<i32>} : memref<40x128xf32, #tpu.memory_space<vmem>>, vector<1x16xf32>,
        %parallel_loop3A_420 = vector.shape_cast %parallel_loop3A_419 : vector<1x16xf32> to vector<16xf32>
        %parallel_loop3A_421 = arith.mulf %parallel_loop3A_420, %parallel_loop3A_408 : vector<16xf32>
        %parallel_loop3A_422 = arith.addf %parallel_loop3A_399, %parallel_loop3A_421 : vector<16xf32>
        %parallel_loop3A_423 = arith.index_cast %parallel_loop3A_324 : i32 to index
        %parallel_loop3A_424 = arith.constant 64 : index
        %parallel_loop3A_425 = tpu.vector_load %arg22[%parallel_loop3A_423, %parallel_loop3A_424] {strides = array<i32>} : memref<40x128xf32, #tpu.memory_space<vmem>>, vector<1x16xf32>,
        %parallel_loop3A_426 = vector.shape_cast %parallel_loop3A_425 : vector<1x16xf32> to vector<16xf32>
        %parallel_loop3A_427 = arith.index_cast %parallel_loop3A_324 : i32 to index
        %parallel_loop3A_428 = arith.constant 64 : index
        %parallel_loop3A_429 = tpu.vector_load %arg23[%parallel_loop3A_427, %parallel_loop3A_428] {strides = array<i32>} : memref<40x128xf32, #tpu.memory_space<vmem>>, vector<1x16xf32>,
        %parallel_loop3A_430 = vector.shape_cast %parallel_loop3A_429 : vector<1x16xf32> to vector<16xf32>
        %parallel_loop3A_431 = arith.subf %parallel_loop3A_430, %parallel_loop3A_426 : vector<16xf32>
        %parallel_loop3A_432 = arith.mulf %parallel_loop3A_431, %parallel_loop3A_431 : vector<16xf32>
        %parallel_loop3A_433 = arith.addf %parallel_loop3A_410, %parallel_loop3A_432 : vector<16xf32>
        %parallel_loop3A_434 = arith.index_cast %parallel_loop3A_324 : i32 to index
        %parallel_loop3A_435 = arith.constant 64 : index
        %parallel_loop3A_436 = tpu.vector_load %arg24[%parallel_loop3A_434, %parallel_loop3A_435] {strides = array<i32>} : memref<40x128xf32, #tpu.memory_space<vmem>>, vector<1x16xf32>,
        %parallel_loop3A_437 = vector.shape_cast %parallel_loop3A_436 : vector<1x16xf32> to vector<16xf32>
        %parallel_loop3A_438 = arith.mulf %parallel_loop3A_437, %parallel_loop3A_431 : vector<16xf32>
        %parallel_loop3A_439 = arith.addf %parallel_loop3A_416, %parallel_loop3A_438 : vector<16xf32>
        %parallel_loop3A_440 = arith.index_cast %parallel_loop3A_324 : i32 to index
        %parallel_loop3A_441 = arith.constant 64 : index
        %parallel_loop3A_442 = tpu.vector_load %arg25[%parallel_loop3A_440, %parallel_loop3A_441] {strides = array<i32>} : memref<40x128xf32, #tpu.memory_space<vmem>>, vector<1x16xf32>,
        %parallel_loop3A_443 = vector.shape_cast %parallel_loop3A_442 : vector<1x16xf32> to vector<16xf32>
        %parallel_loop3A_444 = arith.mulf %parallel_loop3A_443, %parallel_loop3A_431 : vector<16xf32>
        %parallel_loop3A_445 = arith.addf %parallel_loop3A_422, %parallel_loop3A_444 : vector<16xf32>
        %parallel_loop3A_446 = arith.index_cast %parallel_loop3A_324 : i32 to index
        %parallel_loop3A_447 = arith.constant 80 : index
        %parallel_loop3A_448 = tpu.vector_load %arg22[%parallel_loop3A_446, %parallel_loop3A_447] {strides = array<i32>} : memref<40x128xf32, #tpu.memory_space<vmem>>, vector<1x16xf32>,
        %parallel_loop3A_449 = vector.shape_cast %parallel_loop3A_448 : vector<1x16xf32> to vector<16xf32>
        %parallel_loop3A_450 = arith.index_cast %parallel_loop3A_324 : i32 to index
        %parallel_loop3A_451 = arith.constant 80 : index
        %parallel_loop3A_452 = tpu.vector_load %arg23[%parallel_loop3A_450, %parallel_loop3A_451] {strides = array<i32>} : memref<40x128xf32, #tpu.memory_space<vmem>>, vector<1x16xf32>,
        %parallel_loop3A_453 = vector.shape_cast %parallel_loop3A_452 : vector<1x16xf32> to vector<16xf32>
        %parallel_loop3A_454 = arith.subf %parallel_loop3A_453, %parallel_loop3A_449 : vector<16xf32>
        %parallel_loop3A_455 = arith.mulf %parallel_loop3A_454, %parallel_loop3A_454 : vector<16xf32>
        %parallel_loop3A_456 = arith.addf %parallel_loop3A_433, %parallel_loop3A_455 : vector<16xf32>
        %parallel_loop3A_457 = arith.index_cast %parallel_loop3A_324 : i32 to index
        %parallel_loop3A_458 = arith.constant 80 : index
        %parallel_loop3A_459 = tpu.vector_load %arg24[%parallel_loop3A_457, %parallel_loop3A_458] {strides = array<i32>} : memref<40x128xf32, #tpu.memory_space<vmem>>, vector<1x16xf32>,
        %parallel_loop3A_460 = vector.shape_cast %parallel_loop3A_459 : vector<1x16xf32> to vector<16xf32>
        %parallel_loop3A_461 = arith.mulf %parallel_loop3A_460, %parallel_loop3A_454 : vector<16xf32>
        %parallel_loop3A_462 = arith.addf %parallel_loop3A_439, %parallel_loop3A_461 : vector<16xf32>
        %parallel_loop3A_463 = arith.index_cast %parallel_loop3A_324 : i32 to index
        %parallel_loop3A_464 = arith.constant 80 : index
        %parallel_loop3A_465 = tpu.vector_load %arg25[%parallel_loop3A_463, %parallel_loop3A_464] {strides = array<i32>} : memref<40x128xf32, #tpu.memory_space<vmem>>, vector<1x16xf32>,
        %parallel_loop3A_466 = vector.shape_cast %parallel_loop3A_465 : vector<1x16xf32> to vector<16xf32>
        %parallel_loop3A_467 = arith.mulf %parallel_loop3A_466, %parallel_loop3A_454 : vector<16xf32>
        %parallel_loop3A_468 = arith.addf %parallel_loop3A_445, %parallel_loop3A_467 : vector<16xf32>
        %parallel_loop3A_469 = arith.index_cast %parallel_loop3A_324 : i32 to index
        %parallel_loop3A_470 = arith.constant 96 : index
        %parallel_loop3A_471 = tpu.vector_load %arg22[%parallel_loop3A_469, %parallel_loop3A_470] {strides = array<i32>} : memref<40x128xf32, #tpu.memory_space<vmem>>, vector<1x16xf32>,
        %parallel_loop3A_472 = vector.shape_cast %parallel_loop3A_471 : vector<1x16xf32> to vector<16xf32>
        %parallel_loop3A_473 = arith.index_cast %parallel_loop3A_324 : i32 to index
        %parallel_loop3A_474 = arith.constant 96 : index
        %parallel_loop3A_475 = tpu.vector_load %arg23[%parallel_loop3A_473, %parallel_loop3A_474] {strides = array<i32>} : memref<40x128xf32, #tpu.memory_space<vmem>>, vector<1x16xf32>,
        %parallel_loop3A_476 = vector.shape_cast %parallel_loop3A_475 : vector<1x16xf32> to vector<16xf32>
        %parallel_loop3A_477 = arith.subf %parallel_loop3A_476, %parallel_loop3A_472 : vector<16xf32>
        %parallel_loop3A_478 = arith.mulf %parallel_loop3A_477, %parallel_loop3A_477 : vector<16xf32>
        %parallel_loop3A_479 = arith.addf %parallel_loop3A_456, %parallel_loop3A_478 : vector<16xf32>
        %parallel_loop3A_480 = arith.index_cast %parallel_loop3A_324 : i32 to index
        %parallel_loop3A_481 = arith.constant 96 : index
        %parallel_loop3A_482 = tpu.vector_load %arg24[%parallel_loop3A_480, %parallel_loop3A_481] {strides = array<i32>} : memref<40x128xf32, #tpu.memory_space<vmem>>, vector<1x16xf32>,
        %parallel_loop3A_483 = vector.shape_cast %parallel_loop3A_482 : vector<1x16xf32> to vector<16xf32>
        %parallel_loop3A_484 = arith.mulf %parallel_loop3A_483, %parallel_loop3A_477 : vector<16xf32>
        %parallel_loop3A_485 = arith.addf %parallel_loop3A_462, %parallel_loop3A_484 : vector<16xf32>
        %parallel_loop3A_486 = arith.index_cast %parallel_loop3A_324 : i32 to index
        %parallel_loop3A_487 = arith.constant 96 : index
        %parallel_loop3A_488 = tpu.vector_load %arg25[%parallel_loop3A_486, %parallel_loop3A_487] {strides = array<i32>} : memref<40x128xf32, #tpu.memory_space<vmem>>, vector<1x16xf32>,
        %parallel_loop3A_489 = vector.shape_cast %parallel_loop3A_488 : vector<1x16xf32> to vector<16xf32>
        %parallel_loop3A_490 = arith.mulf %parallel_loop3A_489, %parallel_loop3A_477 : vector<16xf32>
        %parallel_loop3A_491 = arith.addf %parallel_loop3A_468, %parallel_loop3A_490 : vector<16xf32>
        %parallel_loop3A_492 = arith.index_cast %parallel_loop3A_324 : i32 to index
        %parallel_loop3A_493 = arith.constant 112 : index
        %parallel_loop3A_494 = tpu.vector_load %arg22[%parallel_loop3A_492, %parallel_loop3A_493] {strides = array<i32>} : memref<40x128xf32, #tpu.memory_space<vmem>>, vector<1x16xf32>,
        %parallel_loop3A_495 = vector.shape_cast %parallel_loop3A_494 : vector<1x16xf32> to vector<16xf32>
        %parallel_loop3A_496 = arith.index_cast %parallel_loop3A_324 : i32 to index
        %parallel_loop3A_497 = arith.constant 112 : index
        %parallel_loop3A_498 = tpu.vector_load %arg23[%parallel_loop3A_496, %parallel_loop3A_497] {strides = array<i32>} : memref<40x128xf32, #tpu.memory_space<vmem>>, vector<1x16xf32>,
        %parallel_loop3A_499 = vector.shape_cast %parallel_loop3A_498 : vector<1x16xf32> to vector<16xf32>
        %parallel_loop3A_500 = arith.subf %parallel_loop3A_499, %parallel_loop3A_495 : vector<16xf32>
        %parallel_loop3A_501 = arith.mulf %parallel_loop3A_500, %parallel_loop3A_500 : vector<16xf32>
        %parallel_loop3A_502 = arith.addf %parallel_loop3A_479, %parallel_loop3A_501 : vector<16xf32>
        %parallel_loop3A_503 = arith.index_cast %parallel_loop3A_324 : i32 to index
        %parallel_loop3A_504 = arith.constant 112 : index
        %parallel_loop3A_505 = tpu.vector_load %arg24[%parallel_loop3A_503, %parallel_loop3A_504] {strides = array<i32>} : memref<40x128xf32, #tpu.memory_space<vmem>>, vector<1x16xf32>,
        %parallel_loop3A_506 = vector.shape_cast %parallel_loop3A_505 : vector<1x16xf32> to vector<16xf32>
        %parallel_loop3A_507 = arith.mulf %parallel_loop3A_506, %parallel_loop3A_500 : vector<16xf32>
        %parallel_loop3A_508 = arith.addf %parallel_loop3A_485, %parallel_loop3A_507 : vector<16xf32>
        %parallel_loop3A_509 = arith.index_cast %parallel_loop3A_324 : i32 to index
        %parallel_loop3A_510 = arith.constant 112 : index
        %parallel_loop3A_511 = tpu.vector_load %arg25[%parallel_loop3A_509, %parallel_loop3A_510] {strides = array<i32>} : memref<40x128xf32, #tpu.memory_space<vmem>>, vector<1x16xf32>,
        %parallel_loop3A_512 = vector.shape_cast %parallel_loop3A_511 : vector<1x16xf32> to vector<16xf32>
        %parallel_loop3A_513 = arith.mulf %parallel_loop3A_512, %parallel_loop3A_500 : vector<16xf32>
        %parallel_loop3A_514 = arith.addf %parallel_loop3A_491, %parallel_loop3A_513 : vector<16xf32>
        %parallel_loop3A_515 = arith.constant 0 : i32
        %parallel_loop3A_516 = vector.broadcast %parallel_loop3A_515 : i32 to vector<16xi32>
        %parallel_loop3A_517 = arith.cmpi slt, %xor3A_3, %parallel_loop3A_516 : vector<16xi32>
        %parallel_loop3A_518 = arith.constant 16 : i32
        %parallel_loop3A_519 = vector.broadcast %parallel_loop3A_518 : i32 to vector<16xi32>
        %parallel_loop3A_520 = arith.addi %xor3A_3, %parallel_loop3A_519 : vector<16xi32>
        %parallel_loop3A_521 = arith.select %parallel_loop3A_517, %parallel_loop3A_520, %xor3A_3 : vector<16xi1>, vector<16xi32>
        %parallel_loop3A_522 = vector.shape_cast %parallel_loop3A_521 : vector<16xi32> to vector<16x1xi32>
        %parallel_loop3A_523 = vector.shape_cast %parallel_loop3A_522 : vector<16x1xi32> to vector<16xi32>
        %parallel_loop3A_524 = tpu.dynamic_gather %parallel_loop3A_502[%parallel_loop3A_523] in [0] : vector<16xf32>, vector<16xi32> -> vector<16xf32>
        %parallel_loop3A_525 = arith.addf %parallel_loop3A_502, %parallel_loop3A_524 : vector<16xf32>
        %parallel_loop3A_526 = arith.constant 0 : i32
        %parallel_loop3A_527 = vector.broadcast %parallel_loop3A_526 : i32 to vector<16xi32>
        %parallel_loop3A_528 = arith.cmpi slt, %xor3A_6, %parallel_loop3A_527 : vector<16xi32>
        %parallel_loop3A_529 = arith.constant 16 : i32
        %parallel_loop3A_530 = vector.broadcast %parallel_loop3A_529 : i32 to vector<16xi32>
        %parallel_loop3A_531 = arith.addi %xor3A_6, %parallel_loop3A_530 : vector<16xi32>
        %parallel_loop3A_532 = arith.select %parallel_loop3A_528, %parallel_loop3A_531, %xor3A_6 : vector<16xi1>, vector<16xi32>
        %parallel_loop3A_533 = vector.shape_cast %parallel_loop3A_532 : vector<16xi32> to vector<16x1xi32>
        %parallel_loop3A_534 = vector.shape_cast %parallel_loop3A_533 : vector<16x1xi32> to vector<16xi32>
        %parallel_loop3A_535 = tpu.dynamic_gather %parallel_loop3A_525[%parallel_loop3A_534] in [0] : vector<16xf32>, vector<16xi32> -> vector<16xf32>
        %parallel_loop3A_536 = arith.addf %parallel_loop3A_525, %parallel_loop3A_535 : vector<16xf32>
        %parallel_loop3A_537 = arith.constant 0 : i32
        %parallel_loop3A_538 = vector.broadcast %parallel_loop3A_537 : i32 to vector<16xi32>
        %parallel_loop3A_539 = arith.cmpi slt, %xor3A_9, %parallel_loop3A_538 : vector<16xi32>
        %parallel_loop3A_540 = arith.constant 16 : i32
        %parallel_loop3A_541 = vector.broadcast %parallel_loop3A_540 : i32 to vector<16xi32>
        %parallel_loop3A_542 = arith.addi %xor3A_9, %parallel_loop3A_541 : vector<16xi32>
        %parallel_loop3A_543 = arith.select %parallel_loop3A_539, %parallel_loop3A_542, %xor3A_9 : vector<16xi1>, vector<16xi32>
        %parallel_loop3A_544 = vector.shape_cast %parallel_loop3A_543 : vector<16xi32> to vector<16x1xi32>
        %parallel_loop3A_545 = vector.shape_cast %parallel_loop3A_544 : vector<16x1xi32> to vector<16xi32>
        %parallel_loop3A_546 = tpu.dynamic_gather %parallel_loop3A_536[%parallel_loop3A_545] in [0] : vector<16xf32>, vector<16xi32> -> vector<16xf32>
        %parallel_loop3A_547 = arith.addf %parallel_loop3A_536, %parallel_loop3A_546 : vector<16xf32>
        %parallel_loop3A_548 = arith.constant 0 : i32
        %parallel_loop3A_549 = vector.broadcast %parallel_loop3A_548 : i32 to vector<16xi32>
        %parallel_loop3A_550 = arith.cmpi slt, %xor3A_12, %parallel_loop3A_549 : vector<16xi32>
        %parallel_loop3A_551 = arith.constant 16 : i32
        %parallel_loop3A_552 = vector.broadcast %parallel_loop3A_551 : i32 to vector<16xi32>
        %parallel_loop3A_553 = arith.addi %xor3A_12, %parallel_loop3A_552 : vector<16xi32>
        %parallel_loop3A_554 = arith.select %parallel_loop3A_550, %parallel_loop3A_553, %xor3A_12 : vector<16xi1>, vector<16xi32>
        %parallel_loop3A_555 = vector.shape_cast %parallel_loop3A_554 : vector<16xi32> to vector<16x1xi32>
        %parallel_loop3A_556 = vector.shape_cast %parallel_loop3A_555 : vector<16x1xi32> to vector<16xi32>
        %parallel_loop3A_557 = tpu.dynamic_gather %parallel_loop3A_547[%parallel_loop3A_556] in [0] : vector<16xf32>, vector<16xi32> -> vector<16xf32>
        %parallel_loop3A_558 = arith.addf %parallel_loop3A_547, %parallel_loop3A_557 : vector<16xf32>
        %parallel_loop3A_559 = arith.constant 9.99999997E-7 : f32
        %parallel_loop3A_560 = vector.broadcast %parallel_loop3A_559 : f32 to vector<16xf32>
        %parallel_loop3A_561 = arith.maximumf %parallel_loop3A_558, %parallel_loop3A_560 : vector<16xf32>
        %parallel_loop3A_562 = arith.constant 1.000000e+00 : f32
        %parallel_loop3A_563 = vector.broadcast %parallel_loop3A_562 : f32 to vector<16xf32>
        %parallel_loop3A_564 = arith.divf %parallel_loop3A_563, %parallel_loop3A_561 : vector<16xf32>
        %parallel_loop3A_565 = arith.constant 0 : i32
        %parallel_loop3A_566 = vector.broadcast %parallel_loop3A_565 : i32 to vector<16xi32>
        %parallel_loop3A_567 = arith.cmpi slt, %xor3A_3, %parallel_loop3A_566 : vector<16xi32>
        %parallel_loop3A_568 = arith.constant 16 : i32
        %parallel_loop3A_569 = vector.broadcast %parallel_loop3A_568 : i32 to vector<16xi32>
        %parallel_loop3A_570 = arith.addi %xor3A_3, %parallel_loop3A_569 : vector<16xi32>
        %parallel_loop3A_571 = arith.select %parallel_loop3A_567, %parallel_loop3A_570, %xor3A_3 : vector<16xi1>, vector<16xi32>
        %parallel_loop3A_572 = vector.shape_cast %parallel_loop3A_571 : vector<16xi32> to vector<16x1xi32>
        %parallel_loop3A_573 = vector.shape_cast %parallel_loop3A_572 : vector<16x1xi32> to vector<16xi32>
        %parallel_loop3A_574 = tpu.dynamic_gather %parallel_loop3A_508[%parallel_loop3A_573] in [0] : vector<16xf32>, vector<16xi32> -> vector<16xf32>
        %parallel_loop3A_575 = arith.addf %parallel_loop3A_508, %parallel_loop3A_574 : vector<16xf32>
        %parallel_loop3A_576 = arith.constant 0 : i32
        %parallel_loop3A_577 = vector.broadcast %parallel_loop3A_576 : i32 to vector<16xi32>
        %parallel_loop3A_578 = arith.cmpi slt, %xor3A_6, %parallel_loop3A_577 : vector<16xi32>
        %parallel_loop3A_579 = arith.constant 16 : i32
        %parallel_loop3A_580 = vector.broadcast %parallel_loop3A_579 : i32 to vector<16xi32>
        %parallel_loop3A_581 = arith.addi %xor3A_6, %parallel_loop3A_580 : vector<16xi32>
        %parallel_loop3A_582 = arith.select %parallel_loop3A_578, %parallel_loop3A_581, %xor3A_6 : vector<16xi1>, vector<16xi32>
        %parallel_loop3A_583 = vector.shape_cast %parallel_loop3A_582 : vector<16xi32> to vector<16x1xi32>
        %parallel_loop3A_584 = vector.shape_cast %parallel_loop3A_583 : vector<16x1xi32> to vector<16xi32>
        %parallel_loop3A_585 = tpu.dynamic_gather %parallel_loop3A_575[%parallel_loop3A_584] in [0] : vector<16xf32>, vector<16xi32> -> vector<16xf32>
        %parallel_loop3A_586 = arith.addf %parallel_loop3A_575, %parallel_loop3A_585 : vector<16xf32>
        %parallel_loop3A_587 = arith.constant 0 : i32
        %parallel_loop3A_588 = vector.broadcast %parallel_loop3A_587 : i32 to vector<16xi32>
        %parallel_loop3A_589 = arith.cmpi slt, %xor3A_9, %parallel_loop3A_588 : vector<16xi32>
        %parallel_loop3A_590 = arith.constant 16 : i32
        %parallel_loop3A_591 = vector.broadcast %parallel_loop3A_590 : i32 to vector<16xi32>
        %parallel_loop3A_592 = arith.addi %xor3A_9, %parallel_loop3A_591 : vector<16xi32>
        %parallel_loop3A_593 = arith.select %parallel_loop3A_589, %parallel_loop3A_592, %xor3A_9 : vector<16xi1>, vector<16xi32>
        %parallel_loop3A_594 = vector.shape_cast %parallel_loop3A_593 : vector<16xi32> to vector<16x1xi32>
        %parallel_loop3A_595 = vector.shape_cast %parallel_loop3A_594 : vector<16x1xi32> to vector<16xi32>
        %parallel_loop3A_596 = tpu.dynamic_gather %parallel_loop3A_586[%parallel_loop3A_595] in [0] : vector<16xf32>, vector<16xi32> -> vector<16xf32>
        %parallel_loop3A_597 = arith.addf %parallel_loop3A_586, %parallel_loop3A_596 : vector<16xf32>
        %parallel_loop3A_598 = arith.constant 0 : i32
        %parallel_loop3A_599 = vector.broadcast %parallel_loop3A_598 : i32 to vector<16xi32>
        %parallel_loop3A_600 = arith.cmpi slt, %xor3A_12, %parallel_loop3A_599 : vector<16xi32>
        %parallel_loop3A_601 = arith.constant 16 : i32
        %parallel_loop3A_602 = vector.broadcast %parallel_loop3A_601 : i32 to vector<16xi32>
        %parallel_loop3A_603 = arith.addi %xor3A_12, %parallel_loop3A_602 : vector<16xi32>
        %parallel_loop3A_604 = arith.select %parallel_loop3A_600, %parallel_loop3A_603, %xor3A_12 : vector<16xi1>, vector<16xi32>
        %parallel_loop3A_605 = vector.shape_cast %parallel_loop3A_604 : vector<16xi32> to vector<16x1xi32>
        %parallel_loop3A_606 = vector.shape_cast %parallel_loop3A_605 : vector<16x1xi32> to vector<16xi32>
        %parallel_loop3A_607 = tpu.dynamic_gather %parallel_loop3A_597[%parallel_loop3A_606] in [0] : vector<16xf32>, vector<16xi32> -> vector<16xf32>
        %parallel_loop3A_608 = arith.addf %parallel_loop3A_597, %parallel_loop3A_607 : vector<16xf32>
        %parallel_loop3A_609 = arith.mulf %parallel_loop3A_608, %parallel_loop3A_564 : vector<16xf32>
        %parallel_loop3A_610 = arith.constant 0 : i32
        %parallel_loop3A_611 = vector.broadcast %parallel_loop3A_610 : i32 to vector<16xi32>
        %parallel_loop3A_612 = arith.cmpi slt, %xor3A_3, %parallel_loop3A_611 : vector<16xi32>
        %parallel_loop3A_613 = arith.constant 16 : i32
        %parallel_loop3A_614 = vector.broadcast %parallel_loop3A_613 : i32 to vector<16xi32>
        %parallel_loop3A_615 = arith.addi %xor3A_3, %parallel_loop3A_614 : vector<16xi32>
        %parallel_loop3A_616 = arith.select %parallel_loop3A_612, %parallel_loop3A_615, %xor3A_3 : vector<16xi1>, vector<16xi32>
        %parallel_loop3A_617 = vector.shape_cast %parallel_loop3A_616 : vector<16xi32> to vector<16x1xi32>
        %parallel_loop3A_618 = vector.shape_cast %parallel_loop3A_617 : vector<16x1xi32> to vector<16xi32>
        %parallel_loop3A_619 = tpu.dynamic_gather %parallel_loop3A_514[%parallel_loop3A_618] in [0] : vector<16xf32>, vector<16xi32> -> vector<16xf32>
        %parallel_loop3A_620 = arith.addf %parallel_loop3A_514, %parallel_loop3A_619 : vector<16xf32>
        %parallel_loop3A_621 = arith.constant 0 : i32
        %parallel_loop3A_622 = vector.broadcast %parallel_loop3A_621 : i32 to vector<16xi32>
        %parallel_loop3A_623 = arith.cmpi slt, %xor3A_6, %parallel_loop3A_622 : vector<16xi32>
        %parallel_loop3A_624 = arith.constant 16 : i32
        %parallel_loop3A_625 = vector.broadcast %parallel_loop3A_624 : i32 to vector<16xi32>
        %parallel_loop3A_626 = arith.addi %xor3A_6, %parallel_loop3A_625 : vector<16xi32>
        %parallel_loop3A_627 = arith.select %parallel_loop3A_623, %parallel_loop3A_626, %xor3A_6 : vector<16xi1>, vector<16xi32>
        %parallel_loop3A_628 = vector.shape_cast %parallel_loop3A_627 : vector<16xi32> to vector<16x1xi32>
        %parallel_loop3A_629 = vector.shape_cast %parallel_loop3A_628 : vector<16x1xi32> to vector<16xi32>
        %parallel_loop3A_630 = tpu.dynamic_gather %parallel_loop3A_620[%parallel_loop3A_629] in [0] : vector<16xf32>, vector<16xi32> -> vector<16xf32>
        %parallel_loop3A_631 = arith.addf %parallel_loop3A_620, %parallel_loop3A_630 : vector<16xf32>
        %parallel_loop3A_632 = arith.constant 0 : i32
        %parallel_loop3A_633 = vector.broadcast %parallel_loop3A_632 : i32 to vector<16xi32>
        %parallel_loop3A_634 = arith.cmpi slt, %xor3A_9, %parallel_loop3A_633 : vector<16xi32>
        %parallel_loop3A_635 = arith.constant 16 : i32
        %parallel_loop3A_636 = vector.broadcast %parallel_loop3A_635 : i32 to vector<16xi32>
        %parallel_loop3A_637 = arith.addi %xor3A_9, %parallel_loop3A_636 : vector<16xi32>
        %parallel_loop3A_638 = arith.select %parallel_loop3A_634, %parallel_loop3A_637, %xor3A_9 : vector<16xi1>, vector<16xi32>
        %parallel_loop3A_639 = vector.shape_cast %parallel_loop3A_638 : vector<16xi32> to vector<16x1xi32>
        %parallel_loop3A_640 = vector.shape_cast %parallel_loop3A_639 : vector<16x1xi32> to vector<16xi32>
        %parallel_loop3A_641 = tpu.dynamic_gather %parallel_loop3A_631[%parallel_loop3A_640] in [0] : vector<16xf32>, vector<16xi32> -> vector<16xf32>
        %parallel_loop3A_642 = arith.addf %parallel_loop3A_631, %parallel_loop3A_641 : vector<16xf32>
        %parallel_loop3A_643 = arith.constant 0 : i32
        %parallel_loop3A_644 = vector.broadcast %parallel_loop3A_643 : i32 to vector<16xi32>
        %parallel_loop3A_645 = arith.cmpi slt, %xor3A_12, %parallel_loop3A_644 : vector<16xi32>
        %parallel_loop3A_646 = arith.constant 16 : i32
        %parallel_loop3A_647 = vector.broadcast %parallel_loop3A_646 : i32 to vector<16xi32>
        %parallel_loop3A_648 = arith.addi %xor3A_12, %parallel_loop3A_647 : vector<16xi32>
        %parallel_loop3A_649 = arith.select %parallel_loop3A_645, %parallel_loop3A_648, %xor3A_12 : vector<16xi1>, vector<16xi32>
        %parallel_loop3A_650 = vector.shape_cast %parallel_loop3A_649 : vector<16xi32> to vector<16x1xi32>
        %parallel_loop3A_651 = vector.shape_cast %parallel_loop3A_650 : vector<16x1xi32> to vector<16xi32>
        %parallel_loop3A_652 = tpu.dynamic_gather %parallel_loop3A_642[%parallel_loop3A_651] in [0] : vector<16xf32>, vector<16xi32> -> vector<16xf32>
        %parallel_loop3A_653 = arith.addf %parallel_loop3A_642, %parallel_loop3A_652 : vector<16xf32>
        %parallel_loop3A_654 = arith.mulf %parallel_loop3A_653, %parallel_loop3A_564 : vector<16xf32>
        %parallel_loop3A_655 = arith.index_cast %parallel_loop3A_324 : i32 to index
        %parallel_loop3A_656 = arith.constant 0 : index
        %parallel_loop3A_657 = tpu.vector_load %arg26[%parallel_loop3A_655, %parallel_loop3A_656] {strides = array<i32>} : memref<40x64xf32, #tpu.memory_space<vmem>>, vector<1x16xf32>,
        %parallel_loop3A_658 = vector.shape_cast %parallel_loop3A_657 : vector<1x16xf32> to vector<16xf32>
        %parallel_loop3A_659 = arith.mulf %parallel_loop3A_658, %parallel_loop3A_609 : vector<16xf32>
        %parallel_loop3A_660 = arith.index_cast %parallel_loop3A_324 : i32 to index
        %parallel_loop3A_661 = arith.constant 0 : index
        %parallel_loop3A_662 = tpu.vector_load %arg27[%parallel_loop3A_660, %parallel_loop3A_661] {strides = array<i32>} : memref<40x64xf32, #tpu.memory_space<vmem>>, vector<1x16xf32>,
        %parallel_loop3A_663 = vector.shape_cast %parallel_loop3A_662 : vector<1x16xf32> to vector<16xf32>
        %parallel_loop3A_664 = vector.shape_cast %parallel_loop3A_659 : vector<16xf32> to vector<1x16xf32>
        tpu.vector_store %arg27[%parallel_loop3A_660, %parallel_loop3A_661], %parallel_loop3A_664 {strides = array<i32>} : memref<40x64xf32, #tpu.memory_space<vmem>>, vector<1x16xf32>,
        %parallel_loop3A_665 = arith.mulf %parallel_loop3A_658, %parallel_loop3A_654 : vector<16xf32>
        %parallel_loop3A_666 = arith.index_cast %parallel_loop3A_324 : i32 to index
        %parallel_loop3A_667 = arith.constant 0 : index
        %parallel_loop3A_668 = tpu.vector_load %arg28[%parallel_loop3A_666, %parallel_loop3A_667] {strides = array<i32>} : memref<40x64xf32, #tpu.memory_space<vmem>>, vector<1x16xf32>,
        %parallel_loop3A_669 = vector.shape_cast %parallel_loop3A_668 : vector<1x16xf32> to vector<16xf32>
        %parallel_loop3A_670 = vector.shape_cast %parallel_loop3A_665 : vector<16xf32> to vector<1x16xf32>
        tpu.vector_store %arg28[%parallel_loop3A_666, %parallel_loop3A_667], %parallel_loop3A_670 {strides = array<i32>} : memref<40x64xf32, #tpu.memory_space<vmem>>, vector<1x16xf32>,
        %parallel_loop3A_671 = arith.index_cast %parallel_loop3A_324 : i32 to index
        %parallel_loop3A_672 = arith.constant 16 : index
        %parallel_loop3A_673 = tpu.vector_load %arg26[%parallel_loop3A_671, %parallel_loop3A_672] {strides = array<i32>} : memref<40x64xf32, #tpu.memory_space<vmem>>, vector<1x16xf32>,
        %parallel_loop3A_674 = vector.shape_cast %parallel_loop3A_673 : vector<1x16xf32> to vector<16xf32>
        %parallel_loop3A_675 = arith.mulf %parallel_loop3A_674, %parallel_loop3A_609 : vector<16xf32>
        %parallel_loop3A_676 = arith.index_cast %parallel_loop3A_324 : i32 to index
        %parallel_loop3A_677 = arith.constant 16 : index
        %parallel_loop3A_678 = tpu.vector_load %arg27[%parallel_loop3A_676, %parallel_loop3A_677] {strides = array<i32>} : memref<40x64xf32, #tpu.memory_space<vmem>>, vector<1x16xf32>,
        %parallel_loop3A_679 = vector.shape_cast %parallel_loop3A_678 : vector<1x16xf32> to vector<16xf32>
        %parallel_loop3A_680 = vector.shape_cast %parallel_loop3A_675 : vector<16xf32> to vector<1x16xf32>
        tpu.vector_store %arg27[%parallel_loop3A_676, %parallel_loop3A_677], %parallel_loop3A_680 {strides = array<i32>} : memref<40x64xf32, #tpu.memory_space<vmem>>, vector<1x16xf32>,
        %parallel_loop3A_681 = arith.mulf %parallel_loop3A_674, %parallel_loop3A_654 : vector<16xf32>
        %parallel_loop3A_682 = arith.index_cast %parallel_loop3A_324 : i32 to index
        %parallel_loop3A_683 = arith.constant 16 : index
        %parallel_loop3A_684 = tpu.vector_load %arg28[%parallel_loop3A_682, %parallel_loop3A_683] {strides = array<i32>} : memref<40x64xf32, #tpu.memory_space<vmem>>, vector<1x16xf32>,
        %parallel_loop3A_685 = vector.shape_cast %parallel_loop3A_684 : vector<1x16xf32> to vector<16xf32>
        %parallel_loop3A_686 = vector.shape_cast %parallel_loop3A_681 : vector<16xf32> to vector<1x16xf32>
        tpu.vector_store %arg28[%parallel_loop3A_682, %parallel_loop3A_683], %parallel_loop3A_686 {strides = array<i32>} : memref<40x64xf32, #tpu.memory_space<vmem>>, vector<1x16xf32>,
        %parallel_loop3A_687 = arith.index_cast %parallel_loop3A_324 : i32 to index
        %parallel_loop3A_688 = arith.constant 32 : index
        %parallel_loop3A_689 = tpu.vector_load %arg26[%parallel_loop3A_687, %parallel_loop3A_688] {strides = array<i32>} : memref<40x64xf32, #tpu.memory_space<vmem>>, vector<1x16xf32>,
        %parallel_loop3A_690 = vector.shape_cast %parallel_loop3A_689 : vector<1x16xf32> to vector<16xf32>
        %parallel_loop3A_691 = arith.mulf %parallel_loop3A_690, %parallel_loop3A_609 : vector<16xf32>
        %parallel_loop3A_692 = arith.index_cast %parallel_loop3A_324 : i32 to index
        %parallel_loop3A_693 = arith.constant 32 : index
        %parallel_loop3A_694 = tpu.vector_load %arg27[%parallel_loop3A_692, %parallel_loop3A_693] {strides = array<i32>} : memref<40x64xf32, #tpu.memory_space<vmem>>, vector<1x16xf32>,
        %parallel_loop3A_695 = vector.shape_cast %parallel_loop3A_694 : vector<1x16xf32> to vector<16xf32>
        %parallel_loop3A_696 = vector.shape_cast %parallel_loop3A_691 : vector<16xf32> to vector<1x16xf32>
        tpu.vector_store %arg27[%parallel_loop3A_692, %parallel_loop3A_693], %parallel_loop3A_696 {strides = array<i32>} : memref<40x64xf32, #tpu.memory_space<vmem>>, vector<1x16xf32>,
        %parallel_loop3A_697 = arith.mulf %parallel_loop3A_690, %parallel_loop3A_654 : vector<16xf32>
        %parallel_loop3A_698 = arith.index_cast %parallel_loop3A_324 : i32 to index
        %parallel_loop3A_699 = arith.constant 32 : index
        %parallel_loop3A_700 = tpu.vector_load %arg28[%parallel_loop3A_698, %parallel_loop3A_699] {strides = array<i32>} : memref<40x64xf32, #tpu.memory_space<vmem>>, vector<1x16xf32>,
        %parallel_loop3A_701 = vector.shape_cast %parallel_loop3A_700 : vector<1x16xf32> to vector<16xf32>
        %parallel_loop3A_702 = vector.shape_cast %parallel_loop3A_697 : vector<16xf32> to vector<1x16xf32>
        tpu.vector_store %arg28[%parallel_loop3A_698, %parallel_loop3A_699], %parallel_loop3A_702 {strides = array<i32>} : memref<40x64xf32, #tpu.memory_space<vmem>>, vector<1x16xf32>,
        %parallel_loop3A_703 = arith.index_cast %parallel_loop3A_324 : i32 to index
        %parallel_loop3A_704 = arith.constant 48 : index
        %parallel_loop3A_705 = tpu.vector_load %arg26[%parallel_loop3A_703, %parallel_loop3A_704] {strides = array<i32>} : memref<40x64xf32, #tpu.memory_space<vmem>>, vector<1x16xf32>,
        %parallel_loop3A_706 = vector.shape_cast %parallel_loop3A_705 : vector<1x16xf32> to vector<16xf32>
        %parallel_loop3A_707 = arith.mulf %parallel_loop3A_706, %parallel_loop3A_609 : vector<16xf32>
        %parallel_loop3A_708 = arith.index_cast %parallel_loop3A_324 : i32 to index
        %parallel_loop3A_709 = arith.constant 48 : index
        %parallel_loop3A_710 = tpu.vector_load %arg27[%parallel_loop3A_708, %parallel_loop3A_709] {strides = array<i32>} : memref<40x64xf32, #tpu.memory_space<vmem>>, vector<1x16xf32>,
        %parallel_loop3A_711 = vector.shape_cast %parallel_loop3A_710 : vector<1x16xf32> to vector<16xf32>
        %parallel_loop3A_712 = vector.shape_cast %parallel_loop3A_707 : vector<16xf32> to vector<1x16xf32>
        tpu.vector_store %arg27[%parallel_loop3A_708, %parallel_loop3A_709], %parallel_loop3A_712 {strides = array<i32>} : memref<40x64xf32, #tpu.memory_space<vmem>>, vector<1x16xf32>,
        %parallel_loop3A_713 = arith.mulf %parallel_loop3A_706, %parallel_loop3A_654 : vector<16xf32>
        %parallel_loop3A_714 = arith.index_cast %parallel_loop3A_324 : i32 to index
        %parallel_loop3A_715 = arith.constant 48 : index
        %parallel_loop3A_716 = tpu.vector_load %arg28[%parallel_loop3A_714, %parallel_loop3A_715] {strides = array<i32>} : memref<40x64xf32, #tpu.memory_space<vmem>>, vector<1x16xf32>,
        %parallel_loop3A_717 = vector.shape_cast %parallel_loop3A_716 : vector<1x16xf32> to vector<16xf32>
        %parallel_loop3A_718 = vector.shape_cast %parallel_loop3A_713 : vector<16xf32> to vector<1x16xf32>
        tpu.vector_store %arg28[%parallel_loop3A_714, %parallel_loop3A_715], %parallel_loop3A_718 {strides = array<i32>} : memref<40x64xf32, #tpu.memory_space<vmem>>, vector<1x16xf32>,
      } {sc.loop_unroll_factor = 8 : i64, sc.parallel_access}
      %dma_start3A_318 = arith.constant 0 : i32
      %dma_start3A_319 = arith.constant 0 : i32
      %dma_start3A_320 = tpu.memref_slice %arg10[%dma_start3A_318, %dma_start3A_319] : memref<10240x64xf32, #tpu.memory_space<vmem_shared>> -> memref<10240x64xf32, #tpu.memory_space<vmem_shared>>
      tpu.enqueue_indirect_dma source(%arg27 : memref<40x64xf32, #tpu.memory_space<vmem>>) target(%dma_start3A_320 : memref<10240x64xf32, #tpu.memory_space<vmem_shared>>) offsets(%arg29 : memref<40xi32, #tpu.memory_space<vmem>>) semaphore(%arg32 : memref<!tpu.dma_semaphore, #tpu.memory_space<semaphore_mem>>) {add = true}
      %dma_start3A_321 = arith.constant 0 : i32
      %dma_start3A_322 = arith.constant 0 : i32
      %dma_start3A_323 = tpu.memref_slice %arg10[%dma_start3A_321, %dma_start3A_322] : memref<10240x64xf32, #tpu.memory_space<vmem_shared>> -> memref<10240x64xf32, #tpu.memory_space<vmem_shared>>
      tpu.enqueue_indirect_dma source(%arg28 : memref<40x64xf32, #tpu.memory_space<vmem>>) target(%dma_start3A_323 : memref<10240x64xf32, #tpu.memory_space<vmem_shared>>) offsets(%arg30 : memref<40xi32, #tpu.memory_space<vmem>>) semaphore(%arg32 : memref<!tpu.dma_semaphore, #tpu.memory_space<semaphore_mem>>) {add = true}
    }
    %scan3A_83 = arith.constant 125 : i32
    %dma_wait3A = arith.constant 0 : i32
    %dma_wait3A_84 = arith.constant 0 : i32
    %dma_wait3A_85 = tpu.memref_slice %arg10[%dma_wait3A, %dma_wait3A_84] : memref<10240x64xf32, #tpu.memory_space<vmem_shared>> -> memref<10240x64xf32, #tpu.memory_space<vmem_shared>>
    tpu.wait_indirect_dma semaphore(%arg21 : memref<!tpu.dma_semaphore, #tpu.memory_space<semaphore_mem>>) src(%arg16 : memref<40x64xf32, #tpu.memory_space<vmem>>) dst(%dma_wait3A_85 : memref<10240x64xf32, #tpu.memory_space<vmem_shared>>)
    %dma_wait3A_86 = arith.constant 0 : i32
    %dma_wait3A_87 = arith.constant 0 : i32
    %dma_wait3A_88 = tpu.memref_slice %arg10[%dma_wait3A_86, %dma_wait3A_87] : memref<10240x64xf32, #tpu.memory_space<vmem_shared>> -> memref<10240x64xf32, #tpu.memory_space<vmem_shared>>
    tpu.wait_indirect_dma semaphore(%arg21 : memref<!tpu.dma_semaphore, #tpu.memory_space<semaphore_mem>>) src(%arg17 : memref<40x64xf32, #tpu.memory_space<vmem>>) dst(%dma_wait3A_88 : memref<10240x64xf32, #tpu.memory_space<vmem_shared>>)
    %dma_wait3A_89 = arith.constant 0 : i32
    %dma_wait3A_90 = arith.constant 0 : i32
    %dma_wait3A_91 = tpu.memref_slice %arg10[%dma_wait3A_89, %dma_wait3A_90] : memref<10240x64xf32, #tpu.memory_space<vmem_shared>> -> memref<10240x64xf32, #tpu.memory_space<vmem_shared>>
    tpu.wait_indirect_dma semaphore(%arg32 : memref<!tpu.dma_semaphore, #tpu.memory_space<semaphore_mem>>) src(%arg27 : memref<40x64xf32, #tpu.memory_space<vmem>>) dst(%dma_wait3A_91 : memref<10240x64xf32, #tpu.memory_space<vmem_shared>>)
    %dma_wait3A_92 = arith.constant 0 : i32
    %dma_wait3A_93 = arith.constant 0 : i32
    %dma_wait3A_94 = tpu.memref_slice %arg10[%dma_wait3A_92, %dma_wait3A_93] : memref<10240x64xf32, #tpu.memory_space<vmem_shared>> -> memref<10240x64xf32, #tpu.memory_space<vmem_shared>>
    tpu.wait_indirect_dma semaphore(%arg32 : memref<!tpu.dma_semaphore, #tpu.memory_space<semaphore_mem>>) src(%arg28 : memref<40x64xf32, #tpu.memory_space<vmem>>) dst(%dma_wait3A_94 : memref<10240x64xf32, #tpu.memory_space<vmem_shared>>)
    %barrier3A_95 = arith.constant 0 : index
    tpu.barrier barrier_id(%barrier3A_95)
    %mul3A_96 = arith.constant 640 : i32
    %mul3A_97 = arith.muli %arg1, %mul3A_96 : i32
    %mul3A_98 = arith.constant 640 : i32
    %mul3A_99 = arith.muli %arg1, %mul3A_98 : i32
    "tpu.region"() ({
      %run_scoped3A_100 = tpu.sem_alloc : memref<!tpu.dma_semaphore, #tpu.memory_space<semaphore_mem>>
      %dma_start3A_101 = arith.constant 0 : i32
      %dma_start3A_102 = tpu.memref_slice %arg6[%arg0, %mul3A_99, %dma_start3A_101] : memref<2x10240x64xf32, #tpu.memory_space<hbm>> -> memref<1x640x64xf32, #tpu.memory_space<hbm>>
      %dma_start3A_103 = tpu.memref_squeeze %dma_start3A_102 : memref<1x640x64xf32, #tpu.memory_space<hbm>> -> memref<640x64xf32, #tpu.memory_space<hbm>>
      %dma_start3A_104 = arith.constant 0 : i32
      %dma_start3A_105 = tpu.memref_slice %arg10[%mul3A_97, %dma_start3A_104] : memref<10240x64xf32, #tpu.memory_space<vmem_shared>> -> memref<640x64xf32, #tpu.memory_space<vmem_shared>>
      tpu.enqueue_dma source(%dma_start3A_105 : memref<640x64xf32, #tpu.memory_space<vmem_shared>>) target(%dma_start3A_103 : memref<640x64xf32, #tpu.memory_space<hbm>>) target_semaphore(%run_scoped3A_100 : memref<!tpu.dma_semaphore, #tpu.memory_space<semaphore_mem>>)
      %dma_wait3A_106 = arith.constant 0 : i32
      %dma_wait3A_107 = tpu.memref_slice %arg6[%arg0, %mul3A_99, %dma_wait3A_106] : memref<2x10240x64xf32, #tpu.memory_space<hbm>> -> memref<1x640x64xf32, #tpu.memory_space<hbm>>
      %dma_wait3A_108 = tpu.memref_squeeze %dma_wait3A_107 : memref<1x640x64xf32, #tpu.memory_space<hbm>> -> memref<640x64xf32, #tpu.memory_space<hbm>>
      %dma_wait3A_109 = arith.constant 0 : i32
      %dma_wait3A_110 = tpu.memref_slice %arg10[%mul3A_97, %dma_wait3A_109] : memref<10240x64xf32, #tpu.memory_space<vmem_shared>> -> memref<640x64xf32, #tpu.memory_space<vmem_shared>>
      tpu.wait_dma2 semaphore(%run_scoped3A_100 : memref<!tpu.dma_semaphore, #tpu.memory_space<semaphore_mem>>) src(%dma_wait3A_110 : memref<640x64xf32, #tpu.memory_space<vmem_shared>>) dst(%dma_wait3A_108 : memref<640x64xf32, #tpu.memory_space<hbm>>)
      tpu.yield
    }) : () -> ()
    return
  }
}

module attributes {stable_mosaic.version = 14 : i64} {
  func.func @_combine_body(%arg0: memref<2x10240x64xf32, #tpu.memory_space<vmem>>, %arg1: memref<64x64xf32, #tpu.memory_space<vmem>>, %arg2: memref<10240x64xf32, #tpu.memory_space<vmem>>) attributes {dimension_semantics = [], scalar_prefetch = 0 : i64, scratch_operands = 0 : i64, tpu.core_type = #tpu.core_type<tc>} {
    %get3A = arith.constant 0 : index
    %get3A_0 = arith.constant 0 : index
    %get3A_1 = arith.constant 0 : index
    %get3A_2 = vector.load %arg0[%get3A, %get3A_0, %get3A_1] : memref<2x10240x64xf32, #tpu.memory_space<vmem>>, vector<1x10240x64xf32>
    %get3A_3 = vector.shape_cast %get3A_2 : vector<1x10240x64xf32> to vector<10240x64xf32>
    %get3A_4 = arith.constant 1 : index
    %get3A_5 = arith.constant 0 : index
    %get3A_6 = arith.constant 0 : index
    %get3A_7 = vector.load %arg0[%get3A_4, %get3A_5, %get3A_6] : memref<2x10240x64xf32, #tpu.memory_space<vmem>>, vector<1x10240x64xf32>
    %get3A_8 = vector.shape_cast %get3A_7 : vector<1x10240x64xf32> to vector<10240x64xf32>
    %add3A = arith.addf %get3A_3, %get3A_8 : vector<10240x64xf32>
    %get3A_9 = arith.constant 0 : index
    %get3A_10 = arith.constant 0 : index
    %get3A_11 = vector.load %arg1[%get3A_9, %get3A_10] : memref<64x64xf32, #tpu.memory_space<vmem>>, vector<64x64xf32>
    %dot_general3A = arith.constant dense<0.000000e+00> : vector<10240x64xf32>
    %dot_general3A_12 = tpu.matmul %add3A, %get3A_11, %dot_general3A {dimension_numbers = #tpu.dot_dimension_numbers<[1], [0], [0], [1], [0, 0, 1, 1], [], []>, transpose_lhs_hint = false} : vector<10240x64xf32>, vector<64x64xf32>, vector<10240x64xf32> -> vector<10240x64xf32>
    %sub3A = arith.subf %add3A, %dot_general3A_12 : vector<10240x64xf32>
    %mul3A = arith.constant 5.000000e-01 : f32
    %mul3A_13 = vector.broadcast %mul3A : f32 to vector<10240x64xf32>
    %mul3A_14 = arith.mulf %mul3A_13, %sub3A : vector<10240x64xf32>
    %swap3A = arith.constant 0 : index
    %swap3A_15 = arith.constant 0 : index
    %swap3A_16 = vector.load %arg2[%swap3A, %swap3A_15] : memref<10240x64xf32, #tpu.memory_space<vmem>>, vector<10240x64xf32>
    tpu.vector_store %arg2[%swap3A, %swap3A_15], %mul3A_14 {strides = array<i32>} : memref<10240x64xf32, #tpu.memory_space<vmem>>, vector<10240x64xf32>,
    return
  }
}

</mosaic_0001>

<sc_bundles>
// kernel: kernel.4.cloned.1.call-start
scs
__scs_entry_jumppad:
0x0: {  	(pc) =	sbr.rel $0x88, $3  }
0x1: {  	(tag) =	ssettag $0x0;
	lr =	simm.s32 $0x1  }
0x2: {  	[smem:$0x3F9D] =	sst lr;
	_ =	strace $0xD0000000  }
0x3: {  	_ = 	snop  }
0x4: {  	_ = 	snop  }
0x5: {  	_ = 	snop  }
0x6: {  	_ = 	snop  }
0x7: {  	_ = 	snop  }
__scs_overlays_trampoline_lowered:
0x8: {  	[smem:$0x3FAC] =	sst s0  }
0x9: {  	[smem:$0x3FAD] =	sst s1  }
0xa: {  	[smem:$0x3FAE] =	sst s2  }
0xb: {  	[smem:$0x3FAF] =	sst s3  }
0xc: {  	[smem:$0x3FB0] =	sst s4  }
0xd: {  	[smem:$0x3FB1] =	sst s5  }
0xe: {  	[smem:$0x3FB2] =	sst s6  }
0xf: {  	[smem:$0x3FB3] =	sst s7  }
0x10: {  	[smem:$0x3FB4] =	sst s8  }
0x11: {  	[smem:$0x3FB5] =	sst s9;
	s0 =	simm.s32 @!p0 $0x0  }
0x12: {  	s1 =	sld [smem:$0x3F9B];
	s0 =	simm.s32 @p0 $0x1  }
0x13: {  	[smem:$0x3FB6] =	sst s0;
	s0 =	simm.s32 @!p1 $0x0  }
0x14: {  	s2 =	sld [smem:$0x3F9A];
	s0 =	simm.s32 @p1 $0x1  }
0x15: {  	[smem:$0x3FB7] =	sst s0;
	s0 =	simm.s32 @!p2 $0x0  }
0x16: {  	s3 =	sld [smem:$0x3FDB];
	s0 =	simm.s32 @p2 $0x1  }
0x17: {  	s4 =	simm.s32 $0x1BF5;
	[smem:$0x3FB9] =	sst s0  }
0x18: {  	s0 =	sld [smem:$0x3F9C];
	_ =	swait.ge [sflag:s4], $0x0  }
0x19: {  	s7 =	sld [smem:$0x3F9D]  }
0x1a: {  	s8 =	sadd.s32 $0xFFFFE003, lr  }
0x1b: {  	s9 =	sadd.s32 $0xFFFFFEF7, lr;
	s5 =	simm.s32 $0xFFFFFFFF;
	p2 =	slt.u32 s8, $0xFFFFF086  }
0x1c: {  	p1 =	slt.u32 s9, $0xF7A;
	s5 =	simm.s32 @!p2 $0x0  }
0x1d: {  	s5 =	simm.s32 @p1 $0x1;
	p0 =	seq.s32 s7, s2  }
0x1e: {  	s7 =	smul.u32 @!p0 $0xF7A, s2;
	p2 =	seq.s32 @!p0 s5, $0x0  }
0x1f: {  	s9 =	smul.u32 $0xF7A, s1;
	s8 =	simm.s32 @!p0 $0x1BF5;
	p2 =	por !p2, p0  }
0x20: {  	[sflag:s8] =	ssyncset.s32 @!p0 $0xFFFFF086;
	s6 =	sadd.s32 @!p0 s3, s7;
	s7 =	simm.s32 @!p0 $0x108  }
0x21: {  	s3 =	sadd.s32 s3, s9;
	s6 =	sadd.s32 @!p0 $0x88, s6;
	s7 =	simm.s32 @p2 $0x1082  }
0x22: {  	[simem:s7], [sflag:s8] =	dma.local @!p0 [hbm:s6], $0xF7A  }
0x23: {  	s9 =	sor.u32 $0xD0000000, s2;
	s6 =	simm.s32 $0x108;
	_ =	swait.ge @!p0 [sflag:s8], $0x0  }
0x24: {  	s3 =	sadd.s32 $0x88, s3;
	s6 =	simm.s32 @!p1 $0x1082;
	[sflag:s4] =	ssyncset.s32 $0xFFFFF086  }
0x25: {  	[simem:s6], [sflag:s4] =	dma.local [hbm:s3], $0xF7A  }
0x26: {  	[smem:$0x3F9D] =	sst s1;
	(tag) =	ssettag s2;
	_ =	strace s9  }
0x27: {  	s1 =	sld [smem:$0x3FAD]  }
0x28: {  	s2 =	sld [smem:$0x3FAE]  }
0x29: {  	s4 =	sld [smem:$0x3FB0]  }
0x2a: {  	p0 =	seq.s32 s5, $0x0;
	s5 =	sld [smem:$0x3FB1]  }
0x2b: {  	s6 =	sld [smem:$0x3FB2]  }
0x2c: {  	s7 =	sld [smem:$0x3FB3]  }
0x2d: {  	s3 =	simm.s32 $0x108;
	s8 =	sld [smem:$0x3FB4]  }
0x2e: {  	s3 =	simm.s32 @!p0 $0x1082;
	s9 =	sld [smem:$0x3FB5]  }
0x2f: {  	lr =	sadd.s32 s0, s3;
	s0 =	sld [smem:$0x3FAC]  }
0x30: {  	s3 =	sld [smem:$0x3FAF]  }
0x31: {  	[smem:$0x3FB8] =	sst s10  }
0x32: {  	s10 =	sld [smem:$0x3FB6];
	_ =	sdelay $0x3  }
0x33: {  	p0 =	seq.s32 s10, $0x1;
	s10 =	sld [smem:$0x3FB8];
	_ =	sdelay $0x3  }
0x34: {  	[smem:$0x3FB8] =	sst s10  }
0x35: {  	s10 =	sld [smem:$0x3FB7];
	_ =	sdelay $0x3  }
0x36: {  	p1 =	seq.s32 s10, $0x1;
	s10 =	sld [smem:$0x3FB8];
	_ =	sdelay $0x3  }
0x37: {  	[smem:$0x3FB8] =	sst s10  }
0x38: {  	s10 =	sld [smem:$0x3FB9]  }
0x39: {  	_ = 	snop;
	(pc) =	sbr.ind lr, $3  }
0x3a: {  	_ = 	snop  }
0x3b: {  	_ = 	snop  }
0x3c: {  	p2 =	seq.s32 s10, $0x1;
	s10 =	sld [smem:$0x3FB8]  }
0x3d: {  	_ =	shalt  }
0x3e: {  	_ =	shalt  }
0x3f: {  	_ =	shalt  }
0x40: {  	_ =	shalt  }
0x41: {  	_ =	shalt  }
0x42: {  	_ =	shalt  }
0x43: {  	_ =	shalt  }
0x44: {  	_ =	shalt  }
0x45: {  	_ =	shalt  }
0x46: {  	_ =	shalt  }
0x47: {  	_ =	shalt  }
0x48: {  	_ =	shalt  }
0x49: {  	_ =	shalt  }
0x4a: {  	_ =	shalt  }
0x4b: {  	_ =	shalt  }
0x4c: {  	_ =	shalt  }
0x4d: {  	_ =	shalt  }
0x4e: {  	_ =	shalt  }
0x4f: {  	_ =	shalt  }
0x50: {  	_ =	shalt  }
0x51: {  	_ =	shalt  }
0x52: {  	_ =	shalt  }
0x53: {  	_ =	shalt  }
0x54: {  	_ =	shalt  }
0x55: {  	_ =	shalt  }
0x56: {  	_ =	shalt  }
0x57: {  	_ =	shalt  }
0x58: {  	_ =	shalt  }
0x59: {  	_ =	shalt  }
0x5a: {  	_ =	shalt  }
0x5b: {  	_ =	shalt  }
0x5c: {  	_ =	shalt  }
0x5d: {  	_ =	shalt  }
0x5e: {  	_ =	shalt  }
0x5f: {  	_ =	shalt  }
0x60: {  	_ =	shalt  }
0x61: {  	_ =	shalt  }
0x62: {  	_ =	shalt  }
0x63: {  	_ =	shalt  }
0x64: {  	_ =	shalt  }
0x65: {  	_ =	shalt  }
0x66: {  	_ =	shalt  }
0x67: {  	_ =	shalt  }
0x68: {  	_ =	shalt  }
0x69: {  	_ =	shalt  }
0x6a: {  	_ =	shalt  }
0x6b: {  	_ =	shalt  }
0x6c: {  	_ =	shalt  }
0x6d: {  	_ =	shalt  }
0x6e: {  	_ =	shalt  }
0x6f: {  	_ =	shalt  }
0x70: {  	_ =	shalt  }
0x71: {  	_ =	shalt  }
0x72: {  	_ =	shalt  }
0x73: {  	_ =	shalt  }
0x74: {  	_ =	shalt  }
0x75: {  	_ =	shalt  }
0x76: {  	_ =	shalt  }
0x77: {  	_ =	shalt  }
0x78: {  	_ =	shalt  }
0x79: {  	_ =	shalt  }
0x7a: {  	_ =	shalt  }
0x7b: {  	_ =	shalt  }
0x7c: {  	_ =	shalt  }
0x7d: {  	_ =	shalt  }
0x7e: {  	_ =	shalt  }
0x7f: {  	_ =	shalt  }
0x80: {  	_ =	shalt  }
0x81: {  	_ =	shalt  }
0x82: {  	_ =	shalt  }
0x83: {  	_ =	shalt  }
0x84: {  	_ =	shalt  }
0x85: {  	_ =	shalt  }
0x86: {  	_ =	shalt  }
0x87: {  	_ =	shalt  }
.Lfunc_end0:
.L_simem_size_0:
called_computation.1_lowered:
.L_overlay_start_0:
0x88: {  	s2 =	sld [smem:$0x3FD9]  }
0x89: {  	s3 =	sld [smem:$0x3FFE];
	_ =	sdelay $0x1  }
0x8a: {  	s1 =	srdreg.scid  }
0x8b: {  	s0 =	sand.u32 $0x1, s1  }
0x8c: {  	s17 =	sshll.u32 s0, $0xA;
	s2 =	sadd.s32 s3, s2  }
0x8d: {  	s2 =	sadd.s32 s2, s17  }
0x8e: {  	[smem:$0x3FC4] =	sst s2  }
0x8f: {  	_ = 	snop  }
0x90: {  	s2 =	sld [smem:$0x3FC9]  }
0x91: {  	s18 =	sld [smem:$0x3FC8]  }
0x92: {  	s4 =	sld [smem:$0x3FD0];
	(tm) =	ssettm $0x1  }
0x93: {  	s5 =	sld [smem:$0x3FFB];
	_ =	sdelay $0x3  }
0x94: {  	_ =	strace s5  }
0x95: {  	s5 =	sld [smem:$0x3FFC];
	_ =	sdelay $0x3  }
0x96: {  	_ =	strace s5  }
0x97: {  	s5 =	sld [smem:$0x3FFD];
	_ =	sdelay $0x3  }
0x98: {  	_ =	strace s5  }
0x99: {  	_ =	strace $0x8FFFFFFF  }
0x9a: {  	s19 =	sld [smem:$0x3FDB];
	_ =	sdelay $0x1  }
0x9b: {  	s6 =	simm.s32 $_scs_section_size  }
0x9c: {  	s7 =	simm.s32 $_size__tile_overlayer_lowered;
	s8 =	simm.s32 $_tile_overlayer_lowered  }
0x9d: {  	s22 =	simm.s32 $0x1BFF;
	s21 =	sshll.u32 s8, $0x1;
	s5 =	sadd.s32 s6, s19  }
0x9e: {  	s9 =	simm.s32 $0x0;
	s20 =	sshll.u32 s7, $0x1;
	s7 =	sadd.s32 s21, s5  }
0x9f: {  	[timem:s9], [sflag:s22] =	dma.local [hbm:s7], s20  }
0xa0: {  	_ =	swait.ge [sflag:s22], s20  }
0xa1: {  	s6 =	ssub.s32 $0x0, s20;
	[sflag:s22] =	ssyncset.done $0x0  }
0xa2: {  	[sflag:s22] =	ssyncadd.s32 s6;
	_ =	sdelay $0x1  }
0xa3: {  	s23 =	simm.s32 $0x1B8B  }
0xa4: {  	_ =	swait.ge [sflag:s23], $0x1  }
0xa5: {  	[sflag:s23] =	ssyncset.done $0x0  }
0xa6: {  	s25 =	simm.s32 $0x1B8E;
	s24 =	sld [smem:$0x3FFE];
	[sflag:s23] =	ssyncadd.s32 $0xFFFFFFFF  }
0xa7: {  	s26 =	simm.s32 $execute0_lowered;
	[smem:$0x3FD2] =	sst s25  }
0xa8: {  	s7 =	sshll.u32 s26, $0x1;
	_ =	strace $0x80000049;
	[dreg:$0x1] =	wrdreg $0xFFFFFFFF  }
0xa9: {  	s28 =	simm.s32 $_size_execute0_lowered;
	s5 =	sadd.s32 s5, s7;
	[dreg:$0x0] =	wrdreg $0x0  }
0xaa: {  	s7 =	sshll.u32 s28, $0x1;
	[dreg:$0x2] =	wrdreg s5  }
0xab: {  	[dreg:$0x3] =	wrdreg s7  }
0xac: {  	[dreg:$0x4] =	wrdreg $0xC0  }
0xad: {  	_ =	task [dreg:s9], $0x5FFFF  }
0xae: {  	[dreg:$0x1] =	wrdreg $0xFFFFFFFF  }
0xaf: {  	[dreg:$0x0] =	wrdreg $0x60  }
0xb0: {  	[dreg:$0x2] =	wrdreg s4  }
0xb1: {  	[dreg:$0x3] =	wrdreg s2  }
0xb2: {  	[dreg:$0x4] =	wrdreg s18  }
0xb3: {  	[dreg:$0x5] =	wrdreg s24  }
0xb4: {  	[dreg:$0x6] =	wrdreg $0x62200  }
0xb5: {  	[dreg:$0x7] =	wrdreg $0x9  }
0xb6: {  	_ =	task.clear_ibuf [dreg:s9], $0x8FFFF;
	_ =	strace $0x90000049  }
0xb7: {  	s29 =	simm.s32 $0x9;
	_ =	strace $0x8000004B  }
0xb8: {  	_ =	swait.ge [sflag:s29], $0x1  }
0xb9: {  	[sflag:s29] =	ssyncadd.s32 $0xFFFFFFFF  }
0xba: {  	_ =	strace $0x9000004B  }
0xbb: {  	_ =	sfence  }
0xbc: {  	s30 =	sld [smem:$0x0];
	_ =	sdelay $0x2  }
0xbd: {  	s31 =	sshll.u32 s1, $0xD;
	s1 =	sshrl.u32 s1, $0x2  }
0xbe: {  	s3 =	sand.u32 $0x4000, s31;
	s1 =	sadd.s32 s1, s30  }
0xbf: {  	s0 =	sor.u32 s3, s0;
	s1 =	sshll.u32 s1, $0x11  }
0xc0: {  	s0 =	sor.u32 s1, s0  }
0xc1: {  	s0 =	sadd.s32 $0x8F2B, s0  }
0xc2: {  	[sflag:s0] =	ssyncadd.remote.s32 $0x1  }
0xc3: {  	_ =	sfence.sel $0xFFFF  }
0xc4: {  	[dreg:$0x0] =	wrdreg $0xFFFFFFFF;
	(pc) =	sbr.abs _section_cstart, $3  }
0xc5: {  	[dreg:$0x1] =	wrdreg $0xFFFFFFFF  }
0xc6: {  	_ =	task.clear_ibuf [dreg:s9], $0x2FFFF;
	_ =	strace $0x9FFFFFFF  }
0xc7: {  	(tm) =	ssettm $0x7FFFFFFF  }
tec
execute0_lowered:
.L_overlay_start_1:
0x0: {  	(tag) =	ssettag $0x1  }
0x1: {  	s0 =	rddreg [dreg:$0x0]  }
0x2: {  	s1 =	rddreg [dreg:$0x1]  }
0x3: {  	s2 =	rddreg [dreg:$0x2]  }
0x4: {  	s3 =	rddreg [dreg:$0x3];
	s5 =	srdreg.scid  }
0x5: {  	s11 =	stileid.u32;
	s4 =	rddreg [dreg:$0x4];
	s7 =	simm.s32 $0x0  }
0x6: {  	s28 =	simm.s32 $0x1C070;
	s29 =	simm.s32 $0x1;
	s30 =	simm.s32 $0x17020  }
0x7: {  	s12 =	simm.s32 $0x1DE70;
	s13 =	simm.s32 $0x1CA70;
	s8 =	smul.u32 $0xA000, s11  }
0x8: {  	s5 =	sand.u32 $0x1, s5;
	[smem:$0x7FF] =	sst s7;
	s9 =	smul.u32 $0x28000, s11  }
0x9: {  	s6 =	smul.u32 $0xA0000, s5;
	_ =	strace $0x8000004A;
	s15 =	ssub.s32 $0x2, s5  }
0xa: {  	s5 =	sshll.u32 s5, $0x4;
	s10 =	sshrl.u32 s15, $0x1;
	s9 =	sshrl.u32 s9, $0x2  }
0xb: {  	s5 =	sor.u32 s11, s5;
	s11 =	simm.s32 $0x3;
	s9 =	sadd.s32 s9, s4  }
0xc: {  	s14 =	sadd.s32 s8, s6;
	s6 =	sadd.s32 $0x4E2800, s3;
	s16 =	sadd.s32 $0x1400, s9  }
0xd: {  	v0 =	vimm.s32 $0xEFCDAB89;
	s10 =	ssub.s32 s15, s10;
	s17 =	sadd.s32 $0x2800, s9;
	[dreg:$0x7] =	wrdreg s16  }
0xe: {  	v1 =	vimm.s32 $0x67452301;
	v2 =	vimm.s32 $0xDCFE98BA;
	s22 =	smul.u32 $0x13880, s5;
	s18 =	sadd.s32 $0x3C00, s9;
	[dreg:$0x8] =	wrdreg s17  }
0xf: {  	v3 =	vimm.s32 $0x54761032;
	v4 =	vimm.s32 $0xBA98FEDC;
	s15 =	simm.s32 $0x1DE98;
	s19 =	sadd.s32 $0x5000, s9;
	[dreg:$0x9] =	wrdreg s18  }
0x10: {  	v5 =	vimm.s32 $0x32107654;
	v6 =	vimm.s32 $0xFEDCBA98;
	s7 =	sshrl.u32 s14, $0x3;
	s21 =	sadd.s32 $0x6400, s9;
	[dreg:$0xa] =	wrdreg s19  }
0x11: {  	v7 =	vimm.s32 $0x76543210;
	v0 =	vunpack.c.l.s4.s8 v0;
	v1 =	vunpack.c.l.s4.s8 v1;
	s14 =	sadd.s32 s8, s4;
	s23 =	sadd.s32 $0x7800, s9;
	[dreg:$0xb] =	wrdreg s21  }
0x12: {  	v2 =	vunpack.c.l.s4.s8 v2;
	v3 =	vunpack.c.l.s4.s8 v3;
	v4 =	vunpack.c.l.s4.s8 v4;
	s24 =	sadd.s32 $0x8C00, s9;
	s31 =	smax.u32 s10, $0x1;
	[dreg:$0xd] =	wrdreg s23  }
0x13: {  	v5 =	vunpack.c.l.s4.s8 v5;
	v6 =	vunpack.c.l.s4.s8 v6;
	v7 =	vunpack.c.l.s4.s8 v7;
	s3 =	sadd.s32 s7, s3;
	s7 =	smul.u32 $0x2710, s5;
	[dreg:$0xe] =	wrdreg s24  }
0x14: {  	v0 =	vunpack.c.0.s8.s32 v0;
	v1 =	vunpack.c.0.s8.s32 v1;
	v2 =	vunpack.c.0.s8.s32 v2;
	s9 =	simm.s32 $0x17048;
	s10 =	simm.s32 $0x16620;
	[dreg:$0x12] =	wrdreg s31  }
0x15: {  	v3 =	vunpack.c.0.s8.s32 v3;
	v4 =	vunpack.c.0.s8.s32 v4;
	v5 =	vunpack.c.0.s8.s32 v5;
	[dreg:$0x6] =	wrdreg s14;
	s26 =	sadd.s32 $0x800, s3;
	s20 =	sshrl.u32 s7, $0x3  }
0x16: {  	v6 =	vunpack.c.0.s8.s32 v6;
	v1 =	vcombine.low v1, v0;
	s23 =	simm.s32 $0x28;
	[dreg:$0x11] =	wrdreg s26;
	s8 =	sadd.s32 s0, s20  }
0x17: {  	v2 =	vcombine.low v3, v2;
	v3 =	vcombine.low v5, v4;
	v4 =	vunpack.c.0.s8.s32 v7;
	s24 =	simm.s32 $0x5;
	s0 =	sadd.s32 s6, s22;
	[dreg:$0xc] =	wrdreg s8  }
0x18: {  	v0 =	vimm.f32 $0.0e+00;
	v5 =	vand.u32 $0xF, v6;
	s16 =	simm.s32 $0x1D470;
	v1 =	vand.u32 $0xF, v1;
	s25 =	sadd.s32 $0x9C40, s8;
	[dreg:$0x10] =	wrdreg s0  }
0x19: {  	s5 =	simm.s32 $0x0;
	v2 =	vand.u32 $0xF, v2;
	v3 =	vand.u32 $0xF, v3;
	v4 =	vcombine.low v5, v4;
	s0 =	simm.s32 $0x15C20;
	[dreg:$0xf] =	wrdreg s25  }
.LBB2_1:
0x1a: {  	[dreg:$0x13] =	wrdreg s5;
	s5 =	simm.s32 $0x100;
	s3 =	simm.s32 $0x0  }
.LBB2_2:
0x1b: {  	p0 =	sne.s32 s5, $0x4F00;
	[tilespmem:s3+$0x4E50] =	vst v0;
	s8 =	smov.u32 s5;
	s5 =	sadd.s32 $0x100, s5  }
.Ltmp0:
0x1c: {  	[tilespmem:s3+$0x4E40] =	vst v0;
	(pc) =	sbr.rel @p0 .LBB2_2-.Ltmp0, $3  }
0x1d: {  	[tilespmem:s3+$0x4E20] =	vst v0  }
0x1e: {  	[tilespmem:s3+$0x4E30] =	vst v0;
	_ =	sdelay $0x1  }
0x1f: {  	s3 =	sshra.s32 s8, $0x2  }
0x20: {  	[tilespmem:s3+$0x4E50] =	vst v0  }
0x21: {  	[tilespmem:s3+$0x4E40] =	vst v0  }
0x22: {  	[tilespmem:s3+$0x4E20] =	vst v0  }
0x23: {  	[tilespmem:s3+$0x4E30] =	vst v0;
	s5 =	simm.s32 $0x4E20  }
0x24: {  	[spmem:s14] =	stream.linear.scatter [tilespmem:s5], [sflag:$0x5], $0x1400, $0x38;
	[tilespmem:$0x1DEC0] =	vst v63  }
0x25: {  	_ =	swait.ge [sflag:s24], $0x1400  }
0x26: {  	[sflag:s24] =	ssyncset.done $0x0  }
0x27: {  	s20 =	rddreg [dreg:$0x7];
	[sflag:s24] =	ssyncadd.s32 $0xFFFFEC00  }
0x28: {  	[spmem:s20] =	stream.linear.scatter [tilespmem:s5], [sflag:$0x5], $0x1400, $0x38;
	[tilespmem:$0x1DEC0] =	vst v63  }
0x29: {  	_ =	swait.ge [sflag:s24], $0x1400  }
0x2a: {  	[sflag:s24] =	ssyncset.done $0x0  }
0x2b: {  	s21 =	rddreg [dreg:$0x8];
	[sflag:s24] =	ssyncadd.s32 $0xFFFFEC00  }
0x2c: {  	[spmem:s21] =	stream.linear.scatter [tilespmem:s5], [sflag:$0x5], $0x1400, $0x38;
	[tilespmem:$0x1DEC0] =	vst v63  }
0x2d: {  	_ =	swait.ge [sflag:s24], $0x1400  }
0x2e: {  	[sflag:s24] =	ssyncset.done $0x0  }
0x2f: {  	s22 =	rddreg [dreg:$0x9];
	[sflag:s24] =	ssyncadd.s32 $0xFFFFEC00  }
0x30: {  	[spmem:s22] =	stream.linear.scatter [tilespmem:s5], [sflag:$0x5], $0x1400, $0x38;
	[tilespmem:$0x1DEC0] =	vst v63  }
0x31: {  	_ =	swait.ge [sflag:s24], $0x1400  }
0x32: {  	[sflag:s24] =	ssyncset.done $0x0  }
0x33: {  	s25 =	rddreg [dreg:$0xa];
	[sflag:s24] =	ssyncadd.s32 $0xFFFFEC00  }
0x34: {  	[spmem:s25] =	stream.linear.scatter [tilespmem:s5], [sflag:$0x5], $0x1400, $0x38;
	[tilespmem:$0x1DEC0] =	vst v63  }
0x35: {  	_ =	swait.ge [sflag:s24], $0x1400  }
0x36: {  	[sflag:s24] =	ssyncset.done $0x0  }
0x37: {  	s26 =	rddreg [dreg:$0xb];
	[sflag:s24] =	ssyncadd.s32 $0xFFFFEC00  }
0x38: {  	[spmem:s26] =	stream.linear.scatter [tilespmem:s5], [sflag:$0x5], $0x1400, $0x38;
	[tilespmem:$0x1DEC0] =	vst v63  }
0x39: {  	_ =	swait.ge [sflag:s24], $0x1400  }
0x3a: {  	[sflag:s24] =	ssyncset.done $0x0  }
0x3b: {  	s31 =	rddreg [dreg:$0xd];
	[sflag:s24] =	ssyncadd.s32 $0xFFFFEC00  }
0x3c: {  	[spmem:s31] =	stream.linear.scatter [tilespmem:s5], [sflag:$0x5], $0x1400, $0x38;
	[tilespmem:$0x1DEC0] =	vst v63  }
0x3d: {  	_ =	swait.ge [sflag:s24], $0x1400  }
0x3e: {  	[sflag:s24] =	ssyncset.done $0x0  }
0x3f: {  	s8 =	rddreg [dreg:$0xe];
	[sflag:s24] =	ssyncadd.s32 $0xFFFFEC00  }
0x40: {  	[spmem:s8] =	stream.linear.scatter [tilespmem:s5], [sflag:$0x5], $0x1400, $0x38;
	[tilespmem:$0x1DEC0] =	vst v63  }
0x41: {  	_ =	swait.ge [sflag:s24], $0x1400  }
0x42: {  	[sflag:s24] =	ssyncset.done $0x0  }
0x43: {  	s20 =	simm.s32 $0x0;
	s14 =	rddreg [dreg:$0xc];
	[sflag:s24] =	ssyncadd.s32 $0xFFFFEC00  }
0x44: {  	[tilespmem:s20], [sflag:$0x5] =	stream.linear.gather [hbm4b:s14+s20], $0x2710, $0x38;
	[tilespmem:$0x1DEC0] =	vst v63  }
0x45: {  	_ =	swait.ge [sflag:s24], $0x2710  }
0x46: {  	[sflag:s24] =	ssyncset.done $0x0  }
0x47: {  	s18 =	simm.s32 $0x2710;
	s17 =	rddreg [dreg:$0xf];
	[sflag:s24] =	ssyncadd.s32 $0xFFFFD8F0  }
0x48: {  	[tilespmem:s18], [sflag:$0x5] =	stream.linear.gather [hbm4b:s17+s20], $0x2710, $0x38;
	[tilespmem:$0x1DEC0] =	vst v63  }
0x49: {  	_ =	swait.ge [sflag:s24], $0x2710  }
0x4a: {  	[sflag:s24] =	ssyncset.done $0x0  }
0x4b: {  	[sflag:s24] =	ssyncadd.s32 $0xFFFFD8F0  }
0x4c: {  	s19 =	simm.s32 $0x10220;
	[bflag:$0x0] =	sbarrier.arrive $0xFFFF  }
0x4d: {  	[tilespmem:s19], [sflag:$0x1] =	stream.indirect.gather [hbm4b:s1+s23], $0x80, s20, s23, $0xb8;
	[tilespmem:$0x1DEC0] =	vst v63  }
0x4e: {  	s21 =	simm.s32 $0x11620  }
0x4f: {  	[tilespmem:s21], [sflag:$0x1] =	stream.indirect.gather [hbm4b:s1+s23], $0x80, s18, s23, $0xb8;
	[tilespmem:$0x1DEC0] =	vst v63  }
0x50: {  	s22 =	simm.s32 $0x12A20  }
0x51: {  	[tilespmem:s22], [sflag:$0x1] =	stream.indirect.gather [hbm4b:s2+s23], $0x80, s20, s23, $0xb8;
	[tilespmem:$0x1DEC0] =	vst v63  }
0x52: {  	s25 =	simm.s32 $0x13E20  }
0x53: {  	[tilespmem:s25], [sflag:$0x1] =	stream.indirect.gather [hbm4b:s2+s23], $0x80, s18, s23, $0xb8;
	[tilespmem:$0x1DEC0] =	vst v63  }
0x54: {  	s31 =	simm.s32 $0x15220;
	s26 =	rddreg [dreg:$0x10]  }
0x55: {  	[tilespmem:s31], [sflag:$0x1] =	stream.linear.gather [hbm4b:s26+s20], $0xA00, $0x38;
	[tilespmem:$0x1DEC0] =	vst v63  }
.LBB2_4:
0x56: {  	s14 =	smul.u32 $0x50, s20;
	_ =	sdelay $0x1  }
0x57: {  	s3 =	simm.s32 $0x17070;
	s22 =	sadd.s32 $0x28, s14  }
0x58: {  	[tilespmem:s3], [sflag:$0x3] =	stream.indirect.gather [hbm4b:s1+s23], $0x80, s22, s23, $0xb8;
	[tilespmem:$0x1DEC0] =	vst v63  }
0x59: {  	s5 =	simm.s32 $0x18470;
	s19 =	sadd.s32 $0x2738, s14;
	s26 =	sadd.s32 s7, s22  }
0x5a: {  	[tilespmem:s5], [sflag:$0x3] =	stream.indirect.gather [hbm4b:s1+s23], $0x80, s19, s23, $0xb8;
	[tilespmem:$0x1DEC0] =	vst v63  }
0x5b: {  	s21 =	simm.s32 $0x19870;
	s3 =	sshll.u32 s26, $0x3  }
0x5c: {  	[tilespmem:s21], [sflag:$0x3] =	stream.indirect.gather [hbm4b:s2+s23], $0x80, s22, s23, $0xb8;
	[tilespmem:$0x1DEC0] =	vst v63  }
0x5d: {  	s25 =	simm.s32 $0x1AC70;
	s3 =	sand.u32 $0x1FFFFFC0, s3  }
0x5e: {  	[tilespmem:s25], [sflag:$0x3] =	stream.indirect.gather [hbm4b:s2+s23], $0x80, s19, s23, $0xb8;
	[tilespmem:$0x1DEC0] =	vst v63  }
0x5f: {  	s31 =	simm.s32 $0x0;
	s3 =	sadd.s32 s6, s3  }
0x60: {  	[tilespmem:s28], [sflag:$0x3] =	stream.linear.gather [hbm4b:s3+s31], $0xA00, $0x38;
	[tilespmem:$0x1DEC0] =	vst v63  }
0x61: {  	_ =	swait.ge [sflag:s29], $0x1400  }
0x62: {  	[sflag:s29] =	ssyncset.done $0x0  }
0x63: {  	[sflag:s29] =	ssyncadd.s32 $0xFFFFEC00  }
0x64: {  	_ =	swait.ge [sflag:s29], $0x1400  }
0x65: {  	[sflag:s29] =	ssyncset.done $0x0  }
0x66: {  	[sflag:s29] =	ssyncadd.s32 $0xFFFFEC00  }
0x67: {  	_ =	swait.ge [sflag:s29], $0x1400  }
0x68: {  	[sflag:s29] =	ssyncset.done $0x0  }
0x69: {  	[sflag:s29] =	ssyncadd.s32 $0xFFFFEC00  }
0x6a: {  	_ =	swait.ge [sflag:s29], $0x1400  }
0x6b: {  	[sflag:s29] =	ssyncset.done $0x0  }
0x6c: {  	[sflag:s29] =	ssyncadd.s32 $0xFFFFEC00  }
0x6d: {  	_ =	swait.ge [sflag:s29], $0xA00  }
0x6e: {  	p0 =	seq.s32 s20, $0x0;
	[sflag:s29] =	ssyncset.done $0x0  }
0x6f: {  	s3 =	simm.s32 @!p0 $0x2;
	[sflag:s29] =	ssyncadd.s32 $0xFFFFF600  }
0x70: {  	_ =	swait.ge @!p0 [sflag:s3], $0xA00  }
0x71: {  	[sflag:s3] =	ssyncset.done @!p0 $0x0  }
0x72: {  	[sflag:s3] =	ssyncadd.s32 @!p0 $0xFFFFF600  }
0x73: {  	_ =	swait.ge @!p0 [sflag:s3], $0xA00  }
0x74: {  	[sflag:s3] =	ssyncset.done @!p0 $0x0  }
0x75: {  	[sflag:s3] =	ssyncadd.s32 @!p0 $0xFFFFF600  }
0x76: {  	v5 =	vld [tilespmem:s14+$0x0];
	_ =	sdelay $0x4  }
0x77: {  	[tilespmem:$0x17020] =	vst v5  }
0x78: {  	v5 =	vld [tilespmem:s14+$0x2710];
	_ =	sdelay $0x4  }
0x79: {  	[tilespmem:$0x17048] =	vst v5  }
0x7a: {  	v5 =	vld [tilespmem:s14+$0x10];
	_ =	sdelay $0x4  }
0x7b: {  	[tilespmem:$0x17030] =	vst v5  }
0x7c: {  	v5 =	vld [tilespmem:s14+$0x2720];
	_ =	sdelay $0x4  }
0x7d: {  	[tilespmem:$0x17058] =	vst v5  }
0x7e: {  	v5 =	vld [tilespmem:s14+$0x18];
	_ =	sdelay $0x4  }
0x7f: {  	[tilespmem:$0x17038] =	vst v5  }
0x80: {  	v5 =	vld [tilespmem:s14+$0x2728];
	_ =	sdelay $0x4  }
0x81: {  	s8 =	simm.s32 $0x0;
	[tilespmem:$0x17060] =	vst v5  }
.LBB2_5:
0x82: {  	s3 =	sshll.u32 s8, $0x7  }
0x83: {  	v10 =	vld [tilespmem:s3+$0x10220]  }
0x84: {  	v11 =	vld [tilespmem:s3+$0x11620]  }
0x85: {  	v13 =	vld [tilespmem:s3+$0x12A20]  }
0x86: {  	v14 =	vld [tilespmem:s3+$0x13E20]  }
0x87: {  	v15 =	vld [tilespmem:s3+$0x10230]  }
0x88: {  	v16 =	vld [tilespmem:s3+$0x11630]  }
0x89: {  	v17 =	vld [tilespmem:s3+$0x12A30]  }
0x8a: {  	v18 =	vld [tilespmem:s3+$0x13E30]  }
0x8b: {  	v19 =	vld [tilespmem:s3+$0x10240]  }
0x8c: {  	v20 =	vld [tilespmem:s3+$0x11640]  }
0x8d: {  	v22 =	vld [tilespmem:s3+$0x12A40]  }
0x8e: {  	v29 =	vld [tilespmem:s3+$0x13E40]  }
0x8f: {  	v24 =	vld [tilespmem:s3+$0x10250]  }
0x90: {  	v26 =	vld [tilespmem:s3+$0x11650]  }
0x91: {  	v28 =	vld [tilespmem:s3+$0x12A50]  }
0x92: {  	v30 =	vld [tilespmem:s3+$0x13E50]  }
0x93: {  	v32 =	vld [tilespmem:s3+$0x10260]  }
0x94: {  	v33 =	vld [tilespmem:s3+$0x11660]  }
0x95: {  	v34 =	vld [tilespmem:s3+$0x12A60]  }
0x96: {  	v35 =	vld [tilespmem:s3+$0x13E60]  }
0x97: {  	v36 =	vld [tilespmem:s3+$0x10270]  }
0x98: {  	v37 =	vld [tilespmem:s3+$0x11670]  }
0x99: {  	v38 =	vld [tilespmem:s3+$0x12A70]  }
0x9a: {  	v39 =	vld [tilespmem:s3+$0x13E70]  }
0x9b: {  	v40 =	vld [tilespmem:s3+$0x10280]  }
0x9c: {  	v41 =	vld [tilespmem:s3+$0x11680]  }
0x9d: {  	v42 =	vld [tilespmem:s3+$0x12A80]  }
0x9e: {  	v43 =	vld [tilespmem:s3+$0x13E80]  }
0x9f: {  	v44 =	vld [tilespmem:s3+$0x10290]  }
0xa0: {  	v45 =	vld [tilespmem:s3+$0x11690]  }
0xa1: {  	v46 =	vld [tilespmem:s3+$0x12A90]  }
0xa2: {  	s17 =	sshll.u32 s8, $0x6;
	v49 =	vld [tilespmem:s3+$0x13E90]  }
0xa3: {  	v9 =	vld [tilespmem:s17+$0x15220]  }
0xa4: {  	v8 =	vld [tilespmem:s17+$0x15230]  }
0xa5: {  	s25 =	sor.u32 $0x1, s8;
	v7 =	vld [tilespmem:s17+$0x15240]  }
0xa6: {  	v0 =	vld [tilespmem:s17+$0x15250];
	s5 =	sshll.u32 s25, $0x7  }
0xa7: {  	v48 =	vld [tilespmem:s5+$0x10220]  }
0xa8: {  	v50 =	vld [tilespmem:s5+$0x11620]  }
0xa9: {  	v31 =	vld [tilespmem:s5+$0x12A20]  }
0xaa: {  	v21 =	vld [tilespmem:s5+$0x13E20]  }
0xab: {  	v51 =	vld [tilespmem:s5+$0x10230]  }
0xac: {  	v52 =	vld [tilespmem:s5+$0x11630]  }
0xad: {  	v27 =	vld [tilespmem:s5+$0x12A30]  }
0xae: {  	v12 =	vld [tilespmem:s5+$0x13E30]  }
0xaf: {  	v53 =	vld [tilespmem:s5+$0x10240]  }
0xb0: {  	v54 =	vld [tilespmem:s5+$0x11640]  }
0xb1: {  	v25 =	vld [tilespmem:s5+$0x12A40]  }
0xb2: {  	v6 =	vld [tilespmem:s5+$0x13E40]  }
0xb3: {  	v55 =	vld [tilespmem:s5+$0x10250]  }
0xb4: {  	v56 =	vld [tilespmem:s5+$0x11650]  }
0xb5: {  	v23 =	vld [tilespmem:s5+$0x12A50]  }
0xb6: {  	v58 =	vld [tilespmem:s5+$0x11660]  }
0xb7: {  	v59 =	vld [tilespmem:s5+$0x10270]  }
0xb8: {  	v60 =	vld [tilespmem:s5+$0x11670]  }
0xb9: {  	s26 =	sor.u32 $0x2, s8;
	v61 =	vld [tilespmem:s5+$0x10280];
	v47 =	vsub.f32 v11, v10;
	v15 =	vsub.f32 v16, v15  }
0xba: {  	s31 =	sshll.u32 s26, $0x7;
	v62 =	vld [tilespmem:s5+$0x11680]  }
0xbb: {  	v5 =	vld [tilespmem:s31+$0x10280];
	v19 =	vsub.f32 v20, v19;
	v11 =	vmul.f32 v47, v47;
	v16 =	vmul.f32 v15, v15  }
0xbc: {  	v10 =	vld [tilespmem:s5+$0x13E50];
	v57 =	vsub.f32 v26, v24;
	v33 =	vsub.f32 v33, v32  }
0xbd: {  	v20 =	vld [tilespmem:s5+$0x10260];
	v40 =	vsub.f32 v41, v40;
	v63 =	vmul.f32 v19, v19;
	v11 =	vadd.f32 v16, v11  }
0xbe: {  	v26 =	vld [tilespmem:s5+$0x12A60];
	v37 =	vsub.f32 v37, v36;
	v24 =	vmul.f32 v57, v57;
	v13 =	vmul.f32 v47, v13  }
0xbf: {  	v32 =	vld [tilespmem:s5+$0x12A70];
	v17 =	vmul.f32 v15, v17;
	v41 =	vmul.f32 v40, v40;
	v16 =	vadd.f32 v63, v11  }
0xc0: {  	[tilespmem:$0x1FF70] =	vst v0;
	v45 =	vsub.f32 v45, v44;
	v0 =	vld [tilespmem:s5+$0x11690];
	v44 =	vmul.f32 v57, v28;
	v42 =	vmul.f32 v40, v42  }
0xc1: {  	v28 =	vld [tilespmem:s5+$0x13E80];
	v43 =	vmul.f32 v43, v40;
	v16 =	vadd.f32 v24, v16;
	v24 =	vmul.f32 v33, v33  }
0xc2: {  	v40 =	vmul.f32 v49, v45;
	v49 =	vsub.f32 v54, v53;
	v53 =	vld [tilespmem:s31+$0x11650];
	v13 =	vadd.f32 $0.0e+00, v13  }
0xc3: {  	v36 =	vmul.f32 v37, v37;
	v54 =	vsub.f32 v58, v20;
	v20 =	vld [tilespmem:s31+$0x13E50];
	v16 =	vadd.f32 v24, v16  }
0xc4: {  	v14 =	vmul.f32 v14, v47;
	v58 =	vld [tilespmem:s31+$0x11660]  }
0xc5: {  	v11 =	vld [tilespmem:s5+$0x13E60];
	v13 =	vadd.f32 v17, v13;
	v17 =	vmul.f32 v19, v22;
	v16 =	vadd.f32 v36, v16  }
0xc6: {  	v15 =	vmul.f32 v18, v15;
	v14 =	vadd.f32 $0.0e+00, v14;
	v63 =	vld [tilespmem:s5+$0x10290]  }
0xc7: {  	s18 =	sshll.u32 s25, $0x6;
	v22 =	vld [tilespmem:s5+$0x13E90];
	v13 =	vadd.f32 v17, v13;
	v16 =	vadd.f32 v41, v16;
	v41 =	vmul.f32 v45, v45  }
0xc8: {  	v15 =	vadd.f32 v15, v14;
	v19 =	vmul.f32 v29, v19;
	v14 =	vld [tilespmem:s18+$0x15230]  }
0xc9: {  	v29 =	vld [tilespmem:s31+$0x12A20];
	v13 =	vadd.f32 v44, v13;
	v44 =	vmul.f32 v33, v34;
	v16 =	vadd.f32 v41, v16  }
0xca: {  	v30 =	vmul.f32 v30, v57;
	v17 =	vld [tilespmem:s18+$0x15220];
	v19 =	vadd.f32 v19, v15  }
0xcb: {  	v47 =	vmul.f32 v37, v38;
	v15 =	vld [tilespmem:s18+$0x15250];
	v13 =	vadd.f32 v44, v13;
	v38 =	vperm.xlane v16, v1  }
0xcc: {  	v24 =	vld [tilespmem:s5+$0x13E70];
	v19 =	vadd.f32 v30, v19  }
0xcd: {  	v30 =	vld [tilespmem:s31+$0x12A30];
	v18 =	vadd.f32 v47, v13;
	v16 =	vadd.f32 v38, v16  }
0xce: {  	v0 =	vsub.f32 v0, v63;
	v63 =	vld [tilespmem:s31+$0x11670];
	v44 =	vmul.f32 v45, v46;
	v46 =	vmul.f32 v35, v33  }
0xcf: {  	v36 =	vld [tilespmem:s5+$0x12A80];
	v18 =	vadd.f32 v42, v18;
	v34 =	vperm.xlane v16, v2  }
0xd0: {  	v33 =	vld [tilespmem:s31+$0x10220];
	v19 =	vadd.f32 v46, v19;
	v47 =	vmul.f32 v39, v37  }
0xd1: {  	v13 =	vld [tilespmem:s18+$0x15240];
	v18 =	vadd.f32 v44, v18;
	v34 =	vadd.f32 v34, v16  }
0xd2: {  	v41 =	vld [tilespmem:s5+$0x12A90];
	v19 =	vadd.f32 v47, v19  }
0xd3: {  	v47 =	vld [tilespmem:s31+$0x11630];
	v42 =	vsub.f32 v50, v48;
	v57 =	vperm.xlane v18, v1;
	v35 =	vperm.xlane v34, v3  }
0xd4: {  	v48 =	vld [tilespmem:s31+$0x10240];
	v19 =	vadd.f32 v43, v19;
	v43 =	vsub.f32 v52, v51  }
0xd5: {  	v50 =	vld [tilespmem:s31+$0x11640];
	v34 =	vadd.f32 v35, v34;
	v35 =	vadd.f32 v57, v18  }
0xd6: {  	v44 =	vld [tilespmem:s31+$0x10230];
	v51 =	vsub.f32 v56, v55;
	v56 =	vsub.f32 v60, v59  }
0xd7: {  	v60 =	vsub.f32 v62, v61;
	v61 =	vld [tilespmem:s31+$0x10270];
	v21 =	vmul.f32 v21, v42;
	v46 =	vperm.xlane v35, v2  }
0xd8: {  	s19 =	sor.u32 $0x3, s8;
	v38 =	vld [tilespmem:s31+$0x11620];
	v52 =	vmul.f32 v43, v43;
	v40 =	vadd.f32 v40, v19;
	v57 =	vperm.xlane v34, v4  }
0xd9: {  	s25 =	sshll.u32 s19, $0x7;
	v19 =	vld [tilespmem:s31+$0x13E40];
	v21 =	vadd.f32 $0.0e+00, v21;
	v12 =	vmul.f32 v12, v43;
	v35 =	vadd.f32 v46, v35  }
0xda: {  	s21 =	sshll.u32 s26, $0x6;
	v48 =	vsub.f32 v50, v48;
	v50 =	vld [tilespmem:s25+$0x11630];
	v37 =	vadd.f32 v57, v34;
	v57 =	vmul.f32 v42, v42  }
0xdb: {  	v12 =	vadd.f32 v12, v21;
	v21 =	vld [tilespmem:s21+$0x15220];
	v46 =	vperm.xlane v35, v3  }
0xdc: {  	v47 =	vsub.f32 v47, v44;
	v44 =	vld [tilespmem:s25+$0x12A60];
	v39 =	vadd.f32 v52, v57;
	v57 =	vmul.f32 v49, v49  }
0xdd: {  	v31 =	vmul.f32 v42, v31;
	v16 =	vld [tilespmem:s31+$0x13E20];
	v35 =	vadd.f32 v46, v35;
	v46 =	vperm.xlane v40, v1  }
0xde: {  	v25 =	vmul.f32 v49, v25;
	v18 =	vld [tilespmem:s31+$0x13E30];
	v39 =	vadd.f32 v57, v39;
	v57 =	vmul.f32 v51, v51  }
0xdf: {  	v59 =	vmul.f32 v56, v56;
	v31 =	vadd.f32 $0.0e+00, v31;
	v42 =	vld [tilespmem:s31+$0x11680];
	v46 =	vadd.f32 v46, v40  }
0xe0: {  	v23 =	vmul.f32 v51, v23;
	v34 =	vld [tilespmem:s31+$0x12A40];
	v39 =	vadd.f32 v57, v39;
	v40 =	vmul.f32 v54, v54  }
0xe1: {  	v10 =	vmul.f32 v10, v51;
	v37 =	vmax.f32 v37, $9.999999970e-07;
	v52 =	vld [tilespmem:s31+$0x10250];
	v45 =	vperm.xlane v46, v2  }
0xe2: {  	v49 =	vmul.f32 v6, v49;
	v6 =	vld [tilespmem:s31+$0x12A90];
	(erf) = vrcp.f32 v37;
	v39 =	vadd.f32 v40, v39  }
0xe3: {  	v24 =	vmul.f32 v24, v56;
	v37 =	vld [tilespmem:s31+$0x12A50];
	v46 =	vadd.f32 v45, v46;
	v45 =	vmul.f32 v43, v27  }
0xe4: {  	v5 =	vsub.f32 v42, v5;
	v42 =	vld [tilespmem:s25+$0x11650];
	v39 =	vadd.f32 v59, v39;
	v59 =	vmul.f32 v60, v60  }
0xe5: {  	v41 =	vmul.f32 v0, v41;
	v55 =	vperm.xlane v35, v4;
	v57 =	vld [tilespmem:s31+$0x10260];
	v62 =	vadd.f32 v45, v31  }
0xe6: {  	v52 =	vsub.f32 v53, v52;
	v53 =	vld [tilespmem:s25+$0x10240];
	v39 =	vadd.f32 v59, v39;
	v59 =	vmul.f32 v0, v0  }
0xe7: {  	v40 =	vld [tilespmem:s31+$0x12A60];
	v35 =	vadd.f32 v55, v35;
	v55 =	vperm.xlane v46, v3;
	v25 =	vadd.f32 v25, v62  }
0xe8: {  	v30 =	vmul.f32 v47, v30;
	v27 =	vld [tilespmem:s31+$0x13E60];
	v43 =	vmul.f32 v56, v32;
	v39 =	vadd.f32 v59, v39  }
0xe9: {  	v32 =	vld [tilespmem:s31+$0x10290];
	v46 =	vadd.f32 v55, v46;
	v23 =	vadd.f32 v23, v25;
	v25 =	vmul.f32 v54, v26  }
0xea: {  	v18 =	vmul.f32 v18, v47;
	v49 =	vadd.f32 v49, v12;
	v56 =	vld [tilespmem:$0x1FF70];
	v26 =	vperm.xlane v39, v1  }
0xeb: {  	v57 =	vsub.f32 v58, v57;
	v58 =	vld [tilespmem:s25+$0x11640];
	v31 =	vpop (erf);
	v59 =	vperm.xlane v46, v4;
	v23 =	vadd.f32 v25, v23  }
0xec: {  	v45 =	vld [tilespmem:s31+$0x12A70];
	v0 =	vmul.f32 v22, v0;
	v35 =	vmul.f32 v35, v31;
	v26 =	vadd.f32 v26, v39  }
0xed: {  	v22 =	vld [tilespmem:s25+$0x12A30];
	v46 =	vadd.f32 v59, v46;
	v25 =	vmul.f32 v60, v36;
	v23 =	vadd.f32 v43, v23  }
0xee: {  	v10 =	vadd.f32 v10, v49;
	v55 =	vld [tilespmem:s31+$0x13E70];
	v36 =	vperm.xlane v26, v2;
	v43 =	vmul.f32 v9, v35  }
0xef: {  	v62 =	vld [tilespmem:s31+$0x12A80];
	v27 =	vmul.f32 v27, v57;
	v31 =	vmul.f32 v46, v31;
	v25 =	vadd.f32 v25, v23  }
0xf0: {  	v59 =	vld [tilespmem:s31+$0x13E80];
	[tilespmem:$0x1FF80] =	vst v43;
	v36 =	vadd.f32 v36, v26;
	v43 =	vmul.f32 v11, v54;
	v54 =	vmul.f32 v8, v35  }
0xf1: {  	s26 =	sor.u32 $0x4, s8;
	v58 =	vsub.f32 v58, v53;
	v46 =	vld [tilespmem:s31+$0x11690];
	v9 =	vmul.f32 v31, v9;
	v8 =	vmul.f32 v8, v31  }
0xf2: {  	v39 =	vld [tilespmem:s31+$0x13E90];
	s31 =	sshll.u32 s26, $0x7;
	[tilespmem:$0x1FFA0] =	vst v54;
	v41 =	vadd.f32 v41, v25;
	v12 =	vperm.xlane v36, v3;
	v54 =	vmul.f32 v7, v35  }
0xf3: {  	v53 =	vld [tilespmem:s31+$0x12A20];
	[tilespmem:$0x1FFB0] =	vst v8;
	v43 =	vadd.f32 v43, v10;
	v7 =	vmul.f32 v7, v31;
	v8 =	vmul.f32 v56, v31  }
0xf4: {  	v23 =	vld [tilespmem:s21+$0x15230];
	[tilespmem:$0x1FF90] =	vst v9;
	v31 =	vsub.f32 v38, v33;
	v9 =	vmul.f32 v47, v47;
	v49 =	vperm.xlane v41, v1  }
0xf5: {  	v26 =	vld [tilespmem:s21+$0x15240];
	v36 =	vadd.f32 v12, v36;
	[tilespmem:$0x1FFD0] =	vst v7;
	v7 =	vmul.f32 v56, v35;
	v12 =	vmul.f32 v28, v60  }
0xf6: {  	v25 =	vld [tilespmem:s21+$0x15250];
	v32 =	vsub.f32 v46, v32;
	v29 =	vmul.f32 v31, v29;
	v16 =	vmul.f32 v16, v31  }
0xf7: {  	v33 =	vld [tilespmem:s25+$0x13E30];
	[tilespmem:$0x1FFE0] =	vst v7;
	v7 =	vadd.f32 v24, v43;
	v51 =	vperm.xlane v36, v4;
	v41 =	vadd.f32 v49, v41  }
0xf8: {  	v47 =	vld [tilespmem:s25+$0x13E70];
	[tilespmem:$0x1FFF0] =	vst v8;
	v8 =	vmul.f32 v31, v31;
	v29 =	vadd.f32 $0.0e+00, v29;
	v16 =	vadd.f32 $0.0e+00, v16  }
0xf9: {  	[tilespmem:$0x1FFC0] =	vst v54;
	v54 =	vld [tilespmem:s25+$0x10220];
	v7 =	vadd.f32 v12, v7;
	v56 =	vadd.f32 v51, v36;
	v60 =	vperm.xlane v41, v2  }
0xfa: {  	v11 =	vmul.f32 v48, v48;
	v28 =	vld [tilespmem:s25+$0x12A20];
	v36 =	vadd.f32 v9, v8;
	v29 =	vadd.f32 v30, v29  }
0xfb: {  	v6 =	vmul.f32 v32, v6;
	v8 =	vld [tilespmem:s25+$0x11660];
	v35 =	vadd.f32 v60, v41;
	v7 =	vadd.f32 v0, v7  }
0xfc: {  	v12 =	vmul.f32 v52, v52;
	v38 =	vadd.f32 v11, v36;
	v60 =	vsub.f32 v63, v61;
	v61 =	vld [tilespmem:s25+$0x10250]  }
0xfd: {  	v16 =	vadd.f32 v18, v16;
	v10 =	vmax.f32 v56, $9.999999970e-07;
	v63 =	vld [tilespmem:s25+$0x10260];
	v51 =	vperm.xlane v7, v1  }
0xfe: {  	v43 =	vld [tilespmem:s25+$0x11620];
	v56 =	vmul.f32 v57, v57;
	v0 =	vperm.xlane v35, v3;
	v38 =	vadd.f32 v12, v38  }
0xff: {  	v41 =	vld [tilespmem:s25+$0x12A50];
	v11 =	vmul.f32 v5, v5;
	(erf) = vrcp.f32 v10;
	v7 =	vadd.f32 v51, v7  }
0x100: {  	v24 =	vld [tilespmem:s25+$0x13E20];
	v12 =	vmul.f32 v60, v60;
	v35 =	vadd.f32 v0, v35;
	v38 =	vadd.f32 v56, v38  }
0x101: {  	v49 =	vld [tilespmem:s25+$0x10230];
	v56 =	vmul.f32 v48, v34;
	v61 =	vsub.f32 v42, v61;
	v51 =	vperm.xlane v7, v2  }
0x102: {  	s19 =	sshll.u32 s19, $0x6;
	v63 =	vsub.f32 v8, v63;
	v9 =	vadd.f32 v12, v38;
	v38 =	vld [tilespmem:s25+$0x13E50];
	v12 =	vperm.xlane v35, v4  }
0x103: {  	v30 =	vld [tilespmem:s19+$0x15240];
	v29 =	vadd.f32 v56, v29;
	v56 =	vmul.f32 v32, v32;
	v7 =	vadd.f32 v51, v7  }
0x104: {  	v36 =	vld [tilespmem:s25+$0x12A40];
	v41 =	vmul.f32 v61, v41;
	v51 =	vmul.f32 v52, v37;
	v34 =	vadd.f32 v11, v9  }
0x105: {  	v35 =	vadd.f32 v12, v35;
	v11 =	vmul.f32 v57, v40;
	v40 =	vld [tilespmem:s25+$0x10270];
	v9 =	vperm.xlane v7, v3  }
0x106: {  	v12 =	vmul.f32 v60, v45;
	v45 =	vld [tilespmem:s25+$0x11670];
	v29 =	vadd.f32 v51, v29;
	v31 =	vadd.f32 v56, v34  }
0x107: {  	v10 =	vld [tilespmem:s25+$0x13E40];
	v56 =	vmul.f32 v19, v48;
	v8 =	vmul.f32 v38, v61;
	v7 =	vadd.f32 v9, v7  }
0x108: {  	v48 =	vld [tilespmem:s25+$0x12A70];
	v29 =	vadd.f32 v11, v29;
	v34 =	vperm.xlane v31, v1;
	v11 =	vmul.f32 v5, v62;
	v51 =	vpop (erf)  }
0x109: {  	v42 =	vld [tilespmem:s31+$0x11630];
	v16 =	vadd.f32 v56, v16;
	v35 =	vmul.f32 v35, v51;
	v46 =	vperm.xlane v7, v4  }
0x10a: {  	v37 =	vld [tilespmem:s25+$0x13E60];
	v5 =	vmul.f32 v59, v5;
	v9 =	vadd.f32 v12, v29;
	v12 =	vadd.f32 v34, v31  }
0x10b: {  	v57 =	vld [tilespmem:s25+$0x12A80];
	v40 =	vsub.f32 v45, v40;
	v56 =	vmul.f32 v15, v35;
	v7 =	vadd.f32 v46, v7  }
0x10c: {  	v62 =	vld [tilespmem:s25+$0x11680];
	v46 =	vmul.f32 v20, v52;
	v19 =	vadd.f32 v11, v9;
	v9 =	vperm.xlane v12, v2  }
0x10d: {  	v48 =	vmul.f32 v40, v48;
	v52 =	vld [tilespmem:s25+$0x10280];
	v20 =	vmul.f32 v13, v35  }
0x10e: {  	v38 =	vld [tilespmem:s31+$0x11660];
	v18 =	vadd.f32 v46, v16;
	v7 =	vmul.f32 v7, v51;
	v11 =	vadd.f32 v9, v12  }
0x10f: {  	v6 =	vadd.f32 v6, v19;
	v16 =	vmul.f32 v17, v35;
	v12 =	vmul.f32 v55, v60;
	v55 =	vld [tilespmem:s25+$0x10290]  }
0x110: {  	v60 =	vld [tilespmem:s25+$0x11690];
	v9 =	vmul.f32 v39, v32;
	v29 =	vperm.xlane v11, v3  }
0x111: {  	v46 =	vld [tilespmem:s25+$0x13E80];
	v18 =	vadd.f32 v27, v18;
	v34 =	vperm.xlane v6, v1;
	v19 =	vmul.f32 v7, v17  }
0x112: {  	v59 =	vld [tilespmem:s25+$0x12A90];
	v17 =	vmul.f32 v14, v35;
	v35 =	vsub.f32 v50, v49;
	v62 =	vsub.f32 v62, v52  }
0x113: {  	v27 =	vld [tilespmem:s25+$0x13E90];
	v15 =	vmul.f32 v15, v7;
	v51 =	vadd.f32 v12, v18;
	v29 =	vadd.f32 v29, v11  }
0x114: {  	v45 =	vld [tilespmem:s31+$0x10240];
	v6 =	vadd.f32 v34, v6;
	v18 =	vmul.f32 v14, v7;
	v0 =	vmul.f32 v35, v35  }
0x115: {  	v31 =	vld [tilespmem:s19+$0x15220];
	v22 =	vmul.f32 v35, v22;
	v35 =	vmul.f32 v33, v35;
	v55 =	vsub.f32 v60, v55  }
0x116: {  	v50 =	vld [tilespmem:s31+$0x10220];
	v46 =	vmul.f32 v46, v62;
	v5 =	vadd.f32 v5, v51;
	v11 =	vperm.xlane v29, v4  }
0x117: {  	v52 =	vld [tilespmem:s31+$0x12A40];
	v12 =	vperm.xlane v6, v2;
	v51 =	vmul.f32 v13, v7;
	v7 =	vsub.f32 v43, v54  }
0x118: {  	v34 =	vld [tilespmem:s19+$0x15230];
	v59 =	vmul.f32 v55, v59;
	v27 =	vmul.f32 v27, v55;
	v5 =	vadd.f32 v9, v5  }
0x119: {  	v33 =	vld [tilespmem:s31+$0x13E40];
	v32 =	vadd.f32 v11, v29;
	v9 =	vmul.f32 v7, v7;
	v11 =	vmul.f32 v58, v58  }
0x11a: {  	v60 =	vld [tilespmem:s31+$0x10250];
	v6 =	vadd.f32 v12, v6;
	v28 =	vmul.f32 v7, v28;
	v7 =	vmul.f32 v24, v7  }
0x11b: {  	v54 =	vld [tilespmem:s31+$0x11620];
	v32 =	vmax.f32 v32, $9.999999970e-07;
	v14 =	vperm.xlane v5, v1;
	v0 =	vadd.f32 v0, v9  }
0x11c: {  	v29 =	vld [tilespmem:s19+$0x15250];
	v13 =	vperm.xlane v6, v3;
	(erf) = vrcp.f32 v32  }
0x11d: {  	v24 =	vld [tilespmem:s31+$0x11640];
	v32 =	vadd.f32 v14, v5;
	v39 =	vadd.f32 v11, v0;
	v0 =	vmul.f32 v61, v61  }
0x11e: {  	v12 =	vld [tilespmem:s31+$0x13E20];
	v28 =	vadd.f32 $0.0e+00, v28;
	v9 =	vmul.f32 v58, v36;
	v6 =	vadd.f32 v13, v6  }
0x11f: {  	v36 =	vld [tilespmem:s31+$0x11650];
	v13 =	vmul.f32 v63, v63;
	v49 =	vperm.xlane v32, v2;
	v0 =	vadd.f32 v0, v39  }
0x120: {  	v7 =	vadd.f32 $0.0e+00, v7;
	v58 =	vmul.f32 v10, v58;
	v10 =	vld [tilespmem:s31+$0x13E50];
	v22 =	vadd.f32 v22, v28  }
0x121: {  	v5 =	vld [tilespmem:s31+$0x10230];
	v32 =	vadd.f32 v49, v32;
	v39 =	vadd.f32 v13, v0;
	v0 =	vmul.f32 v40, v40  }
0x122: {  	v11 =	vld [tilespmem:s31+$0x12A30];
	v14 =	vmul.f32 v62, v62;
	v7 =	vadd.f32 v35, v7;
	v24 =	vsub.f32 v24, v45  }
0x123: {  	v45 =	vld [tilespmem:s31+$0x13E80];
	v43 =	vperm.xlane v6, v4;
	v49 =	vperm.xlane v32, v3;
	v0 =	vadd.f32 v0, v39  }
0x124: {  	v22 =	vadd.f32 v9, v22;
	v7 =	vadd.f32 v58, v7;
	v9 =	vmul.f32 v63, v44;
	v58 =	vld [tilespmem:s31+$0x12A60]  }
0x125: {  	s5 =	sshll.u32 s26, $0x6;
	v44 =	vld [tilespmem:s31+$0x11670];
	v13 =	vmul.f32 v55, v55;
	v32 =	vadd.f32 v49, v32;
	v35 =	vadd.f32 v14, v0  }
0x126: {  	v60 =	vsub.f32 v36, v60;
	v36 =	vld [tilespmem:s5+$0x15240];
	v6 =	vadd.f32 v43, v6;
	v40 =	vmul.f32 v47, v40  }
0x127: {  	v43 =	vld [tilespmem:s31+$0x13E30];
	v47 =	vsub.f32 v54, v50;
	v14 =	vperm.xlane v32, v4;
	v35 =	vadd.f32 v13, v35  }
0x128: {  	v22 =	vadd.f32 v41, v22;
	v41 =	vld [tilespmem:s31+$0x10270];
	v5 =	vsub.f32 v42, v5;
	v10 =	vmul.f32 v10, v60  }
0x129: {  	v39 =	vld [tilespmem:s31+$0x10260];
	v54 =	vmul.f32 v47, v47;
	v0 =	vpop (erf);
	v28 =	vadd.f32 v14, v32;
	v13 =	vperm.xlane v35, v1  }
0x12a: {  	v50 =	vld [tilespmem:s31+$0x12A80];
	v12 =	vmul.f32 v12, v47;
	v6 =	vmul.f32 v6, v0;
	v14 =	vadd.f32 v9, v22  }
0x12b: {  	v55 =	vld [tilespmem:s31+$0x12A90];
	v61 =	vmul.f32 v28, v0;
	v0 =	vadd.f32 v8, v7;
	v35 =	vadd.f32 v13, v35  }
0x12c: {  	v42 =	vld [tilespmem:s31+$0x11680];
	v7 =	vmul.f32 v37, v63;
	v28 =	vadd.f32 v48, v14;
	v63 =	vmul.f32 v62, v57  }
0x12d: {  	v49 =	vld [tilespmem:s31+$0x12A50];
	v12 =	vadd.f32 $0.0e+00, v12;
	v44 =	vsub.f32 v44, v41;
	v9 =	vperm.xlane v35, v2  }
0x12e: {  	v11 =	vmul.f32 v5, v11;
	v39 =	vsub.f32 v38, v39;
	v38 =	vld [tilespmem:s5+$0x15220];
	v28 =	vadd.f32 v63, v28  }
0x12f: {  	v32 =	vld [tilespmem:s31+$0x13E60];
	v22 =	vmul.f32 v21, v6;
	v63 =	vmul.f32 v5, v5;
	v35 =	vadd.f32 v9, v35  }
0x130: {  	v48 =	vld [tilespmem:s31+$0x12A70];
	v7 =	vadd.f32 v7, v0;
	v5 =	vmul.f32 v43, v5;
	v28 =	vadd.f32 v59, v28  }
0x131: {  	v57 =	vld [tilespmem:s31+$0x13E70];
	v54 =	vadd.f32 v63, v54;
	v9 =	vmul.f32 v24, v24;
	v62 =	vperm.xlane v35, v3  }
0x132: {  	v7 =	vadd.f32 v40, v7;
	v40 =	vld [tilespmem:s31+$0x10280];
	v5 =	vadd.f32 v5, v12;
	v8 =	vperm.xlane v28, v1  }
0x133: {  	v63 =	vmul.f32 v60, v60;
	v59 =	vld [tilespmem:s31+$0x13E90];
	v37 =	vadd.f32 v9, v54;
	v35 =	vadd.f32 v62, v35  }
0x134: {  	v12 =	vmul.f32 v33, v24;
	v7 =	vadd.f32 v46, v7;
	v46 =	vld [tilespmem:s31+$0x10290];
	v28 =	vadd.f32 v8, v28  }
0x135: {  	v62 =	vld [tilespmem:s31+$0x11690];
	v54 =	vadd.f32 v63, v37;
	v8 =	vmul.f32 v39, v39;
	s31 =	sor.u32 $0x5, s8;
	v13 =	vperm.xlane v35, v4  }
0x136: {  	v33 =	vmul.f32 v60, v49;
	v5 =	vadd.f32 v12, v5;
	v7 =	vadd.f32 v27, v7;
	v37 =	vld [tilespmem:s5+$0x15230];
	s25 =	sshll.u32 s31, $0x7  }
0x137: {  	v54 =	vadd.f32 v8, v54;
	v8 =	vld [tilespmem:s25+$0x10220];
	v9 =	vadd.f32 v13, v35;
	v13 =	vperm.xlane v28, v2  }
0x138: {  	v63 =	vmul.f32 v44, v44;
	v5 =	vadd.f32 v10, v5;
	v10 =	vmul.f32 v32, v39;
	v0 =	vld [tilespmem:s25+$0x10230]  }
0x139: {  	v43 =	vld [tilespmem:s25+$0x10240];
	v27 =	vmax.f32 v9, $9.999999970e-07;
	v28 =	vadd.f32 v13, v28;
	v9 =	vperm.xlane v7, v1  }
0x13a: {  	v60 =	vmul.f32 v44, v48;
	v42 =	vsub.f32 v42, v40;
	v49 =	vld [tilespmem:s25+$0x13E40];
	v5 =	vadd.f32 v10, v5  }
0x13b: {  	v12 =	vld [tilespmem:s25+$0x10250];
	v41 =	vadd.f32 v63, v54;
	v13 =	vperm.xlane v28, v3;
	v7 =	vadd.f32 v9, v7  }
0x13c: {  	v54 =	vmul.f32 v26, v61;
	v46 =	vsub.f32 v62, v46;
	v62 =	vld [tilespmem:s25+$0x11620];
	v9 =	vmul.f32 v42, v42  }
0x13d: {  	v48 =	vld [tilespmem:s25+$0x13E50];
	(erf) = vrcp.f32 v27;
	v40 =	vadd.f32 v13, v28;
	v13 =	vperm.xlane v7, v2  }
0x13e: {  	v10 =	vld [tilespmem:s25+$0x10260];
	v27 =	vmul.f32 v26, v6;
	v26 =	vmul.f32 v46, v46;
	v41 =	vadd.f32 v9, v41  }
0x13f: {  	v14 =	vmul.f32 v61, v21;
	v21 =	vmul.f32 v23, v6;
	v35 =	vld [tilespmem:s5+$0x15250];
	v7 =	vadd.f32 v13, v7  }
0x140: {  	v28 =	vld [tilespmem:s25+$0x12A20];
	v63 =	vperm.xlane v40, v4;
	v26 =	vadd.f32 v26, v41;
	v41 =	vmul.f32 v47, v53  }
0x141: {  	v23 =	vmul.f32 v23, v61;
	v9 =	vld [tilespmem:s25+$0x13E20];
	v8 =	vsub.f32 v62, v8;
	v47 =	vperm.xlane v7, v3  }
0x142: {  	v53 =	vld [tilespmem:s25+$0x11630];
	v40 =	vadd.f32 v63, v40;
	v41 =	vadd.f32 $0.0e+00, v41;
	v63 =	vperm.xlane v26, v1  }
0x143: {  	v13 =	vmul.f32 v25, v6;
	v25 =	vmul.f32 v25, v61;
	v61 =	vld [tilespmem:s25+$0x12A30];
	v7 =	vadd.f32 v47, v7  }
0x144: {  	v6 =	vld [tilespmem:s25+$0x13E30];
	v11 =	vadd.f32 v11, v41;
	v26 =	vadd.f32 v63, v26;
	v63 =	vmul.f32 v24, v52  }
0x145: {  	v28 =	vmul.f32 v8, v28;
	v47 =	vld [tilespmem:s25+$0x11640]  }
0x146: {  	v52 =	vld [tilespmem:s25+$0x12A40];
	v24 =	vperm.xlane v7, v4;
	v11 =	vadd.f32 v63, v11;
	v63 =	vperm.xlane v26, v2  }
0x147: {  	v50 =	vmul.f32 v42, v50;
	v62 =	vadd.f32 $0.0e+00, v28;
	v28 =	vld [tilespmem:s25+$0x13E80]  }
0x148: {  	v7 =	vadd.f32 v24, v7;
	v24 =	vadd.f32 v63, v26;
	v63 =	vmul.f32 v39, v58;
	v58 =	vld [tilespmem:s25+$0x11650]  }
0x149: {  	[tilespmem:s21+$0x15C20] =	vst v22;
	v0 =	vsub.f32 v53, v0;
	v53 =	vmul.f32 v8, v8;
	v8 =	vmul.f32 v9, v8;
	v26 =	vpop (erf);
	v39 =	vld [tilespmem:s25+$0x12A50]  }
0x14a: {  	[tilespmem:s21+$0x16620] =	vst v14;
	v11 =	vadd.f32 v33, v11;
	v40 =	vmul.f32 v40, v26;
	v43 =	vsub.f32 v47, v43;
	v47 =	vld [tilespmem:s25+$0x10280]  }
0x14b: {  	[tilespmem:s21+$0x15C30] =	vst v21;
	v41 =	vmul.f32 v7, v26;
	v7 =	vmul.f32 v57, v44;
	v44 =	vld [tilespmem:s25+$0x11660]  }
0x14c: {  	[tilespmem:s21+$0x16630] =	vst v23;
	v8 =	vadd.f32 $0.0e+00, v8;
	v11 =	vadd.f32 v63, v11;
	v63 =	vperm.xlane v24, v3;
	v26 =	vld [tilespmem:s25+$0x11670]  }
0x14d: {  	[tilespmem:s21+$0x16640] =	vst v54;
	v33 =	vmul.f32 v31, v40;
	v5 =	vadd.f32 v7, v5;
	v7 =	vmul.f32 v45, v42;
	v42 =	vld [tilespmem:s25+$0x12A60]  }
0x14e: {  	[tilespmem:s21+$0x15C40] =	vst v27;
	v11 =	vadd.f32 v60, v11;
	v24 =	vadd.f32 v63, v24;
	v32 =	vmul.f32 v41, v31;
	v45 =	vld [tilespmem:s25+$0x13E60]  }
0x14f: {  	[tilespmem:s21+$0x15C50] =	vst v13;
	v31 =	vmul.f32 v34, v40;
	v34 =	vmul.f32 v34, v41;
	v12 =	vsub.f32 v58, v12;
	v58 =	vld [tilespmem:s25+$0x12A80]  }
0x150: {  	[tilespmem:s21+$0x16650] =	vst v25;
	s21 =	sshll.u32 s31, $0x6;
	v60 =	vmul.f32 v0, v0;
	v63 =	vmul.f32 v0, v61;
	v11 =	vadd.f32 v50, v11;
	v50 =	vld [tilespmem:s25+$0x10270]  }
0x151: {  	v0 =	vmul.f32 v6, v0;
	v57 =	vperm.xlane v24, v4;
	v5 =	vadd.f32 v7, v5;
	[tilespmem:s19+$0x15C30] =	vst v31;
	v31 =	vld [tilespmem:s21+$0x15230]  }
0x152: {  	v7 =	vmul.f32 v46, v55;
	v46 =	vmul.f32 v59, v46;
	v53 =	vadd.f32 v60, v53;
	[tilespmem:s19+$0x16620] =	vst v32;
	v32 =	vld [tilespmem:s21+$0x15240]  }
0x153: {  	v60 =	vmul.f32 v43, v43;
	v61 =	vadd.f32 v63, v62;
	v10 =	vsub.f32 v44, v10;
	v44 =	vld [tilespmem:s25+$0x10290]  }
0x154: {  	v62 =	vmul.f32 v43, v52;
	v0 =	vadd.f32 v0, v8;
	v7 =	vadd.f32 v7, v11;
	v11 =	vld [tilespmem:s25+$0x12A70]  }
0x155: {  	v59 =	vmul.f32 v12, v12;
	v5 =	vadd.f32 v46, v5;
	v46 =	vld [tilespmem:s25+$0x13E70];
	v63 =	vadd.f32 v60, v53  }
0x156: {  	s3 =	sor.u32 $0x6, s8;
	v24 =	vadd.f32 v57, v24;
	v57 =	vld [tilespmem:s25+$0x11680];
	v9 =	vadd.f32 v62, v61;
	v60 =	vmul.f32 v12, v39  }
0x157: {  	s26 =	sshll.u32 s3, $0x7;
	v39 =	vld [tilespmem:s25+$0x11690];
	v61 =	vmul.f32 v10, v10;
	v62 =	vmul.f32 v10, v42;
	v52 =	vadd.f32 v59, v63  }
0x158: {  	v53 =	vld [tilespmem:s26+$0x10220];
	v10 =	vmul.f32 v45, v10;
	v24 =	vmax.f32 v24, $9.999999970e-07;
	v6 =	vadd.f32 v60, v9  }
0x159: {  	v45 =	vld [tilespmem:s26+$0x13E50];
	(erf) = vrcp.f32 v24;
	v26 =	vsub.f32 v26, v50;
	v63 =	vadd.f32 v61, v52  }
0x15a: {  	v9 =	vld [tilespmem:s26+$0x11620];
	v6 =	vadd.f32 v62, v6;
	v61 =	vmul.f32 v49, v43;
	v52 =	vmul.f32 v48, v12  }
0x15b: {  	v50 =	vld [tilespmem:s25+$0x12A90];
	v59 =	vmul.f32 v26, v26;
	v47 =	vsub.f32 v57, v47;
	v60 =	vmul.f32 v26, v11  }
0x15c: {  	v24 =	vld [tilespmem:s25+$0x13E90];
	v39 =	vsub.f32 v39, v44;
	v0 =	vadd.f32 v61, v0;
	v61 =	vmul.f32 v46, v26  }
0x15d: {  	v44 =	vld [tilespmem:s26+$0x13E20];
	v42 =	vadd.f32 v59, v63;
	v62 =	vmul.f32 v47, v47;
	v63 =	vmul.f32 v47, v58  }
0x15e: {  	v49 =	vld [tilespmem:s26+$0x12A20];
	v6 =	vadd.f32 v60, v6;
	v57 =	vmul.f32 v39, v39;
	v59 =	vperm.xlane v7, v1  }
0x15f: {  	v48 =	vld [tilespmem:s26+$0x11630];
	v60 =	vperm.xlane v5, v1;
	v9 =	vsub.f32 v9, v53;
	v0 =	vadd.f32 v52, v0  }
0x160: {  	v12 =	vld [tilespmem:s26+$0x13E30];
	v58 =	vmul.f32 v39, v50;
	v55 =	vadd.f32 v62, v42;
	v6 =	vadd.f32 v63, v6  }
0x161: {  	v43 =	vld [tilespmem:s26+$0x13E40];
	v52 =	vmul.f32 v28, v47;
	v7 =	vadd.f32 v59, v7;
	v5 =	vadd.f32 v60, v5  }
0x162: {  	v11 =	vld [tilespmem:s26+$0x12A30];
	v0 =	vadd.f32 v10, v0;
	v44 =	vmul.f32 v44, v9;
	v8 =	vadd.f32 v57, v55  }
0x163: {  	v26 =	vld [tilespmem:s26+$0x10240];
	v6 =	vadd.f32 v58, v6;
	v50 =	vperm.xlane v7, v2;
	v55 =	vperm.xlane v5, v2  }
0x164: {  	v46 =	vld [tilespmem:s26+$0x11640];
	v57 =	vmul.f32 v24, v39;
	v39 =	vmul.f32 v30, v40;
	v0 =	vadd.f32 v61, v0  }
0x165: {  	v53 =	vld [tilespmem:s26+$0x12A70];
	v62 =	vperm.xlane v8, v1;
	v63 =	vperm.xlane v6, v1;
	v7 =	vadd.f32 v50, v7  }
0x166: {  	v28 =	vld [tilespmem:s26+$0x12A40];
	v30 =	vmul.f32 v30, v41;
	v5 =	vadd.f32 v55, v5;
	v0 =	vadd.f32 v52, v0  }
0x167: {  	v47 =	vld [tilespmem:s26+$0x12A60];
	v8 =	vadd.f32 v62, v8;
	v6 =	vadd.f32 v63, v6;
	v60 =	vperm.xlane v7, v3  }
0x168: {  	v42 =	vld [tilespmem:s26+$0x10230];
	v40 =	vmul.f32 v29, v40;
	v61 =	vperm.xlane v5, v3;
	v0 =	vadd.f32 v57, v0  }
0x169: {  	v10 =	vld [tilespmem:s26+$0x12A50];
	v58 =	vperm.xlane v8, v2;
	v59 =	vperm.xlane v6, v2;
	v7 =	vadd.f32 v60, v7  }
0x16a: {  	v24 =	vld [tilespmem:s26+$0x10250];
	v26 =	vsub.f32 v46, v26;
	v5 =	vadd.f32 v61, v5;
	v62 =	vperm.xlane v0, v1  }
0x16b: {  	v46 =	vld [tilespmem:s26+$0x11680];
	v8 =	vadd.f32 v58, v8;
	v6 =	vadd.f32 v59, v6;
	v61 =	vperm.xlane v7, v4  }
0x16c: {  	v29 =	vmul.f32 v29, v41;
	v50 =	vld [tilespmem:s26+$0x11650];
	v0 =	vadd.f32 v62, v0;
	v62 =	vperm.xlane v5, v4  }
0x16d: {  	v52 =	vld [tilespmem:s26+$0x10260];
	v63 =	vperm.xlane v8, v3;
	v60 =	vperm.xlane v6, v3;
	v7 =	vadd.f32 v61, v7  }
0x16e: {  	v28 =	vmul.f32 v26, v28;
	v55 =	vpop (erf);
	v57 =	vld [tilespmem:s26+$0x13E60];
	v41 =	vperm.xlane v0, v2;
	v5 =	vadd.f32 v62, v5  }
0x16f: {  	v58 =	vld [tilespmem:s26+$0x11660];
	v8 =	vadd.f32 v63, v8;
	v6 =	vadd.f32 v60, v6;
	v7 =	vmul.f32 v7, v55  }
0x170: {  	v59 =	vld [tilespmem:s26+$0x10270];
	v63 =	vmul.f32 v9, v49;
	v9 =	vmul.f32 v9, v9;
	v0 =	vadd.f32 v41, v0  }
0x171: {  	v62 =	vld [tilespmem:s26+$0x11670];
	v5 =	vmul.f32 v5, v55;
	v41 =	vsub.f32 v48, v42;
	v60 =	vperm.xlane v8, v4  }
0x172: {  	v49 =	vld [tilespmem:s26+$0x10280];
	v61 =	vperm.xlane v6, v4;
	v48 =	vadd.f32 $0.0e+00, v63;
	v42 =	vperm.xlane v0, v3  }
0x173: {  	v55 =	vld [tilespmem:s26+$0x13E70];
	v11 =	vmul.f32 v41, v11;
	v12 =	vmul.f32 v12, v41;
	v8 =	vadd.f32 v60, v8  }
0x174: {  	v63 =	vld [tilespmem:s26+$0x13E80];
	v6 =	vadd.f32 v61, v6;
	v60 =	vmul.f32 v41, v41;
	v41 =	vadd.f32 $0.0e+00, v44  }
0x175: {  	v61 =	vld [tilespmem:s26+$0x12A80];
	v44 =	vmul.f32 v37, v7;
	v0 =	vadd.f32 v42, v0;
	v42 =	vmul.f32 v26, v26  }
0x176: {  	v11 =	vadd.f32 v11, v48;
	v48 =	vld [tilespmem:s26+$0x10290];
	v26 =	vmul.f32 v43, v26;
	v43 =	vmul.f32 v36, v7  }
0x177: {  	v9 =	vadd.f32 v60, v9;
	v12 =	vadd.f32 v12, v41;
	v8 =	vmax.f32 v8, $9.999999970e-07;
	v60 =	vld [tilespmem:s26+$0x11690]  }
0x178: {  	v41 =	vmul.f32 v38, v7;
	(erf) = vrcp.f32 v8;
	v11 =	vadd.f32 v28, v11;
	v28 =	vld [tilespmem:s26+$0x13E90]  }
0x179: {  	s25 =	sor.u32 $0x7, s8;
	v8 =	vadd.f32 v42, v9;
	v9 =	vsub.f32 v50, v24;
	v24 =	vld [tilespmem:s26+$0x12A90];
	v42 =	vmul.f32 v37, v5  }
0x17a: {  	s26 =	sshll.u32 s25, $0x7;
	v37 =	vmul.f32 v36, v5;
	v36 =	vmul.f32 v35, v7;
	v7 =	vld [tilespmem:$0x1FF80]  }
0x17b: {  	v50 =	vld [tilespmem:s26+$0x10220]  }
0x17c: {  	v12 =	vadd.f32 v26, v12;
	v26 =	vld [tilespmem:s26+$0x11620]  }
0x17d: {  	[tilespmem:s18+$0x15C20] =	vst v16;
	v16 =	vld [tilespmem:s26+$0x11680]  }
0x17e: {  	[tilespmem:s18+$0x16620] =	vst v19;
	v19 =	vld [tilespmem:s26+$0x12A40]  }
0x17f: {  	[tilespmem:s18+$0x15C50] =	vst v56;
	v52 =	vsub.f32 v58, v52;
	v56 =	vld [tilespmem:s26+$0x13E40];
	v58 =	vmul.f32 v9, v9  }
0x180: {  	v10 =	vmul.f32 v9, v10;
	v9 =	vmul.f32 v45, v9;
	v45 =	vld [tilespmem:s26+$0x12A20]  }
0x181: {  	v48 =	vsub.f32 v60, v48;
	v60 =	vld [tilespmem:$0x1FFB0];
	v8 =	vadd.f32 v58, v8  }
0x182: {  	v10 =	vadd.f32 v10, v11;
	v9 =	vadd.f32 v9, v12;
	v58 =	vld [tilespmem:s26+$0x10230]  }
0x183: {  	v12 =	vmul.f32 v52, v47;
	v47 =	vmul.f32 v57, v52;
	v57 =	vsub.f32 v62, v59;
	v59 =	vld [tilespmem:s26+$0x12A30]  }
0x184: {  	v11 =	vmul.f32 v52, v52;
	[tilespmem:s17+$0x15C20] =	vst v7;
	v7 =	vmul.f32 v35, v5;
	v35 =	vsub.f32 v46, v49;
	v49 =	vld [tilespmem:$0x1FF90]  }
0x185: {  	v10 =	vadd.f32 v12, v10;
	v12 =	vmul.f32 v57, v53;
	v53 =	vld [tilespmem:$0x1FFA0]  }
0x186: {  	v8 =	vadd.f32 v11, v8;
	v11 =	vld [tilespmem:s26+$0x11630]  }
0x187: {  	v38 =	vmul.f32 v5, v38;
	v62 =	vmul.f32 v57, v57;
	v5 =	vadd.f32 v47, v9;
	v47 =	vld [tilespmem:s26+$0x10240]  }
0x188: {  	[tilespmem:s17+$0x16630] =	vst v60;
	v60 =	vld [tilespmem:$0x1FFC0]  }
0x189: {  	v9 =	vperm.xlane v0, v4;
	v8 =	vadd.f32 v62, v8;
	v62 =	vld [tilespmem:$0x1FFD0];
	[tilespmem:s17+$0x16620] =	vst v49  }
0x18a: {  	v49 =	vpop (erf);
	[tilespmem:s17+$0x15C30] =	vst v53;
	v53 =	vmul.f32 v55, v57;
	v55 =	vmul.f32 v35, v35;
	v57 =	vld [tilespmem:s26+$0x11640]  }
0x18b: {  	v0 =	vadd.f32 v9, v0;
	v9 =	vmul.f32 v6, v49;
	v6 =	vadd.f32 v12, v10;
	v10 =	vld [tilespmem:s26+$0x10250]  }
0x18c: {  	v12 =	vadd.f32 v55, v8;
	v55 =	vld [tilespmem:s26+$0x11650]  }
0x18d: {  	v8 =	vmul.f32 v0, v49;
	v0 =	vsub.f32 v26, v50;
	v26 =	vld [tilespmem:s26+$0x10260]  }
0x18e: {  	v61 =	vmul.f32 v35, v61;
	v11 =	vsub.f32 v11, v58;
	[tilespmem:s17+$0x15C40] =	vst v60;
	v60 =	vld [tilespmem:$0x1FFE0]  }
0x18f: {  	v35 =	vmul.f32 v63, v35;
	v5 =	vadd.f32 v53, v5;
	v53 =	vmul.f32 v48, v48;
	[tilespmem:s17+$0x16640] =	vst v62;
	v62 =	vld [tilespmem:$0x1FFF0]  }
0x190: {  	[tilespmem:s19+$0x15C50] =	vst v40;
	v50 =	vld [tilespmem:s26+$0x11660];
	v58 =	vmul.f32 v11, v11;
	v6 =	vadd.f32 v61, v6;
	v40 =	vmul.f32 v31, v9  }
0x191: {  	v46 =	vld [tilespmem:s26+$0x13E30];
	[tilespmem:s5+$0x16650] =	vst v7;
	v7 =	vmul.f32 v32, v9;
	v12 =	vadd.f32 v53, v12;
	v63 =	vmul.f32 v0, v0  }
0x192: {  	[tilespmem:s18+$0x16650] =	vst v15;
	v5 =	vadd.f32 v35, v5;
	v35 =	vld [tilespmem:s26+$0x11670];
	v15 =	vmul.f32 v31, v8;
	v47 =	vsub.f32 v57, v47  }
0x193: {  	v53 =	vld [tilespmem:s26+$0x10280];
	v61 =	vadd.f32 v58, v63;
	v63 =	vmul.f32 v48, v24;
	v24 =	vmul.f32 v28, v48;
	[tilespmem:s17+$0x15C50] =	vst v60  }
0x194: {  	v57 =	vld [tilespmem:s26+$0x10270];
	[tilespmem:s17+$0x16650] =	vst v62;
	v60 =	vperm.xlane v12, v1;
	v62 =	vmul.f32 v47, v47;
	v10 =	vsub.f32 v55, v10  }
0x195: {  	v52 =	vld [tilespmem:s26+$0x13E20];
	v26 =	vsub.f32 v50, v26;
	v19 =	vmul.f32 v47, v19;
	v47 =	vmul.f32 v56, v47  }
0x196: {  	v6 =	vadd.f32 v63, v6;
	v63 =	vmul.f32 v11, v59;
	v11 =	vmul.f32 v46, v11  }
0x197: {  	v28 =	vld [tilespmem:s26+$0x10290];
	v5 =	vadd.f32 v24, v5;
	v49 =	vadd.f32 v62, v61;
	v55 =	vmul.f32 v10, v10  }
0x198: {  	[tilespmem:s18+$0x16630] =	vst v18;
	v12 =	vadd.f32 v60, v12;
	v60 =	vmul.f32 v0, v45;
	v45 =	vld [tilespmem:s26+$0x11690];
	v16 =	vsub.f32 v16, v53  }
0x199: {  	[tilespmem:s18+$0x16640] =	vst v51;
	v51 =	vld [tilespmem:s26+$0x13E70];
	v61 =	vmul.f32 v26, v26;
	v35 =	vsub.f32 v35, v57;
	v18 =	vadd.f32 v55, v49  }
0x19a: {  	v0 =	vmul.f32 v52, v0;
	v53 =	vperm.xlane v6, v1;
	v62 =	vadd.f32 $0.0e+00, v60  }
0x19b: {  	v59 =	vld [tilespmem:s26+$0x12A50];
	v56 =	vperm.xlane v5, v1;
	v57 =	vmul.f32 v35, v35;
	v55 =	vadd.f32 v61, v18  }
0x19c: {  	[tilespmem:s18+$0x15C30] =	vst v17;
	v48 =	vld [tilespmem:s26+$0x13E60];
	v58 =	vperm.xlane v12, v2;
	v0 =	vadd.f32 $0.0e+00, v0;
	v17 =	vadd.f32 v63, v62  }
0x19d: {  	v50 =	vld [tilespmem:s26+$0x12A70];
	v62 =	vmul.f32 v16, v16;
	v28 =	vsub.f32 v45, v28;
	v60 =	vadd.f32 v57, v55  }
0x19e: {  	v6 =	vadd.f32 v53, v6;
	v5 =	vadd.f32 v56, v5;
	v13 =	vmul.f32 v51, v35;
	v61 =	vld [tilespmem:s26+$0x13E50]  }
0x19f: {  	v12 =	vadd.f32 v58, v12;
	v63 =	vld [tilespmem:s26+$0x12A60];
	v45 =	vmul.f32 v28, v28;
	v14 =	vadd.f32 v62, v60  }
0x1a0: {  	[tilespmem:s18+$0x15C40] =	vst v20;
	v0 =	vadd.f32 v11, v0;
	v20 =	vmul.f32 v10, v59;
	v24 =	vperm.xlane v5, v2  }
0x1a1: {  	v59 =	vld [tilespmem:s26+$0x12A90];
	v58 =	vperm.xlane v12, v3;
	v46 =	vadd.f32 v19, v17;
	v14 =	vadd.f32 v45, v14  }
0x1a2: {  	v18 =	vmul.f32 v48, v26;
	v0 =	vadd.f32 v47, v0;
	v55 =	vld [tilespmem:s26+$0x12A80];
	v5 =	vadd.f32 v24, v5  }
0x1a3: {  	v57 =	vld [tilespmem:s26+$0x13E80];
	v12 =	vadd.f32 v58, v12;
	v10 =	vmul.f32 v61, v10;
	v52 =	vperm.xlane v14, v1  }
0x1a4: {  	v11 =	vadd.f32 v20, v46;
	v58 =	vmul.f32 v35, v50;
	v60 =	vld [tilespmem:s26+$0x13E90];
	v54 =	vmul.f32 v26, v63  }
0x1a5: {  	v62 =	vld [tilespmem:s21+$0x15220];
	v63 =	vperm.xlane v6, v2;
	v0 =	vadd.f32 v10, v0;
	v14 =	vadd.f32 v52, v14  }
0x1a6: {  	[tilespmem:s19+$0x15C20] =	vst v33;
	v27 =	vmul.f32 v28, v59;
	v49 =	vperm.xlane v12, v4;
	v10 =	vadd.f32 v54, v11  }
0x1a7: {  	[tilespmem:s19+$0x16630] =	vst v34;
	v6 =	vadd.f32 v63, v6;
	v0 =	vadd.f32 v18, v0;
	v61 =	vperm.xlane v14, v2  }
0x1a8: {  	[tilespmem:s19+$0x15C40] =	vst v39;
	v19 =	vmul.f32 v16, v55;
	v12 =	vadd.f32 v49, v12;
	v10 =	vadd.f32 v58, v10  }
0x1a9: {  	[tilespmem:s19+$0x16640] =	vst v30;
	v25 =	vmul.f32 v57, v16;
	v0 =	vadd.f32 v13, v0;
	v14 =	vadd.f32 v61, v14  }
0x1aa: {  	[tilespmem:s19+$0x16650] =	vst v29;
	v29 =	vmul.f32 v60, v28;
	v30 =	vmul.f32 v62, v9;
	v10 =	vadd.f32 v19, v10  }
0x1ab: {  	[tilespmem:s5+$0x16620] =	vst v38;
	v38 =	vld [tilespmem:s21+$0x15250];
	v12 =	vmax.f32 v12, $9.999999970e-07;
	v0 =	vadd.f32 v25, v0;
	v26 =	vperm.xlane v14, v3  }
0x1ac: {  	[tilespmem:s5+$0x15C30] =	vst v44;
	v33 =	vperm.xlane v6, v3;
	(erf) = vrcp.f32 v12;
	v10 =	vadd.f32 v27, v10  }
0x1ad: {  	[tilespmem:s5+$0x15C40] =	vst v43;
	v18 =	vperm.xlane v5, v3;
	v0 =	vadd.f32 v29, v0;
	v14 =	vadd.f32 v26, v14  }
0x1ae: {  	[tilespmem:s5+$0x15C20] =	vst v41;
	v11 =	vmul.f32 v8, v62;
	v35 =	vperm.xlane v10, v1  }
0x1af: {  	[tilespmem:s5+$0x16630] =	vst v42;
	v6 =	vadd.f32 v33, v6;
	v39 =	vperm.xlane v0, v1;
	v34 =	vperm.xlane v14, v4  }
0x1b0: {  	[tilespmem:s5+$0x16640] =	vst v37;
	v9 =	vmul.f32 v38, v9;
	v5 =	vadd.f32 v18, v5;
	v10 =	vadd.f32 v35, v10  }
0x1b1: {  	[tilespmem:s5+$0x15C50] =	vst v36;
	v12 =	vmul.f32 v32, v8;
	v0 =	vadd.f32 v39, v0;
	v14 =	vadd.f32 v34, v14  }
0x1b2: {  	s3 =	sshll.u32 s3, $0x6;
	[tilespmem:s21+$0x15C30] =	vst v40;
	v41 =	vperm.xlane v6, v4;
	v43 =	vperm.xlane v10, v2  }
0x1b3: {  	v44 =	vld [tilespmem:s3+$0x15220];
	[tilespmem:s21+$0x15C40] =	vst v7;
	v42 =	vperm.xlane v5, v4;
	v45 =	vperm.xlane v0, v2;
	v14 =	vmax.f32 v14, $9.999999970e-07  }
0x1b4: {  	[tilespmem:s21+$0x16630] =	vst v15;
	v6 =	vadd.f32 v41, v6;
	v10 =	vadd.f32 v43, v10;
	(erf) = vrcp.f32 v14  }
0x1b5: {  	v47 =	vld [tilespmem:s3+$0x15230];
	[tilespmem:s21+$0x15C20] =	vst v30;
	v8 =	vmul.f32 v38, v8;
	v5 =	vadd.f32 v42, v5;
	v46 =	vpop (erf);
	v0 =	vadd.f32 v45, v0  }
0x1b6: {  	[tilespmem:s21+$0x16620] =	vst v11;
	v6 =	vmul.f32 v6, v46;
	v7 =	vperm.xlane v10, v3  }
0x1b7: {  	v48 =	vld [tilespmem:s3+$0x15240];
	[tilespmem:s21+$0x15C50] =	vst v9;
	v5 =	vmul.f32 v5, v46;
	v49 =	vperm.xlane v0, v3  }
0x1b8: {  	[tilespmem:s21+$0x16640] =	vst v12;
	v50 =	vmul.f32 v44, v6;
	v7 =	vadd.f32 v7, v10  }
0x1b9: {  	v52 =	vld [tilespmem:s3+$0x15250];
	[tilespmem:s21+$0x16650] =	vst v8;
	v51 =	vmul.f32 v5, v44;
	v0 =	vadd.f32 v49, v0  }
0x1ba: {  	s26 =	sshll.u32 s25, $0x6;
	v53 =	vmul.f32 v47, v6;
	[tilespmem:s3+$0x15C20] =	vst v50;
	v54 =	vperm.xlane v7, v4  }
0x1bb: {  	v57 =	vld [tilespmem:s26+$0x15220];
	v55 =	vmul.f32 v47, v5;
	[tilespmem:s3+$0x16620] =	vst v51;
	v56 =	vperm.xlane v0, v4  }
0x1bc: {  	v58 =	vmul.f32 v48, v6;
	[tilespmem:s3+$0x15C30] =	vst v53;
	v7 =	vadd.f32 v54, v7  }
0x1bd: {  	v61 =	vld [tilespmem:s26+$0x15230];
	v59 =	vmul.f32 v48, v5;
	[tilespmem:s3+$0x16630] =	vst v55;
	v0 =	vadd.f32 v56, v0;
	v60 =	vpop (erf)  }
0x1be: {  	v6 =	vmul.f32 v52, v6;
	[tilespmem:s3+$0x15C40] =	vst v58;
	v7 =	vmul.f32 v7, v60  }
0x1bf: {  	v62 =	vld [tilespmem:s26+$0x15240];
	v5 =	vmul.f32 v52, v5;
	[tilespmem:s3+$0x16640] =	vst v59;
	v0 =	vmul.f32 v0, v60  }
0x1c0: {  	[tilespmem:s3+$0x15C50] =	vst v6;
	v6 =	vmul.f32 v57, v7  }
0x1c1: {  	v63 =	vld [tilespmem:s26+$0x15250];
	[tilespmem:s3+$0x16650] =	vst v5;
	v5 =	vmul.f32 v0, v57  }
0x1c2: {  	[tilespmem:s26+$0x15C20] =	vst v6;
	v6 =	vmul.f32 v61, v7  }
0x1c3: {  	[tilespmem:s26+$0x16620] =	vst v5;
	v5 =	vmul.f32 v61, v0  }
0x1c4: {  	p1 =	slt.u32 s8, $0x20;
	[tilespmem:s26+$0x15C30] =	vst v6;
	v6 =	vmul.f32 v62, v7  }
.Ltmp1:
0x1c5: {  	[tilespmem:s26+$0x16630] =	vst v5;
	v5 =	vmul.f32 v62, v0;
	(pc) =	sbr.rel @p1 .LBB2_5-.Ltmp1, $4  }
0x1c6: {  	v0 =	vmul.f32 v63, v0;
	[tilespmem:s26+$0x15C40] =	vst v6  }
0x1c7: {  	v6 =	vmul.f32 v63, v7;
	[tilespmem:s26+$0x16640] =	vst v5  }
0x1c8: {  	s31 =	sadd.s32 $0x8, s8;
	[tilespmem:s26+$0x16650] =	vst v0  }
0x1c9: {  	s8 =	smov.u32 s31;
	[tilespmem:s26+$0x15C50] =	vst v6  }
0x1ca: {  	[spmem:s4] =	stream.indirect.scatter.add.f32 [tilespmem:s0], [sflag:$0x2], $0x40, s30, s23, $0xb8;
	[tilespmem:$0x1DEC0] =	vst v63  }
0x1cb: {  	p1 =	seq.s32 s20, $0x7C  }
0x1cc: {  	[spmem:s4] =	stream.indirect.scatter.add.f32 [tilespmem:s10], [sflag:$0x2], $0x40, s9, s23, $0xb8;
	[tilespmem:$0x1DEC0] =	vst v63  }
0x1cd: {  	s3 =	sadd.s32 @!p1 $0x50, s14;
	s5 =	simm.s32 @!p1 $0x28;
	s8 =	simm.s32 @!p1 $0x10220  }
0x1ce: {  	[tilespmem:s8], [sflag:$0x1] =	stream.indirect.gather @!p1 [hbm4b:s1+s5], $0x80, s3, s5, $0xb8;
	[tilespmem:$0x1DEC0] =	vst v63  }
0x1cf: {  	s17 =	simm.s32 @!p1 $0x11620;
	s8 =	sadd.s32 @!p1 $0x2760, s14  }
0x1d0: {  	[tilespmem:s17], [sflag:$0x1] =	stream.indirect.gather @!p1 [hbm4b:s1+s5], $0x80, s8, s5, $0xb8;
	[tilespmem:$0x1DEC0] =	vst v63  }
0x1d1: {  	s17 =	simm.s32 @!p1 $0x12A20  }
0x1d2: {  	[tilespmem:s17], [sflag:$0x1] =	stream.indirect.gather @!p1 [hbm4b:s2+s5], $0x80, s3, s5, $0xb8;
	[tilespmem:$0x1DEC0] =	vst v63  }
0x1d3: {  	s3 =	sadd.s32 @!p1 s7, s3  }
0x1d4: {  	s17 =	simm.s32 @!p1 $0x13E20;
	s3 =	sshll.u32 @!p1 s3, $0x3  }
0x1d5: {  	[tilespmem:s17], [sflag:$0x1] =	stream.indirect.gather @!p1 [hbm4b:s2+s5], $0x80, s8, s5, $0xb8;
	[tilespmem:$0x1DEC0] =	vst v63  }
0x1d6: {  	s3 =	sand.u32 @!p1 $0x1FFFFF80, s3  }
0x1d7: {  	s5 =	simm.s32 @!p1 $0x0;
	s8 =	simm.s32 @!p1 $0x15220;
	s3 =	sadd.s32 @!p1 s6, s3  }
0x1d8: {  	[tilespmem:s8], [sflag:$0x1] =	stream.linear.gather @!p1 [hbm4b:s3+s5], $0xA00, $0x38;
	[tilespmem:$0x1DEC0] =	vst v63  }
0x1d9: {  	_ =	swait.ge [sflag:s11], $0x1400  }
0x1da: {  	[sflag:s11] =	ssyncset.done $0x0  }
0x1db: {  	[sflag:s11] =	ssyncadd.s32 $0xFFFFEC00  }
0x1dc: {  	_ =	swait.ge [sflag:s11], $0x1400  }
0x1dd: {  	[sflag:s11] =	ssyncset.done $0x0  }
0x1de: {  	[sflag:s11] =	ssyncadd.s32 $0xFFFFEC00  }
0x1df: {  	_ =	swait.ge [sflag:s11], $0x1400  }
0x1e0: {  	[sflag:s11] =	ssyncset.done $0x0  }
0x1e1: {  	[sflag:s11] =	ssyncadd.s32 $0xFFFFEC00  }
0x1e2: {  	_ =	swait.ge [sflag:s11], $0x1400  }
0x1e3: {  	[sflag:s11] =	ssyncset.done $0x0  }
0x1e4: {  	[sflag:s11] =	ssyncadd.s32 $0xFFFFEC00  }
0x1e5: {  	_ =	swait.ge [sflag:s11], $0xA00  }
0x1e6: {  	[sflag:s11] =	ssyncset.done $0x0  }
0x1e7: {  	s3 =	simm.s32 @!p0 $0x4;
	[sflag:s11] =	ssyncadd.s32 $0xFFFFF600  }
0x1e8: {  	_ =	swait.ge @!p0 [sflag:s3], $0xA00  }
0x1e9: {  	[sflag:s3] =	ssyncset.done @!p0 $0x0  }
0x1ea: {  	[sflag:s3] =	ssyncadd.s32 @!p0 $0xFFFFF600  }
0x1eb: {  	_ =	swait.ge @!p0 [sflag:s3], $0xA00  }
0x1ec: {  	[sflag:s3] =	ssyncset.done @!p0 $0x0  }
0x1ed: {  	[sflag:s3] =	ssyncadd.s32 @!p0 $0xFFFFF600  }
0x1ee: {  	v0 =	vld [tilespmem:s14+$0x28];
	_ =	sdelay $0x4  }
0x1ef: {  	[tilespmem:$0x1DE70] =	vst v0  }
0x1f0: {  	v0 =	vld [tilespmem:s22+$0x2710];
	_ =	sdelay $0x4  }
0x1f1: {  	[tilespmem:$0x1DE98] =	vst v0  }
0x1f2: {  	v0 =	vld [tilespmem:s14+$0x38];
	_ =	sdelay $0x4  }
0x1f3: {  	[tilespmem:$0x1DE80] =	vst v0  }
0x1f4: {  	v0 =	vld [tilespmem:s14+$0x2748];
	_ =	sdelay $0x4  }
0x1f5: {  	[tilespmem:$0x1DEA8] =	vst v0  }
0x1f6: {  	v0 =	vld [tilespmem:s14+$0x40];
	_ =	sdelay $0x4  }
0x1f7: {  	[tilespmem:$0x1DE88] =	vst v0  }
0x1f8: {  	v0 =	vld [tilespmem:s14+$0x2750];
	_ =	sdelay $0x4  }
0x1f9: {  	s8 =	simm.s32 $0x0;
	[tilespmem:$0x1DEB0] =	vst v0  }
.LBB2_7:
0x1fa: {  	s3 =	sshll.u32 s8, $0x7  }
0x1fb: {  	v0 =	vld [tilespmem:s3+$0x17070]  }
0x1fc: {  	v10 =	vld [tilespmem:s3+$0x18470]  }
0x1fd: {  	v13 =	vld [tilespmem:s3+$0x19870]  }
0x1fe: {  	v14 =	vld [tilespmem:s3+$0x1AC70]  }
0x1ff: {  	v11 =	vld [tilespmem:s3+$0x17080]  }
0x200: {  	v15 =	vld [tilespmem:s3+$0x18480]  }
0x201: {  	v16 =	vld [tilespmem:s3+$0x19880]  }
0x202: {  	v17 =	vld [tilespmem:s3+$0x1AC80]  }
0x203: {  	v18 =	vld [tilespmem:s3+$0x17090]  }
0x204: {  	v19 =	vld [tilespmem:s3+$0x18490]  }
0x205: {  	v20 =	vld [tilespmem:s3+$0x19890]  }
0x206: {  	v29 =	vld [tilespmem:s3+$0x1AC90]  }
0x207: {  	v22 =	vld [tilespmem:s3+$0x170A0]  }
0x208: {  	v24 =	vld [tilespmem:s3+$0x184A0]  }
0x209: {  	v28 =	vld [tilespmem:s3+$0x198A0]  }
0x20a: {  	v30 =	vld [tilespmem:s3+$0x1ACA0]  }
0x20b: {  	v32 =	vld [tilespmem:s3+$0x170B0]  }
0x20c: {  	v33 =	vld [tilespmem:s3+$0x184B0]  }
0x20d: {  	v34 =	vld [tilespmem:s3+$0x198B0]  }
0x20e: {  	v35 =	vld [tilespmem:s3+$0x1ACB0]  }
0x20f: {  	v36 =	vld [tilespmem:s3+$0x170C0]  }
0x210: {  	v37 =	vld [tilespmem:s3+$0x184C0]  }
0x211: {  	v38 =	vld [tilespmem:s3+$0x198C0]  }
0x212: {  	v39 =	vld [tilespmem:s3+$0x1ACC0]  }
0x213: {  	v40 =	vld [tilespmem:s3+$0x170D0]  }
0x214: {  	v41 =	vld [tilespmem:s3+$0x184D0]  }
0x215: {  	v42 =	vld [tilespmem:s3+$0x198D0]  }
0x216: {  	v43 =	vld [tilespmem:s3+$0x1ACD0]  }
0x217: {  	v44 =	vld [tilespmem:s3+$0x170E0]  }
0x218: {  	v45 =	vld [tilespmem:s3+$0x184E0]  }
0x219: {  	v46 =	vld [tilespmem:s3+$0x198E0]  }
0x21a: {  	s14 =	sshll.u32 s8, $0x6;
	v49 =	vld [tilespmem:s3+$0x1ACE0]  }
0x21b: {  	v9 =	vld [tilespmem:s14+$0x1C070]  }
0x21c: {  	v8 =	vld [tilespmem:s14+$0x1C080]  }
0x21d: {  	s26 =	sor.u32 $0x1, s8;
	v6 =	vld [tilespmem:s14+$0x1C090]  }
0x21e: {  	v7 =	vld [tilespmem:s14+$0x1C0A0];
	s5 =	sshll.u32 s26, $0x7  }
0x21f: {  	v48 =	vld [tilespmem:s5+$0x17070]  }
0x220: {  	v50 =	vld [tilespmem:s5+$0x18470]  }
0x221: {  	v31 =	vld [tilespmem:s5+$0x19870]  }
0x222: {  	v21 =	vld [tilespmem:s5+$0x1AC70]  }
0x223: {  	v51 =	vld [tilespmem:s5+$0x17080]  }
0x224: {  	v52 =	vld [tilespmem:s5+$0x18480]  }
0x225: {  	v27 =	vld [tilespmem:s5+$0x19880]  }
0x226: {  	v12 =	vld [tilespmem:s5+$0x1AC80]  }
0x227: {  	v53 =	vld [tilespmem:s5+$0x17090]  }
0x228: {  	v54 =	vld [tilespmem:s5+$0x18490]  }
0x229: {  	v25 =	vld [tilespmem:s5+$0x19890];
	v0 =	vsub.f32 v10, v0;
	v15 =	vsub.f32 v15, v11  }
0x22a: {  	v5 =	vld [tilespmem:s5+$0x1AC90]  }
0x22b: {  	v55 =	vld [tilespmem:s5+$0x170A0];
	v18 =	vsub.f32 v19, v18;
	v62 =	vmul.f32 v0, v0;
	v26 =	vmul.f32 v15, v15  }
0x22c: {  	v56 =	vld [tilespmem:s5+$0x184A0]  }
0x22d: {  	v23 =	vld [tilespmem:s5+$0x198A0];
	v47 =	vsub.f32 v24, v22;
	v19 =	vmul.f32 v18, v18;
	v11 =	vadd.f32 v26, v62  }
0x22e: {  	v57 =	vld [tilespmem:s5+$0x170B0]  }
0x22f: {  	v58 =	vld [tilespmem:s5+$0x184B0];
	v33 =	vsub.f32 v33, v32;
	v22 =	vmul.f32 v47, v47;
	v19 =	vadd.f32 v19, v11  }
0x230: {  	v63 =	vld [tilespmem:s5+$0x1ACB0];
	v37 =	vsub.f32 v37, v36  }
0x231: {  	v59 =	vld [tilespmem:s5+$0x170C0];
	v13 =	vmul.f32 v0, v13;
	v24 =	vmul.f32 v33, v33;
	v19 =	vadd.f32 v22, v19  }
0x232: {  	v60 =	vld [tilespmem:s5+$0x184C0];
	v40 =	vsub.f32 v41, v40;
	v16 =	vmul.f32 v15, v16  }
0x233: {  	v61 =	vld [tilespmem:s5+$0x170D0];
	v13 =	vadd.f32 $0.0e+00, v13;
	v11 =	vmul.f32 v37, v37;
	v19 =	vadd.f32 v24, v19  }
0x234: {  	v10 =	vld [tilespmem:s5+$0x1ACA0];
	v45 =	vsub.f32 v45, v44;
	v36 =	vmul.f32 v18, v20  }
0x235: {  	v32 =	vld [tilespmem:s5+$0x198C0];
	v41 =	vmul.f32 v40, v40;
	v13 =	vadd.f32 v16, v13;
	v19 =	vadd.f32 v11, v19  }
0x236: {  	[tilespmem:$0x1FED0] =	vst v63;
	v63 =	vld [tilespmem:s5+$0x170E0];
	v44 =	vmul.f32 v47, v28  }
0x237: {  	s17 =	sshll.u32 s26, $0x6;
	v28 =	vld [tilespmem:s5+$0x1ACD0];
	v13 =	vadd.f32 v36, v13;
	v11 =	vmul.f32 v45, v45;
	v19 =	vadd.f32 v41, v19  }
0x238: {  	v0 =	vmul.f32 v14, v0;
	v15 =	vmul.f32 v17, v15;
	v17 =	vld [tilespmem:s17+$0x1C070]  }
0x239: {  	v34 =	vmul.f32 v33, v34;
	v14 =	vld [tilespmem:s17+$0x1C080];
	v13 =	vadd.f32 v44, v13;
	v44 =	vadd.f32 v11, v19  }
0x23a: {  	v26 =	vld [tilespmem:s5+$0x198B0];
	v0 =	vadd.f32 $0.0e+00, v0  }
0x23b: {  	v13 =	vadd.f32 v34, v13;
	v19 =	vld [tilespmem:s5+$0x184E0];
	v11 =	vmul.f32 v37, v38;
	v20 =	vperm.xlane v44, v1  }
0x23c: {  	v62 =	vld [tilespmem:s5+$0x184D0];
	v0 =	vadd.f32 v15, v0;
	v34 =	vmul.f32 v29, v18  }
0x23d: {  	s31 =	sor.u32 $0x2, s8;
	v42 =	vmul.f32 v40, v42;
	v15 =	vld [tilespmem:s17+$0x1C0A0];
	v38 =	vadd.f32 v11, v13;
	v16 =	vadd.f32 v20, v44  }
0x23e: {  	s18 =	sshll.u32 s31, $0x7;
	v36 =	vld [tilespmem:s5+$0x198D0];
	v0 =	vadd.f32 v34, v0;
	v44 =	vmul.f32 v30, v47  }
0x23f: {  	v46 =	vmul.f32 v45, v46;
	v18 =	vadd.f32 v42, v38;
	v42 =	vld [tilespmem:s18+$0x1AC70];
	v47 =	vperm.xlane v16, v2  }
0x240: {  	v22 =	vld [tilespmem:s5+$0x1ACE0];
	v11 =	vmul.f32 v35, v33;
	v19 =	vsub.f32 v19, v63;
	v0 =	vadd.f32 v44, v0  }
0x241: {  	v24 =	vld [tilespmem:s5+$0x1ACC0];
	v18 =	vadd.f32 v46, v18;
	v46 =	vmul.f32 v49, v45;
	v30 =	vadd.f32 v47, v16  }
0x242: {  	v29 =	vld [tilespmem:s18+$0x19870];
	v49 =	vsub.f32 v54, v53;
	v54 =	vsub.f32 v58, v57;
	v16 =	vmul.f32 v39, v37  }
0x243: {  	v41 =	vld [tilespmem:s5+$0x198E0];
	v0 =	vadd.f32 v11, v0;
	v39 =	vperm.xlane v18, v1;
	v37 =	vperm.xlane v30, v3  }
0x244: {  	v13 =	vld [tilespmem:s17+$0x1C090];
	[tilespmem:$0x1FEE0] =	vst v42;
	v42 =	vsub.f32 v52, v51;
	v51 =	vsub.f32 v56, v55  }
0x245: {  	v33 =	vld [tilespmem:s18+$0x17070];
	v35 =	vadd.f32 v39, v18;
	v34 =	vadd.f32 v37, v30  }
0x246: {  	v43 =	vmul.f32 v43, v40;
	v38 =	vld [tilespmem:s18+$0x18470];
	v0 =	vadd.f32 v16, v0;
	v39 =	vsub.f32 v50, v48  }
0x247: {  	v63 =	vld [tilespmem:s18+$0x184C0];
	v56 =	vsub.f32 v60, v59;
	v11 =	vperm.xlane v35, v2;
	v20 =	vperm.xlane v34, v4  }
0x248: {  	v44 =	vld [tilespmem:s18+$0x17080];
	v52 =	vmul.f32 v42, v42;
	v0 =	vadd.f32 v43, v0;
	v37 =	vmul.f32 v39, v39  }
0x249: {  	v53 =	vld [tilespmem:s18+$0x184A0];
	v35 =	vadd.f32 v11, v35;
	v20 =	vadd.f32 v20, v34  }
0x24a: {  	v57 =	vld [tilespmem:s18+$0x170B0];
	v40 =	vadd.f32 v46, v0;
	v37 =	vadd.f32 v52, v37  }
0x24b: {  	v58 =	vld [tilespmem:s18+$0x184B0];
	v46 =	vmul.f32 v49, v49;
	v11 =	vperm.xlane v35, v3;
	v20 =	vmax.f32 v20, $9.999999970e-07  }
0x24c: {  	v47 =	vld [tilespmem:s18+$0x18480];
	v60 =	vsub.f32 v62, v61;
	(erf) = vrcp.f32 v20;
	v20 =	vperm.xlane v40, v1  }
0x24d: {  	v61 =	vld [tilespmem:s18+$0x170C0];
	v43 =	vadd.f32 v46, v37;
	v35 =	vadd.f32 v11, v35;
	v11 =	vmul.f32 v51, v51  }
0x24e: {  	v25 =	vmul.f32 v49, v25;
	v18 =	vld [tilespmem:s18+$0x1AC80];
	v55 =	vadd.f32 v20, v40  }
0x24f: {  	v48 =	vld [tilespmem:s18+$0x17090];
	v59 =	vmul.f32 v56, v56;
	v40 =	vadd.f32 v11, v43;
	v43 =	vmul.f32 v54, v54  }
0x250: {  	v50 =	vld [tilespmem:s18+$0x18490];
	v45 =	vmul.f32 v42, v27;
	v11 =	vperm.xlane v55, v2  }
0x251: {  	v16 =	vld [tilespmem:s18+$0x1AC90];
	v12 =	vmul.f32 v12, v42;
	v42 =	vmul.f32 v56, v32;
	v43 =	vadd.f32 v43, v40  }
0x252: {  	s19 =	sor.u32 $0x3, s8;
	v27 =	vld [tilespmem:s18+$0x1ACB0];
	v31 =	vmul.f32 v39, v31;
	v46 =	vperm.xlane v35, v4;
	v55 =	vadd.f32 v11, v55  }
0x253: {  	s21 =	sshll.u32 s19, $0x7;
	v32 =	vld [tilespmem:s18+$0x170E0];
	v24 =	vmul.f32 v24, v56;
	v43 =	vadd.f32 v59, v43;
	v11 =	vmul.f32 v60, v60  }
0x254: {  	v56 =	vld [tilespmem:s21+$0x18480];
	v31 =	vadd.f32 $0.0e+00, v31;
	v35 =	vadd.f32 v46, v35;
	v46 =	vperm.xlane v55, v3  }
0x255: {  	v57 =	vsub.f32 v58, v57;
	v58 =	vld [tilespmem:s21+$0x18490];
	v43 =	vadd.f32 v11, v43;
	v11 =	vmul.f32 v19, v19;
	v0 =	vpop (erf)  }
0x256: {  	v30 =	vld [tilespmem:s18+$0x19880];
	v62 =	vadd.f32 v45, v31;
	v31 =	vmul.f32 v35, v0;
	v35 =	vadd.f32 v46, v55  }
0x257: {  	v21 =	vmul.f32 v21, v39;
	v39 =	vld [tilespmem:s18+$0x184D0];
	v43 =	vadd.f32 v11, v43  }
0x258: {  	v47 =	vsub.f32 v47, v44;
	v52 =	vld [tilespmem:s18+$0x170A0];
	v25 =	vadd.f32 v25, v62;
	v62 =	vperm.xlane v35, v4  }
0x259: {  	v23 =	vmul.f32 v51, v23;
	v48 =	vsub.f32 v50, v48;
	v50 =	vld [tilespmem:s21+$0x1AC90];
	v11 =	vperm.xlane v43, v1  }
0x25a: {  	v21 =	vadd.f32 $0.0e+00, v21;
	v44 =	vmul.f32 v47, v47;
	v34 =	vld [tilespmem:s18+$0x19890];
	v62 =	vadd.f32 v62, v35  }
0x25b: {  	v37 =	vld [tilespmem:s18+$0x198A0];
	v23 =	vadd.f32 v23, v25;
	v25 =	vmul.f32 v54, v26;
	v26 =	vadd.f32 v11, v43  }
0x25c: {  	v45 =	vld [tilespmem:s18+$0x198C0];
	v43 =	vmul.f32 v5, v49;
	v62 =	vmul.f32 v62, v0;
	v0 =	vadd.f32 v12, v21  }
0x25d: {  	v18 =	vmul.f32 v18, v47;
	v30 =	vmul.f32 v47, v30;
	v47 =	vld [tilespmem:s21+$0x1ACC0]  }
0x25e: {  	v52 =	vsub.f32 v53, v52;
	v53 =	vld [tilespmem:s21+$0x17090];
	v12 =	vadd.f32 v43, v0;
	v0 =	vmul.f32 v62, v9  }
0x25f: {  	v20 =	vld [tilespmem:s18+$0x1ACA0]  }
0x260: {  	v23 =	vadd.f32 v25, v23;
	[tilespmem:$0x1FF00] =	vst v0;
	v0 =	vld [tilespmem:$0x1FED0]  }
0x261: {  	v40 =	vld [tilespmem:s18+$0x198B0]  }
0x262: {  	v23 =	vadd.f32 v42, v23;
	v42 =	vld [tilespmem:s21+$0x17070]  }
0x263: {  	v59 =	vld [tilespmem:s18+$0x170D0];
	v49 =	vmul.f32 v9, v31  }
0x264: {  	v41 =	vmul.f32 v19, v41;
	v19 =	vmul.f32 v22, v19;
	v22 =	vld [tilespmem:s21+$0x19880]  }
0x265: {  	v55 =	vld [tilespmem:s18+$0x1ACC0];
	[tilespmem:$0x1FEF0] =	vst v49;
	v49 =	vmul.f32 v0, v54;
	v0 =	vmul.f32 v8, v62  }
0x266: {  	v25 =	vmul.f32 v60, v36;
	v21 =	vld [tilespmem:s18+$0x184E0];
	v36 =	vperm.xlane v26, v2  }
0x267: {  	v46 =	vld [tilespmem:s18+$0x198D0];
	[tilespmem:$0x1FF10] =	vst v0;
	v0 =	vmul.f32 v6, v31  }
0x268: {  	v10 =	vmul.f32 v10, v51;
	v39 =	vsub.f32 v39, v59;
	v59 =	vld [tilespmem:s21+$0x184A0];
	v36 =	vadd.f32 v36, v26  }
0x269: {  	v27 =	vmul.f32 v27, v57;
	v25 =	vadd.f32 v25, v23;
	v35 =	vld [tilespmem:s18+$0x1ACD0];
	[tilespmem:$0x1FF20] =	vst v0;
	v0 =	vmul.f32 v6, v62  }
0x26a: {  	v16 =	vmul.f32 v16, v48;
	v5 =	vld [tilespmem:s18+$0x198E0];
	v10 =	vadd.f32 v10, v12;
	v9 =	vperm.xlane v36, v3  }
0x26b: {  	v41 =	vadd.f32 v41, v25;
	v11 =	vld [tilespmem:s18+$0x1ACE0];
	s18 =	sshll.u32 s31, $0x6;
	v21 =	vsub.f32 v21, v32;
	[tilespmem:$0x1FF30] =	vst v0;
	v0 =	vmul.f32 v7, v31  }
0x26c: {  	v51 =	vld [tilespmem:s18+$0x1C070];
	v36 =	vadd.f32 v9, v36;
	v54 =	vmul.f32 v8, v31;
	v12 =	vadd.f32 v49, v10  }
0x26d: {  	v23 =	vld [tilespmem:s18+$0x1C080];
	v8 =	vperm.xlane v41, v1;
	[tilespmem:$0x1FF40] =	vst v0;
	v0 =	vmul.f32 v7, v62;
	v7 =	vsub.f32 v38, v33  }
0x26e: {  	v25 =	vld [tilespmem:s18+$0x1C0A0];
	v9 =	vperm.xlane v36, v4;
	v10 =	vadd.f32 v24, v12;
	v12 =	vmul.f32 v28, v60  }
0x26f: {  	v53 =	vsub.f32 v58, v53;
	v26 =	vld [tilespmem:s18+$0x1C090];
	v41 =	vadd.f32 v8, v41;
	v38 =	vmul.f32 v7, v7  }
0x270: {  	v43 =	vld [tilespmem:s21+$0x18470];
	v5 =	vmul.f32 v21, v5;
	v31 =	vadd.f32 v12, v10;
	v10 =	vadd.f32 v9, v36  }
0x271: {  	v32 =	vld [tilespmem:s21+$0x170C0];
	v12 =	vperm.xlane v41, v2;
	v62 =	vmul.f32 v48, v48;
	v38 =	vadd.f32 v44, v38  }
0x272: {  	v49 =	vld [tilespmem:s21+$0x17080];
	v9 =	vmul.f32 v52, v52;
	v60 =	vmax.f32 v10, $9.999999970e-07;
	v19 =	vadd.f32 v19, v31  }
0x273: {  	v36 =	vadd.f32 v12, v41;
	(erf) = vrcp.f32 v60;
	[tilespmem:$0x1FF50] =	vst v0;
	v0 =	vld [tilespmem:$0x1FEE0];
	v38 =	vadd.f32 v62, v38  }
0x274: {  	v60 =	vsub.f32 v63, v61;
	v61 =	vld [tilespmem:s21+$0x170A0];
	v10 =	vperm.xlane v19, v1;
	v29 =	vmul.f32 v7, v29  }
0x275: {  	v28 =	vld [tilespmem:s21+$0x19870];
	v12 =	vmul.f32 v57, v57;
	v8 =	vperm.xlane v36, v3;
	v38 =	vadd.f32 v9, v38  }
0x276: {  	v11 =	vmul.f32 v11, v21;
	v41 =	vld [tilespmem:s21+$0x198A0];
	v19 =	vadd.f32 v10, v19;
	v29 =	vadd.f32 $0.0e+00, v29  }
0x277: {  	v24 =	vld [tilespmem:s21+$0x1AC70];
	v31 =	vadd.f32 v8, v36;
	v8 =	vmul.f32 v60, v60;
	v38 =	vadd.f32 v12, v38  }
0x278: {  	v6 =	vld [tilespmem:s21+$0x184D0];
	v62 =	vperm.xlane v19, v2;
	v29 =	vadd.f32 v30, v29;
	v7 =	vmul.f32 v0, v7  }
0x279: {  	v33 =	vld [tilespmem:s21+$0x1AC80];
	v58 =	vsub.f32 v59, v61;
	v12 =	vmul.f32 v39, v39;
	v10 =	vadd.f32 v8, v38  }
0x27a: {  	v63 =	vld [tilespmem:s21+$0x184B0];
	v9 =	vmul.f32 v48, v34;
	v19 =	vadd.f32 v62, v19;
	v7 =	vadd.f32 $0.0e+00, v7  }
0x27b: {  	v62 =	vld [tilespmem:s21+$0x170B0];
	v41 =	vmul.f32 v58, v41;
	v34 =	vadd.f32 v12, v10;
	v10 =	vmul.f32 v21, v21  }
0x27c: {  	v36 =	vld [tilespmem:s21+$0x19890];
	v29 =	vadd.f32 v9, v29;
	v9 =	vmul.f32 v52, v37;
	v7 =	vadd.f32 v18, v7  }
0x27d: {  	s22 =	sor.u32 $0x4, s8;
	s19 =	sshll.u32 s19, $0x6;
	v44 =	vld [tilespmem:s21+$0x198B0];
	v8 =	vperm.xlane v31, v4;
	v12 =	vperm.xlane v19, v3;
	v34 =	vadd.f32 v10, v34  }
0x27e: {  	s25 =	sshll.u32 s22, $0x7;
	v30 =	vld [tilespmem:s19+$0x1C090];
	v29 =	vadd.f32 v9, v29;
	v9 =	vmul.f32 v57, v40;
	v7 =	vadd.f32 v16, v7  }
0x27f: {  	v59 =	vld [tilespmem:s25+$0x17080];
	v21 =	vsub.f32 v56, v49;
	v19 =	vadd.f32 v12, v19;
	v12 =	vperm.xlane v34, v1  }
0x280: {  	v61 =	vld [tilespmem:s25+$0x18480];
	v63 =	vsub.f32 v63, v62;
	v29 =	vadd.f32 v9, v29;
	v10 =	vmul.f32 v60, v45  }
0x281: {  	v48 =	vld [tilespmem:s21+$0x198C0];
	v31 =	vadd.f32 v8, v31;
	v49 =	vmul.f32 v21, v21;
	v0 =	vperm.xlane v19, v4  }
0x282: {  	v37 =	vld [tilespmem:s21+$0x1ACB0];
	v18 =	vadd.f32 v10, v29;
	v29 =	vmul.f32 v39, v46;
	v9 =	vadd.f32 v12, v34  }
0x283: {  	v56 =	vld [tilespmem:s25+$0x17070];
	v22 =	vmul.f32 v21, v22;
	v10 =	vmul.f32 v20, v52;
	v0 =	vadd.f32 v0, v19;
	v12 =	vpop (erf)  }
0x284: {  	v8 =	vld [tilespmem:s25+$0x18470];
	v18 =	vadd.f32 v29, v18;
	v34 =	vperm.xlane v9, v2;
	v29 =	vmul.f32 v31, v12  }
0x285: {  	v38 =	vld [tilespmem:s21+$0x1ACA0];
	v21 =	vmul.f32 v33, v21;
	v7 =	vadd.f32 v10, v7;
	v0 =	vmul.f32 v0, v12  }
0x286: {  	v45 =	vld [tilespmem:s21+$0x184C0];
	v40 =	vadd.f32 v34, v9;
	v9 =	vmul.f32 v55, v60;
	v16 =	vmul.f32 v17, v29  }
0x287: {  	v57 =	vld [tilespmem:s21+$0x198D0];
	v5 =	vadd.f32 v5, v18;
	v19 =	vmul.f32 v0, v17;
	v17 =	vmul.f32 v14, v29  }
0x288: {  	v52 =	vld [tilespmem:s21+$0x170D0];
	v7 =	vadd.f32 v27, v7;
	v18 =	vmul.f32 v14, v0;
	v10 =	vperm.xlane v40, v3  }
0x289: {  	v62 =	vld [tilespmem:s25+$0x19880];
	v8 =	vsub.f32 v8, v56;
	v20 =	vmul.f32 v13, v29;
	v14 =	vmul.f32 v13, v0  }
0x28a: {  	v33 =	vld [tilespmem:s25+$0x1AC90];
	v7 =	vadd.f32 v9, v7;
	v9 =	vmul.f32 v35, v39;
	v39 =	vadd.f32 v10, v40  }
0x28b: {  	v46 =	vld [tilespmem:s21+$0x1ACD0];
	v45 =	vsub.f32 v45, v32;
	v13 =	vmul.f32 v15, v29;
	v15 =	vmul.f32 v15, v0  }
0x28c: {  	v32 =	vld [tilespmem:s25+$0x17090];
	v0 =	vsub.f32 v43, v42;
	v7 =	vadd.f32 v9, v7;
	v10 =	vperm.xlane v39, v4  }
0x28d: {  	v56 =	vmul.f32 v8, v8;
	v6 =	vsub.f32 v6, v52;
	v55 =	vld [tilespmem:s21+$0x170E0];
	v12 =	vperm.xlane v5, v1  }
0x28e: {  	v60 =	vld [tilespmem:s21+$0x184E0];
	v28 =	vmul.f32 v0, v28;
	v7 =	vadd.f32 v11, v7;
	v39 =	vadd.f32 v10, v39  }
0x28f: {  	v27 =	vld [tilespmem:s21+$0x1ACE0];
	v5 =	vadd.f32 v12, v5;
	v43 =	vmul.f32 v0, v0;
	v24 =	vmul.f32 v24, v0  }
0x290: {  	v31 =	vld [tilespmem:s19+$0x1C070];
	v28 =	vadd.f32 $0.0e+00, v28;
	v12 =	vperm.xlane v7, v1;
	v11 =	vmax.f32 v39, $9.999999970e-07  }
0x291: {  	v52 =	vld [tilespmem:s25+$0x19890];
	v10 =	vmul.f32 v53, v53;
	(erf) = vrcp.f32 v11;
	v11 =	vadd.f32 v49, v43  }
0x292: {  	v35 =	vld [tilespmem:s21+$0x198E0];
	v40 =	vperm.xlane v5, v2;
	v24 =	vadd.f32 $0.0e+00, v24;
	v7 =	vadd.f32 v12, v7  }
0x293: {  	v34 =	vld [tilespmem:s19+$0x1C080];
	v9 =	vmul.f32 v58, v58;
	v55 =	vsub.f32 v60, v55;
	v11 =	vadd.f32 v10, v11  }
0x294: {  	v29 =	vld [tilespmem:s19+$0x1C0A0];
	v5 =	vadd.f32 v40, v5;
	v22 =	vadd.f32 v22, v28;
	v12 =	vperm.xlane v7, v2  }
0x295: {  	v0 =	vld [tilespmem:s25+$0x18490];
	v28 =	vmul.f32 v53, v36;
	v10 =	vmul.f32 v63, v63;
	v11 =	vadd.f32 v9, v11  }
0x296: {  	v60 =	vld [tilespmem:s25+$0x170A0];
	v21 =	vadd.f32 v21, v24;
	v40 =	vperm.xlane v5, v3;
	v7 =	vadd.f32 v12, v7  }
0x297: {  	v35 =	vmul.f32 v55, v35;
	v39 =	vld [tilespmem:s25+$0x19870];
	v12 =	vmul.f32 v45, v45;
	v42 =	vadd.f32 v10, v11  }
0x298: {  	v27 =	vmul.f32 v27, v55;
	v5 =	vadd.f32 v40, v5;
	v40 =	vld [tilespmem:s25+$0x1AC70];
	v49 =	vperm.xlane v7, v3  }
0x299: {  	v36 =	vld [tilespmem:s25+$0x184A0];
	v53 =	vmul.f32 v50, v53;
	v10 =	vmul.f32 v6, v6;
	v11 =	vadd.f32 v12, v42  }
0x29a: {  	v50 =	vld [tilespmem:s25+$0x1ACA0];
	v0 =	vsub.f32 v0, v32;
	v43 =	vperm.xlane v5, v4;
	v7 =	vadd.f32 v49, v7  }
0x29b: {  	v32 =	vld [tilespmem:s25+$0x1ACD0];
	v22 =	vadd.f32 v28, v22;
	v12 =	vmul.f32 v55, v55;
	v24 =	vadd.f32 v10, v11  }
0x29c: {  	v21 =	vadd.f32 v53, v21;
	v53 =	vld [tilespmem:s25+$0x198B0];
	v5 =	vadd.f32 v43, v5;
	v9 =	vperm.xlane v7, v4  }
0x29d: {  	v43 =	vld [tilespmem:s25+$0x1AC80];
	v39 =	vmul.f32 v8, v39;
	v8 =	vmul.f32 v40, v8;
	v24 =	vadd.f32 v12, v24  }
0x29e: {  	v49 =	vld [tilespmem:s25+$0x198A0];
	v10 =	vmul.f32 v38, v58;
	v7 =	vadd.f32 v9, v7;
	v11 =	vpop (erf);
	v12 =	vmul.f32 v63, v44  }
0x29f: {  	v22 =	vadd.f32 v41, v22;
	v42 =	vld [tilespmem:s25+$0x170B0];
	v5 =	vmul.f32 v5, v11;
	v44 =	vperm.xlane v24, v1  }
0x2a0: {  	v55 =	vld [tilespmem:s25+$0x198E0];
	v7 =	vmul.f32 v7, v11;
	v11 =	vadd.f32 v10, v21;
	v10 =	vmul.f32 v37, v63  }
0x2a1: {  	v38 =	vld [tilespmem:s25+$0x184B0];
	v63 =	vmul.f32 v45, v48;
	v12 =	vadd.f32 v12, v22;
	v41 =	vadd.f32 v44, v24  }
0x2a2: {  	v39 =	vadd.f32 $0.0e+00, v39;
	v58 =	vld [tilespmem:s25+$0x1ACB0];
	v45 =	vmul.f32 v47, v45;
	v48 =	vsub.f32 v61, v59  }
0x2a3: {  	v47 =	vld [tilespmem:s25+$0x184C0];
	v28 =	vadd.f32 v63, v12;
	v12 =	vmul.f32 v6, v57;
	v21 =	vperm.xlane v41, v2  }
0x2a4: {  	s5 =	sshll.u32 s22, $0x6;
	v61 =	vld [tilespmem:s25+$0x170E0];
	v22 =	vmul.f32 v51, v5;
	v11 =	vadd.f32 v10, v11;
	v59 =	vmul.f32 v48, v48  }
0x2a5: {  	v37 =	vld [tilespmem:s5+$0x1C080];
	v63 =	vmul.f32 v23, v5;
	v28 =	vadd.f32 v12, v28;
	v12 =	vadd.f32 v21, v41  }
0x2a6: {  	v42 =	vsub.f32 v38, v42;
	v40 =	vmul.f32 v48, v62;
	v44 =	vld [tilespmem:s25+$0x170C0];
	v6 =	vmul.f32 v46, v6  }
0x2a7: {  	v38 =	vld [tilespmem:s5+$0x1C070];
	v11 =	vadd.f32 v45, v11;
	v10 =	vadd.f32 v59, v56;
	[tilespmem:$0x1FF60] =	vst v63;
	v63 =	vperm.xlane v12, v3  }
0x2a8: {  	v24 =	vmul.f32 v7, v51;
	v59 =	vsub.f32 v36, v60;
	v60 =	vld [tilespmem:s25+$0x184E0];
	v28 =	vadd.f32 v35, v28  }
0x2a9: {  	s21 =	sor.u32 $0x5, s8;
	v51 =	vld [tilespmem:s25+$0x184D0];
	v6 =	vadd.f32 v6, v11;
	v21 =	vmul.f32 v23, v7;
	v11 =	vadd.f32 v63, v12  }
0x2aa: {  	s22 =	sshll.u32 s21, $0x7;
	v39 =	vadd.f32 v40, v39;
	v41 =	vld [tilespmem:s25+$0x170D0];
	v9 =	vperm.xlane v28, v1;
	v12 =	vmul.f32 v0, v0  }
0x2ab: {  	v62 =	vld [tilespmem:s22+$0x1AC80];
	v6 =	vadd.f32 v27, v6;
	v44 =	vsub.f32 v47, v44;
	v23 =	vperm.xlane v11, v4  }
0x2ac: {  	v57 =	vld [tilespmem:s25+$0x198C0];
	v28 =	vadd.f32 v9, v28;
	v63 =	vadd.f32 v12, v10;
	v12 =	vmul.f32 v59, v59  }
0x2ad: {  	v46 =	vld [tilespmem:s25+$0x198D0];
	v40 =	vmul.f32 v0, v52;
	v60 =	vsub.f32 v60, v61;
	v11 =	vadd.f32 v23, v11  }
0x2ae: {  	v45 =	vld [tilespmem:s25+$0x1ACC0];
	v23 =	vperm.xlane v28, v2;
	v35 =	vadd.f32 v12, v63;
	v12 =	vmul.f32 v42, v42  }
0x2af: {  	v56 =	vld [tilespmem:s25+$0x1ACE0];
	v27 =	vperm.xlane v6, v1;
	v51 =	vsub.f32 v51, v41;
	v11 =	vmax.f32 v11, $9.999999970e-07  }
0x2b0: {  	v36 =	vld [tilespmem:s5+$0x1C090];
	v28 =	vadd.f32 v23, v28;
	v23 =	vadd.f32 v12, v35;
	v12 =	vmul.f32 v44, v44  }
0x2b1: {  	v52 =	vld [tilespmem:s22+$0x19890];
	v0 =	vmul.f32 v33, v0;
	v6 =	vadd.f32 v27, v6;
	(erf) = vrcp.f32 v11  }
0x2b2: {  	v47 =	vld [tilespmem:s22+$0x18480];
	v11 =	vperm.xlane v28, v3;
	v23 =	vadd.f32 v12, v23;
	v12 =	vmul.f32 v51, v51  }
0x2b3: {  	v61 =	vld [tilespmem:s22+$0x18470];
	v33 =	vadd.f32 v40, v39;
	v39 =	vmul.f32 v59, v49;
	v63 =	vperm.xlane v6, v2  }
0x2b4: {  	v9 =	vld [tilespmem:s22+$0x17070];
	v11 =	vadd.f32 v11, v28;
	v41 =	vadd.f32 v12, v23;
	v23 =	vmul.f32 v60, v60  }
0x2b5: {  	v49 =	vld [tilespmem:s22+$0x1AC90];
	v27 =	vmul.f32 v26, v5;
	v28 =	vmul.f32 v26, v7  }
0x2b6: {  	v10 =	vld [tilespmem:s22+$0x19870];
	v6 =	vadd.f32 v63, v6;
	v26 =	vmul.f32 v25, v5;
	v5 =	vperm.xlane v11, v4  }
0x2b7: {  	v59 =	vmul.f32 v50, v59;
	v50 =	vld [tilespmem:s22+$0x184A0];
	v25 =	vmul.f32 v25, v7;
	v7 =	vadd.f32 v23, v41  }
0x2b8: {  	v35 =	vld [tilespmem:s5+$0x1C0A0];
	v5 =	vadd.f32 v5, v11;
	v11 =	vperm.xlane v6, v3;
	v23 =	vmovc v3;
	v3 =	vmovc v2;
	v2 =	vmov v1  }
0x2b9: {  	v63 =	vld [tilespmem:s22+$0x17080];
	v41 =	vperm.xlane v7, v2  }
0x2ba: {  	v8 =	vadd.f32 $0.0e+00, v8;
	v12 =	vld [tilespmem:s22+$0x1AC70];
	v6 =	vadd.f32 v11, v6;
	v11 =	vmul.f32 v43, v48  }
0x2bb: {  	v43 =	vld [tilespmem:s22+$0x17090];
	v7 =	vadd.f32 v41, v7  }
0x2bc: {  	v48 =	vld [tilespmem:s22+$0x18490];
	v8 =	vadd.f32 v11, v8;
	v11 =	vperm.xlane v6, v4  }
0x2bd: {  	v1 =	vld [tilespmem:s22+$0x19880];
	v40 =	vperm.xlane v7, v3  }
0x2be: {  	v53 =	vmul.f32 v42, v53;
	v33 =	vadd.f32 v39, v33;
	v39 =	vpop (erf);
	v6 =	vadd.f32 v11, v6;
	v11 =	vld [tilespmem:s22+$0x170A0]  }
0x2bf: {  	v0 =	vadd.f32 v0, v8;
	v8 =	vld [tilespmem:s22+$0x198A0];
	v7 =	vadd.f32 v40, v7;
	v40 =	vmul.f32 v5, v39  }
0x2c0: {  	v33 =	vadd.f32 v53, v33;
	v5 =	vmul.f32 v58, v42;
	v42 =	vmul.f32 v44, v57;
	v57 =	vld [tilespmem:s22+$0x1ACA0]  }
0x2c1: {  	v43 =	vsub.f32 v48, v43;
	v48 =	vld [tilespmem:s22+$0x170D0];
	v0 =	vadd.f32 v59, v0;
	v41 =	vmul.f32 v6, v39  }
0x2c2: {  	v9 =	vsub.f32 v61, v9;
	v6 =	vld [tilespmem:s22+$0x170B0];
	v59 =	vmul.f32 v51, v46;
	v53 =	vperm.xlane v7, v23  }
0x2c3: {  	v46 =	vld [tilespmem:s22+$0x1ACB0];
	v58 =	vadd.f32 v42, v33;
	v0 =	vadd.f32 v5, v0;
	v5 =	vmul.f32 v45, v44  }
0x2c4: {  	v10 =	vmul.f32 v9, v10;
	v33 =	vmul.f32 v31, v40;
	v42 =	vld [tilespmem:s22+$0x184C0];
	v7 =	vadd.f32 v53, v7  }
0x2c5: {  	v44 =	vld [tilespmem:s22+$0x184B0];
	v39 =	vadd.f32 v59, v58;
	v0 =	vadd.f32 v5, v0;
	v5 =	vmul.f32 v32, v51  }
0x2c6: {  	v45 =	vld [tilespmem:s22+$0x198B0];
	v59 =	vmul.f32 v56, v60;
	v11 =	vsub.f32 v50, v11;
	v58 =	vperm.xlane v7, v4  }
0x2c7: {  	v53 =	vld [tilespmem:s22+$0x1ACC0];
	v32 =	vmul.f32 v41, v31;
	v0 =	vadd.f32 v5, v0;
	v5 =	vmul.f32 v60, v55  }
0x2c8: {  	v31 =	vmul.f32 v34, v40;
	v51 =	vld [tilespmem:s22+$0x170C0];
	v34 =	vmul.f32 v34, v41;
	v7 =	vadd.f32 v58, v7  }
0x2c9: {  	v50 =	vld [tilespmem:s22+$0x198D0];
	v60 =	vmul.f32 v9, v9;
	v5 =	vadd.f32 v5, v39;
	v39 =	vsub.f32 v47, v63  }
0x2ca: {  	v9 =	vmul.f32 v12, v9;
	v12 =	vld [tilespmem:s22+$0x1ACD0];
	v6 =	vsub.f32 v44, v6;
	v7 =	vmax.f32 v7, $9.999999970e-07  }
0x2cb: {  	v44 =	vld [tilespmem:s22+$0x170E0];
	(erf) = vrcp.f32 v7;
	v7 =	vadd.f32 $0.0e+00, v10;
	v1 =	vmul.f32 v39, v1  }
0x2cc: {  	s3 =	sor.u32 $0x6, s8;
	v47 =	vld [tilespmem:s22+$0x198C0];
	v0 =	vadd.f32 v59, v0;
	v63 =	vmul.f32 v43, v43;
	v61 =	vmul.f32 v39, v39  }
0x2cd: {  	s25 =	sshll.u32 s3, $0x7;
	v42 =	vsub.f32 v42, v51;
	v10 =	vld [tilespmem:s22+$0x184D0];
	v1 =	vadd.f32 v1, v7;
	v7 =	vmul.f32 v43, v52  }
0x2ce: {  	v9 =	vadd.f32 $0.0e+00, v9;
	v51 =	vld [tilespmem:s25+$0x18490];
	v39 =	vmul.f32 v62, v39;
	v55 =	vadd.f32 v61, v60  }
0x2cf: {  	v58 =	vmul.f32 v42, v42;
	v1 =	vadd.f32 v7, v1;
	v7 =	vmul.f32 v11, v8;
	v8 =	vld [tilespmem:s22+$0x184E0]  }
0x2d0: {  	v60 =	vmul.f32 v11, v11;
	v61 =	vmul.f32 v6, v6;
	v59 =	vadd.f32 v63, v55;
	v63 =	vld [tilespmem:s22+$0x198E0]  }
0x2d1: {  	v11 =	vmul.f32 v57, v11;
	v57 =	vmul.f32 v53, v42;
	v53 =	vld [tilespmem:s25+$0x184A0]  }
0x2d2: {  	v9 =	vadd.f32 v39, v9;
	v55 =	vperm.xlane v5, v2;
	v10 =	vsub.f32 v10, v48;
	v48 =	vld [tilespmem:s25+$0x17070]  }
0x2d3: {  	v52 =	vadd.f32 v60, v59;
	v1 =	vadd.f32 v7, v1;
	v7 =	vmul.f32 v6, v45;
	v45 =	vld [tilespmem:s22+$0x1ACE0]  }
0x2d4: {  	v59 =	vmul.f32 v49, v43;
	v43 =	vld [tilespmem:s25+$0x17080];
	v6 =	vmul.f32 v46, v6;
	v5 =	vadd.f32 v55, v5  }
0x2d5: {  	v49 =	vld [tilespmem:s25+$0x1AC80];
	v52 =	vadd.f32 v61, v52;
	v1 =	vadd.f32 v7, v1;
	v7 =	vmul.f32 v42, v47  }
0x2d6: {  	v46 =	vld [tilespmem:s25+$0x1AC90];
	v61 =	vmul.f32 v10, v10;
	v9 =	vadd.f32 v59, v9;
	v8 =	vsub.f32 v8, v44  }
0x2d7: {  	v55 =	vld [tilespmem:s25+$0x170B0];
	v60 =	vadd.f32 v58, v52;
	v1 =	vadd.f32 v7, v1;
	v7 =	vmul.f32 v10, v50  }
0x2d8: {  	v56 =	vperm.xlane v0, v2;
	v42 =	vld [tilespmem:s25+$0x17090];
	v59 =	vperm.xlane v5, v3;
	v9 =	vadd.f32 v11, v9  }
0x2d9: {  	v50 =	vld [tilespmem:s25+$0x18480];
	v62 =	vadd.f32 v61, v60;
	v1 =	vadd.f32 v7, v1;
	v7 =	vmul.f32 v8, v8  }
0x2da: {  	v0 =	vadd.f32 v56, v0;
	v47 =	vld [tilespmem:s25+$0x18470];
	v5 =	vadd.f32 v59, v5;
	v63 =	vmul.f32 v8, v63  }
0x2db: {  	v11 =	vld [tilespmem:s25+$0x19880];
	v6 =	vadd.f32 v6, v9;
	v60 =	vmul.f32 v12, v10;
	v7 =	vadd.f32 v7, v62  }
0x2dc: {  	v10 =	vld [tilespmem:s25+$0x19890];
	v61 =	vperm.xlane v0, v3;
	v8 =	vmul.f32 v45, v8;
	v1 =	vadd.f32 v63, v1  }
0x2dd: {  	v9 =	vld [tilespmem:s25+$0x170A0];
	v42 =	vsub.f32 v51, v42;
	v6 =	vadd.f32 v57, v6;
	v39 =	vperm.xlane v7, v2  }
0x2de: {  	v44 =	vld [tilespmem:s25+$0x1AC70];
	v0 =	vadd.f32 v61, v0;
	v43 =	vsub.f32 v50, v43;
	v58 =	vperm.xlane v1, v2  }
0x2df: {  	v52 =	vld [tilespmem:s25+$0x19870];
	v6 =	vadd.f32 v60, v6;
	v60 =	vperm.xlane v5, v23;
	v7 =	vadd.f32 v39, v7  }
0x2e0: {  	v59 =	vld [tilespmem:s25+$0x170C0];
	v61 =	vperm.xlane v0, v23;
	v11 =	vmul.f32 v43, v11;
	v1 =	vadd.f32 v58, v1  }
0x2e1: {  	v12 =	vld [tilespmem:s25+$0x1ACA0];
	v10 =	vmul.f32 v42, v10;
	v5 =	vadd.f32 v60, v5;
	v62 =	vperm.xlane v7, v3  }
0x2e2: {  	v45 =	vld [tilespmem:s25+$0x198B0];
	v9 =	vsub.f32 v53, v9;
	v6 =	vadd.f32 v8, v6;
	v63 =	vperm.xlane v1, v3  }
0x2e3: {  	s26 =	sor.u32 $0x7, s8;
	v51 =	vld [tilespmem:s25+$0x184D0];
	v0 =	vadd.f32 v61, v0;
	v61 =	vperm.xlane v5, v4;
	v7 =	vadd.f32 v62, v7  }
0x2e4: {  	s31 =	sshll.u32 s26, $0x7;
	v57 =	vld [tilespmem:s25+$0x1ACB0];
	v39 =	vmul.f32 v30, v40;
	v1 =	vadd.f32 v63, v1;
	v62 =	vperm.xlane v6, v2  }
0x2e5: {  	v53 =	vld [tilespmem:s31+$0x17070];
	v30 =	vmul.f32 v30, v41;
	v5 =	vadd.f32 v61, v5;
	v63 =	vperm.xlane v7, v23  }
0x2e6: {  	v8 =	vld [tilespmem:s25+$0x198A0];
	v60 =	vperm.xlane v1, v23;
	v6 =	vadd.f32 v62, v6;
	v62 =	vperm.xlane v0, v4  }
0x2e7: {  	v56 =	vpop (erf);
	v58 =	vld [tilespmem:s25+$0x184B0];
	v40 =	vmul.f32 v29, v40;
	v29 =	vmul.f32 v29, v41;
	v7 =	vadd.f32 v63, v7  }
0x2e8: {  	v5 =	vmul.f32 v5, v56;
	v1 =	vadd.f32 v60, v1;
	v0 =	vadd.f32 v62, v0;
	v62 =	vld [tilespmem:s25+$0x184C0]  }
0x2e9: {  	v41 =	vperm.xlane v6, v3;
	v63 =	vsub.f32 v47, v48;
	v47 =	vld [tilespmem:s25+$0x198C0];
	v60 =	vperm.xlane v7, v4  }
0x2ea: {  	v48 =	vld [tilespmem:s25+$0x1ACC0];
	v61 =	vperm.xlane v1, v4;
	v0 =	vmul.f32 v0, v56  }
0x2eb: {  	v6 =	vadd.f32 v41, v6;
	v52 =	vmul.f32 v63, v52;
	v56 =	vld [tilespmem:s25+$0x170D0];
	v44 =	vmul.f32 v44, v63  }
0x2ec: {  	v41 =	vmul.f32 v63, v63;
	v63 =	vmul.f32 v46, v42;
	v46 =	vld [tilespmem:s25+$0x1ACE0]  }
0x2ed: {  	v1 =	vadd.f32 v61, v1;
	v50 =	vperm.xlane v6, v23;
	v52 =	vadd.f32 $0.0e+00, v52;
	v61 =	vld [tilespmem:s25+$0x198D0]  }
0x2ee: {  	v7 =	vadd.f32 v60, v7;
	v60 =	vmul.f32 v43, v43;
	v43 =	vmul.f32 v49, v43;
	v49 =	vld [tilespmem:s25+$0x1ACD0]  }
0x2ef: {  	v8 =	vmul.f32 v9, v8;
	v44 =	vadd.f32 $0.0e+00, v44;
	v11 =	vadd.f32 v11, v52;
	v52 =	vld [tilespmem:s25+$0x170E0]  }
0x2f0: {  	v6 =	vadd.f32 v50, v6;
	v41 =	vadd.f32 v60, v41;
	v50 =	vmul.f32 v42, v42;
	v60 =	vld [tilespmem:s25+$0x184E0]  }
0x2f1: {  	v42 =	vsub.f32 v58, v55;
	v58 =	vmul.f32 v9, v9;
	v9 =	vmul.f32 v12, v9;
	v12 =	vld [tilespmem:s31+$0x18470]  }
0x2f2: {  	v43 =	vadd.f32 v43, v44;
	v7 =	vmax.f32 v7, $9.999999970e-07;
	v55 =	vld [tilespmem:s31+$0x19870]  }
0x2f3: {  	(erf) = vrcp.f32 v7;
	v7 =	vadd.f32 v50, v41;
	v50 =	vld [tilespmem:s25+$0x198E0];
	s25 =	sshll.u32 s21, $0x6  }
0x2f4: {  	[tilespmem:s18+$0x1D4A0] =	vst v25;
	v10 =	vadd.f32 v10, v11;
	v11 =	vadd.f32 v63, v43;
	v25 =	vld [tilespmem:s25+$0x1C070]  }
0x2f5: {  	[tilespmem:s19+$0x1D480] =	vst v34;
	v34 =	vld [tilespmem:s25+$0x1C080]  }
0x2f6: {  	v9 =	vadd.f32 v9, v11;
	v11 =	vmul.f32 v42, v45;
	v45 =	vmul.f32 v57, v42;
	v57 =	vld [tilespmem:s31+$0x1AC70]  }
0x2f7: {  	v44 =	vmul.f32 v37, v5;
	v7 =	vadd.f32 v58, v7;
	v58 =	vsub.f32 v62, v59;
	v59 =	vld [tilespmem:s31+$0x17080]  }
0x2f8: {  	v41 =	vmul.f32 v38, v5;
	v63 =	vmul.f32 v42, v42;
	v62 =	vld [tilespmem:s31+$0x18480]  }
0x2f9: {  	v43 =	vmul.f32 v36, v5;
	v8 =	vadd.f32 v8, v10;
	v52 =	vsub.f32 v60, v52;
	v60 =	vld [tilespmem:$0x1FF20]  }
0x2fa: {  	v42 =	vmul.f32 v37, v0;
	v37 =	vmul.f32 v36, v0;
	v10 =	vadd.f32 v63, v7;
	v7 =	vld [tilespmem:$0x1FEF0]  }
0x2fb: {  	v36 =	vmul.f32 v35, v5;
	v8 =	vadd.f32 v11, v8;
	v5 =	vmul.f32 v58, v58;
	v11 =	vld [tilespmem:s31+$0x19880]  }
0x2fc: {  	v63 =	vld [tilespmem:$0x1FF10]  }
0x2fd: {  	v5 =	vadd.f32 v5, v10;
	v10 =	vmul.f32 v58, v47;
	v47 =	vld [tilespmem:s31+$0x17090]  }
0x2fe: {  	v48 =	vmul.f32 v48, v58;
	v58 =	vld [tilespmem:$0x1FF30]  }
0x2ff: {  	[tilespmem:s14+$0x1CA70] =	vst v7;
	v7 =	vmul.f32 v35, v0;
	v35 =	vsub.f32 v51, v56;
	v56 =	vld [tilespmem:$0x1FF00]  }
0x300: {  	v38 =	vmul.f32 v0, v38;
	[tilespmem:s14+$0x1CA90] =	vst v60;
	v60 =	vld [tilespmem:$0x1FF40];
	v0 =	vadd.f32 v45, v9;
	v9 =	vperm.xlane v6, v4  }
0x301: {  	v45 =	vld [tilespmem:s31+$0x1AC80];
	v51 =	vpop (erf)  }
0x302: {  	[tilespmem:s14+$0x1CA80] =	vst v54;
	v6 =	vadd.f32 v9, v6;
	v9 =	vmul.f32 v1, v51;
	v1 =	vadd.f32 v10, v8;
	v10 =	vld [tilespmem:s31+$0x170A0]  }
0x303: {  	[tilespmem:s14+$0x1D480] =	vst v63;
	v54 =	vmul.f32 v35, v35;
	v0 =	vadd.f32 v48, v0;
	v48 =	vld [tilespmem:s31+$0x184B0]  }
0x304: {  	v63 =	vmul.f32 v52, v52;
	[tilespmem:s14+$0x1D470] =	vst v56;
	v56 =	vld [tilespmem:s31+$0x18490]  }
0x305: {  	v61 =	vmul.f32 v35, v61;
	v35 =	vmul.f32 v49, v35;
	v5 =	vadd.f32 v54, v5;
	v54 =	vld [tilespmem:s31+$0x184A0]  }
0x306: {  	[tilespmem:s19+$0x1CA70] =	vst v33;
	v8 =	vmul.f32 v6, v51;
	v6 =	vsub.f32 v12, v53;
	v12 =	vsub.f32 v62, v59;
	v62 =	vld [tilespmem:$0x1FF50]  }
0x307: {  	v46 =	vmul.f32 v46, v52;
	[tilespmem:s14+$0x1D490] =	vst v58;
	v58 =	vld [tilespmem:s31+$0x184D0];
	v0 =	vadd.f32 v35, v0  }
0x308: {  	[tilespmem:s5+$0x1CA90] =	vst v43;
	v51 =	vld [tilespmem:s31+$0x170B0];
	v33 =	vmul.f32 v25, v9;
	v43 =	vmul.f32 v34, v9;
	v5 =	vadd.f32 v63, v5  }
0x309: {  	[tilespmem:s14+$0x1CAA0] =	vst v60;
	v35 =	vld [tilespmem:s31+$0x184C0];
	v63 =	vmul.f32 v6, v6;
	v60 =	vmul.f32 v12, v12;
	v47 =	vsub.f32 v56, v47  }
0x30a: {  	v1 =	vadd.f32 v61, v1;
	v11 =	vmul.f32 v12, v11;
	v61 =	vperm.xlane v5, v2;
	v56 =	vld [tilespmem:s31+$0x170C0]  }
0x30b: {  	v53 =	vld [tilespmem:s31+$0x170D0];
	[tilespmem:s14+$0x1D4A0] =	vst v62;
	v62 =	vadd.f32 v60, v63;
	v10 =	vsub.f32 v54, v10;
	v63 =	vmul.f32 v47, v47  }
0x30c: {  	v49 =	vld [tilespmem:s31+$0x170E0];
	v12 =	vmul.f32 v45, v12;
	v54 =	vmul.f32 v52, v50;
	v5 =	vadd.f32 v61, v5  }
0x30d: {  	[tilespmem:s17+$0x1CA70] =	vst v16;
	v48 =	vsub.f32 v48, v51;
	v52 =	vld [tilespmem:s31+$0x19890];
	v60 =	vmul.f32 v10, v10;
	v59 =	vadd.f32 v63, v62  }
0x30e: {  	[tilespmem:s17+$0x1D470] =	vst v19;
	v0 =	vadd.f32 v46, v0;
	v1 =	vadd.f32 v54, v1;
	v61 =	vperm.xlane v5, v3;
	v63 =	vld [tilespmem:s31+$0x184E0]  }
0x30f: {  	[tilespmem:s17+$0x1CA80] =	vst v17;
	v45 =	vld [tilespmem:s31+$0x198B0];
	v54 =	vmul.f32 v48, v48;
	v19 =	vsub.f32 v35, v56;
	v51 =	vadd.f32 v60, v59  }
0x310: {  	[tilespmem:s17+$0x1D480] =	vst v18;
	v16 =	vsub.f32 v58, v53;
	v62 =	vmul.f32 v6, v55;
	v5 =	vadd.f32 v61, v5  }
0x311: {  	[tilespmem:s17+$0x1D490] =	vst v14;
	v6 =	vmul.f32 v57, v6;
	v58 =	vmul.f32 v19, v19;
	v14 =	vadd.f32 v54, v51  }
0x312: {  	[tilespmem:s17+$0x1CA90] =	vst v20;
	v18 =	vmul.f32 v47, v52;
	v56 =	vld [tilespmem:s31+$0x1AC90];
	v55 =	vadd.f32 $0.0e+00, v62;
	v59 =	vperm.xlane v5, v23  }
0x313: {  	[tilespmem:s18+$0x1CA70] =	vst v22;
	v60 =	vld [tilespmem:s31+$0x198A0];
	v62 =	vmul.f32 v16, v16;
	v22 =	vsub.f32 v63, v49;
	v14 =	vadd.f32 v58, v14  }
0x314: {  	[tilespmem:s17+$0x1CAA0] =	vst v13;
	v61 =	vld [tilespmem:s31+$0x1ACA0];
	v57 =	vmul.f32 v48, v45;
	v6 =	vadd.f32 $0.0e+00, v6;
	v11 =	vadd.f32 v11, v55  }
0x315: {  	[tilespmem:s17+$0x1D4A0] =	vst v15;
	v53 =	vld [tilespmem:s31+$0x198C0];
	v5 =	vadd.f32 v59, v5;
	v49 =	vmul.f32 v22, v22;
	v14 =	vadd.f32 v62, v14  }
0x316: {  	[tilespmem:s18+$0x1D470] =	vst v24;
	v6 =	vadd.f32 v12, v6;
	v51 =	vld [tilespmem:s31+$0x1ACB0];
	v59 =	vperm.xlane v0, v2;
	v11 =	vadd.f32 v18, v11  }
0x317: {  	[tilespmem:s18+$0x1D480] =	vst v21;
	v63 =	vld [tilespmem:$0x1FF60];
	v50 =	vmul.f32 v56, v47;
	v52 =	vperm.xlane v5, v4;
	v14 =	vadd.f32 v49, v14  }
0x318: {  	[tilespmem:s18+$0x1CA90] =	vst v27;
	v54 =	vld [tilespmem:s31+$0x1ACC0];
	v56 =	vperm.xlane v1, v2;
	v0 =	vadd.f32 v59, v0;
	v13 =	vmul.f32 v10, v60  }
0x319: {  	[tilespmem:s18+$0x1D490] =	vst v28;
	v58 =	vld [tilespmem:s31+$0x198D0];
	v10 =	vmul.f32 v61, v10;
	v6 =	vadd.f32 v50, v6;
	v55 =	vperm.xlane v14, v2  }
0x31a: {  	[tilespmem:s18+$0x1CAA0] =	vst v26;
	v60 =	vld [tilespmem:s31+$0x1ACD0];
	v61 =	vmul.f32 v19, v53;
	v5 =	vadd.f32 v52, v5;
	v11 =	vadd.f32 v13, v11  }
0x31b: {  	[tilespmem:s19+$0x1D470] =	vst v32;
	v62 =	vld [tilespmem:s31+$0x198E0];
	v15 =	vmul.f32 v51, v48;
	v6 =	vadd.f32 v10, v6;
	v13 =	vadd.f32 v55, v14  }
0x31c: {  	v1 =	vadd.f32 v56, v1;
	v27 =	vperm.xlane v0, v3;
	[tilespmem:s18+$0x1CA80] =	vst v63;
	v63 =	vld [tilespmem:s31+$0x1ACE0];
	v10 =	vadd.f32 v57, v11  }
0x31d: {  	[tilespmem:s19+$0x1CA80] =	vst v31;
	v12 =	vmul.f32 v54, v19;
	v6 =	vadd.f32 v15, v6;
	v24 =	vperm.xlane v13, v3  }
0x31e: {  	[tilespmem:s19+$0x1CA90] =	vst v39;
	v26 =	vperm.xlane v1, v3;
	v18 =	vmul.f32 v16, v58;
	v10 =	vadd.f32 v61, v10  }
0x31f: {  	[tilespmem:s19+$0x1D490] =	vst v30;
	v28 =	vmul.f32 v60, v16;
	v6 =	vadd.f32 v12, v6;
	v13 =	vadd.f32 v24, v13  }
0x320: {  	[tilespmem:s19+$0x1CAA0] =	vst v40;
	v5 =	vmax.f32 v5, $9.999999970e-07;
	v31 =	vmul.f32 v22, v62;
	v10 =	vadd.f32 v18, v10  }
0x321: {  	[tilespmem:s19+$0x1D4A0] =	vst v29;
	v32 =	vmul.f32 v63, v22;
	v6 =	vadd.f32 v28, v6;
	v30 =	vperm.xlane v13, v23  }
0x322: {  	[tilespmem:s5+$0x1CA80] =	vst v44;
	v0 =	vadd.f32 v27, v0;
	(erf) = vrcp.f32 v5;
	v10 =	vadd.f32 v31, v10  }
0x323: {  	[tilespmem:s5+$0x1CA70] =	vst v41;
	v5 =	vld [tilespmem:s25+$0x1C090];
	v11 =	vmul.f32 v8, v25;
	v6 =	vadd.f32 v32, v6;
	v13 =	vadd.f32 v30, v13  }
0x324: {  	[tilespmem:s5+$0x1D470] =	vst v38;
	v1 =	vadd.f32 v26, v1;
	v38 =	vperm.xlane v0, v23;
	v40 =	vperm.xlane v10, v2  }
0x325: {  	[tilespmem:s5+$0x1D480] =	vst v42;
	v42 =	vperm.xlane v6, v2;
	v39 =	vperm.xlane v13, v4  }
0x326: {  	[tilespmem:s5+$0x1D490] =	vst v37;
	v35 =	vperm.xlane v1, v23;
	v0 =	vadd.f32 v38, v0;
	v10 =	vadd.f32 v40, v10  }
0x327: {  	v41 =	vld [tilespmem:s25+$0x1C0A0];
	[tilespmem:s5+$0x1CAA0] =	vst v36;
	v14 =	vmul.f32 v34, v8;
	v6 =	vadd.f32 v42, v6;
	v13 =	vadd.f32 v39, v13  }
0x328: {  	[tilespmem:s5+$0x1D4A0] =	vst v7;
	v1 =	vadd.f32 v35, v1;
	v7 =	vmul.f32 v5, v9;
	v46 =	vperm.xlane v10, v3  }
0x329: {  	s3 =	sshll.u32 s3, $0x6;
	[tilespmem:s25+$0x1CA70] =	vst v33;
	v45 =	vperm.xlane v0, v4;
	v48 =	vperm.xlane v6, v3;
	v13 =	vmax.f32 v13, $9.999999970e-07  }
0x32a: {  	[tilespmem:s25+$0x1CA80] =	vst v43;
	v47 =	vld [tilespmem:s3+$0x1C070];
	v5 =	vmul.f32 v5, v8;
	v10 =	vadd.f32 v46, v10;
	(erf) = vrcp.f32 v13  }
0x32b: {  	v50 =	vld [tilespmem:s3+$0x1C080];
	[tilespmem:s25+$0x1D470] =	vst v11;
	v44 =	vperm.xlane v1, v4;
	v0 =	vadd.f32 v45, v0;
	v6 =	vadd.f32 v48, v6  }
0x32c: {  	v9 =	vmul.f32 v41, v9;
	[tilespmem:s25+$0x1CA90] =	vst v7;
	v49 =	vpop (erf);
	v7 =	vperm.xlane v10, v23  }
0x32d: {  	[tilespmem:s25+$0x1D480] =	vst v14;
	v1 =	vadd.f32 v44, v1;
	v0 =	vmul.f32 v0, v49;
	v51 =	vperm.xlane v6, v23  }
0x32e: {  	v8 =	vmul.f32 v41, v8;
	[tilespmem:s25+$0x1D490] =	vst v5;
	v5 =	vld [tilespmem:s3+$0x1C090];
	v7 =	vadd.f32 v7, v10  }
0x32f: {  	v54 =	vld [tilespmem:s3+$0x1C0A0];
	[tilespmem:s25+$0x1CAA0] =	vst v9;
	v1 =	vmul.f32 v1, v49;
	v53 =	vmul.f32 v0, v47;
	v6 =	vadd.f32 v51, v6  }
0x330: {  	s26 =	sshll.u32 s26, $0x6;
	[tilespmem:s25+$0x1D4A0] =	vst v8;
	v57 =	vmul.f32 v50, v0;
	v56 =	vperm.xlane v7, v4  }
0x331: {  	v59 =	vld [tilespmem:s26+$0x1C070];
	v52 =	vmul.f32 v47, v1;
	[tilespmem:s3+$0x1D470] =	vst v53;
	v58 =	vperm.xlane v6, v4  }
0x332: {  	v55 =	vmul.f32 v50, v1;
	[tilespmem:s3+$0x1D480] =	vst v57;
	v7 =	vadd.f32 v56, v7  }
0x333: {  	v62 =	vld [tilespmem:s26+$0x1C080];
	v60 =	vmul.f32 v5, v1;
	v5 =	vmul.f32 v5, v0;
	[tilespmem:s3+$0x1CA70] =	vst v52;
	v6 =	vadd.f32 v58, v6;
	v61 =	vpop (erf)  }
0x334: {  	v1 =	vmul.f32 v54, v1;
	[tilespmem:s3+$0x1CA80] =	vst v55;
	v7 =	vmul.f32 v7, v61  }
0x335: {  	v0 =	vmul.f32 v54, v0;
	[tilespmem:s3+$0x1D490] =	vst v5;
	v5 =	vmul.f32 v6, v61;
	v6 =	vld [tilespmem:s26+$0x1C090]  }
0x336: {  	[tilespmem:s3+$0x1CAA0] =	vst v1;
	v1 =	vmul.f32 v59, v7  }
0x337: {  	v63 =	vld [tilespmem:s26+$0x1C0A0];
	[tilespmem:s3+$0x1D4A0] =	vst v0;
	v0 =	vmul.f32 v5, v59  }
0x338: {  	[tilespmem:s26+$0x1CA70] =	vst v1;
	v1 =	vmul.f32 v62, v7  }
0x339: {  	[tilespmem:s26+$0x1D470] =	vst v0;
	v0 =	vmul.f32 v62, v5  }
0x33a: {  	[tilespmem:s26+$0x1CA80] =	vst v1;
	v1 =	vmul.f32 v6, v7  }
0x33b: {  	p0 =	slt.u32 s8, $0x20;
	[tilespmem:s26+$0x1D480] =	vst v0  }
.Ltmp2:
0x33c: {  	v0 =	vmul.f32 v6, v5;
	[tilespmem:s26+$0x1CA90] =	vst v1;
	v1 =	vmul.f32 v63, v7;
	(pc) =	sbr.rel @p0 .LBB2_7-.Ltmp2, $4  }
0x33d: {  	[tilespmem:s3+$0x1CA90] =	vst v60  }
0x33e: {  	[tilespmem:s26+$0x1D490] =	vst v0;
	v0 =	vmul.f32 v63, v5  }
0x33f: {  	s31 =	sadd.s32 $0x8, s8;
	[tilespmem:s26+$0x1CAA0] =	vst v1  }
0x340: {  	s8 =	smov.u32 s31;
	[tilespmem:s26+$0x1D4A0] =	vst v0;
	v1 =	vmov v2;
	v2 =	vmov v3;
	v3 =	vmov v23  }
0x341: {  	s20 =	sadd.s32 $0x1, s20  }
0x342: {  	p0 =	sne.s32 s20, $0x7D  }
.Ltmp3:
0x343: {  	_ = 	snop;
	(pc) =	sbr.rel @p0 .LBB2_4-.Ltmp3, $4  }
0x344: {  	_ = 	snop  }
0x345: {  	[spmem:s4] =	stream.indirect.scatter.add.f32 [tilespmem:s13], [sflag:$0x4], $0x40, s12, s23, $0xb8;
	[tilespmem:$0x1DEC0] =	vst v63  }
0x346: {  	_ = 	snop  }
0x347: {  	[spmem:s4] =	stream.indirect.scatter.add.f32 [tilespmem:s16], [sflag:$0x4], $0x40, s15, s23, $0xb8;
	[tilespmem:$0x1DEC0] =	vst v63  }
0x348: {  	s3 =	simm.s32 $0x2  }
0x349: {  	_ =	swait.ge [sflag:s3], $0xA00  }
0x34a: {  	[sflag:s3] =	ssyncset.done $0x0  }
0x34b: {  	[sflag:s3] =	ssyncadd.s32 $0xFFFFF600  }
0x34c: {  	_ =	swait.ge [sflag:s3], $0xA00  }
0x34d: {  	[sflag:s3] =	ssyncset.done $0x0  }
0x34e: {  	s22 =	simm.s32 $0x4;
	[sflag:s3] =	ssyncadd.s32 $0xFFFFF600  }
0x34f: {  	_ =	swait.ge [sflag:s22], $0xA00  }
0x350: {  	[sflag:s22] =	ssyncset.done $0x0  }
0x351: {  	[sflag:s22] =	ssyncadd.s32 $0xFFFFF600  }
0x352: {  	_ =	swait.ge [sflag:s22], $0xA00  }
0x353: {  	[sflag:s22] =	ssyncset.done $0x0  }
0x354: {  	[sflag:s22] =	ssyncadd.s32 $0xFFFFF600  }
0x355: {  	s25 =	stileid.u32;
	[bflag:$0x0] =	sbarrier.arrive $0xFFFF  }
0x356: {  	s3 =	sshll.u32 s25, $0x6;
	s14 =	rddreg [dreg:$0x6]  }
0x357: {  	s3 =	sor.u32 $0x1C05, s3;
	s8 =	rddreg [dreg:$0x11];
	s5 =	sshrl.u32 s14, $0x3  }
0x358: {  	[hbm:s8], [sflag:s3] =	dma.local [spmem:s5], $0x1400  }
0x359: {  	_ =	swait.ge [sflag:s24], $0x1400  }
0x35a: {  	s26 =	rddreg [dreg:$0x13]  }
0x35b: {  	s31 =	rddreg [dreg:$0x12];
	s5 =	sadd.s32 $0x1, s26  }
0x35c: {  	p0 =	sne.s32 s5, s31  }
.Ltmp4:
0x35d: {  	_ = 	snop;
	(pc) =	sbr.rel @p0 .LBB2_1-.Ltmp4, $3  }
0x35e: {  	_ =	sdelay $0x1  }
0x35f: {  	[sflag:s24] =	ssyncset.done $0x0  }
0x360: {  	v0 =	vimm.f32 $0.0e+00;
	[sflag:s24] =	ssyncadd.s32 $0xFFFFEC00  }
0x361: {  	_ =	sfence.sel $0x180000  }
0x362: {  	[bflag:$0x0] =	sbarrier.arrive $0xFFFF  }
0x363: {  	_ =	strace $0x9000004A  }
0x364: {  	s0 =	stileid.u32;
	[bflag:$0x2] =	sbarrier.arrive $0xFFFF  }
0x365: {  	p0 =	sne.s32 s0, $0x0;
	s0 =	rddreg [dreg:$0x5]  }
0x366: {  	s0 =	sadd.s32 @!p0 $0x100000, s0  }
0x367: {  	[sflag:s0] =	ssyncadd.tile.s32 @!p0 $0x1;
	_ =	shalt  }
.Lfunc_end2:
_tile_overlayer_lowered:
.L_overlay_start_2:
0x368: {  	(tag) =	ssettag $0x2  }
0x369: {  	s0 =	rddreg [dreg:$0x0];
	s2 =	stileid.u32  }
0x36a: {  	s1 =	rddreg [dreg:$0x1];
	p0 =	sne.s32 s2, $0x0  }
0x36b: {  	s3 =	rddreg [dreg:$0x2];
	[bflag:$0x3] =	sbarrier.arrive $0xFFFF;
	s2 =	simm.s32 @!p0 $0x1C05  }
0x36c: {  	[timem:s3], [sflag:s2] =	dma.local @!p0 [hbm:s0], s1  }
0x36d: {  	s0 =	simm.s32 @!p0 $0x5  }
0x36e: {  	_ =	swait.ge @!p0 [sflag:s0], s1  }
0x36f: {  	s1 =	ssub.s32 @!p0 $0x0, s1;
	[sflag:s0] =	ssyncset.done @!p0 $0x0  }
0x370: {  	[sflag:s0] =	ssyncadd.s32 @!p0 s1  }
0x371: {  	[bflag:$0x3] =	sbarrier.arrive $0xFFFF  }
0x372: {  	_ =	shalt  }

// kernel: sparse-core-data-format-call.cloned.1.call-start
scs
called_computation_lowered:
.L_overlay_start_0:
0x0: {  	s2 =	sld [smem:$0x3FD9]  }
0x1: {  	s3 =	sld [smem:$0x3FFE];
	_ =	sdelay $0x1  }
0x2: {  	s1 =	srdreg.scid  }
0x3: {  	s0 =	sand.u32 $0x1, s1  }
0x4: {  	s18 =	sshll.u32 s0, $0xA;
	s2 =	sadd.s32 s3, s2  }
0x5: {  	s2 =	sadd.s32 s2, s18  }
0x6: {  	[smem:$0x3FC4] =	sst s2  }
0x7: {  	_ = 	snop  }
0x8: {  	s2 =	sld [smem:$0x3FC6];
	(tm) =	ssettm $0x1  }
0x9: {  	s19 =	sld [smem:$0x3FFB];
	_ =	sdelay $0x3  }
0xa: {  	_ =	strace s19  }
0xb: {  	s3 =	sld [smem:$0x3FFC];
	_ =	sdelay $0x3  }
0xc: {  	_ =	strace s3  }
0xd: {  	s3 =	sld [smem:$0x3FFD];
	_ =	sdelay $0x3  }
0xe: {  	_ =	strace s3  }
0xf: {  	_ =	strace $0x8FFFFFFF  }
0x10: {  	s20 =	sld [smem:$0x3FDB];
	_ =	sdelay $0x1  }
0x11: {  	s4 =	simm.s32 $_scs_section_size  }
0x12: {  	s5 =	simm.s32 $_size__tile_overlayer_lowered;
	s6 =	simm.s32 $_tile_overlayer_lowered  }
0x13: {  	s23 =	simm.s32 $0x1BFF;
	s22 =	sshll.u32 s6, $0x1;
	s3 =	sadd.s32 s4, s20  }
0x14: {  	s7 =	simm.s32 $0x0;
	s21 =	sshll.u32 s5, $0x1;
	s5 =	sadd.s32 s22, s3  }
0x15: {  	[timem:s7], [sflag:s23] =	dma.local [hbm:s5], s21  }
0x16: {  	_ =	swait.ge [sflag:s23], s21  }
0x17: {  	s4 =	ssub.s32 $0x0, s21;
	[sflag:s23] =	ssyncset.done $0x0  }
0x18: {  	[sflag:s23] =	ssyncadd.s32 s4;
	_ =	sdelay $0x1  }
0x19: {  	s24 =	simm.s32 $0x1B8B  }
0x1a: {  	_ =	swait.ge [sflag:s24], $0x1  }
0x1b: {  	[sflag:s24] =	ssyncset.done $0x0  }
0x1c: {  	s26 =	simm.s32 $0x1B8E;
	s25 =	sld [smem:$0x3FFE];
	[sflag:s24] =	ssyncadd.s32 $0xFFFFFFFF  }
0x1d: {  	s27 =	simm.s32 $execute0_lowered;
	[smem:$0x3FD2] =	sst s26  }
0x1e: {  	s5 =	sshll.u32 s27, $0x1;
	_ =	strace $0x80000046;
	[dreg:$0x1] =	wrdreg $0xFFFFFFFF  }
0x1f: {  	s28 =	simm.s32 $_size_execute0_lowered;
	s3 =	sadd.s32 s3, s5;
	[dreg:$0x0] =	wrdreg $0x0  }
0x20: {  	s5 =	sshll.u32 s28, $0x1;
	[dreg:$0x2] =	wrdreg s3  }
0x21: {  	[dreg:$0x3] =	wrdreg s5  }
0x22: {  	[dreg:$0x4] =	wrdreg $0xC0  }
0x23: {  	_ =	task [dreg:s7], $0x5FFFF  }
0x24: {  	[dreg:$0x1] =	wrdreg $0xFFFFFFFF  }
0x25: {  	[dreg:$0x0] =	wrdreg $0x60  }
0x26: {  	[dreg:$0x2] =	wrdreg s2  }
0x27: {  	[dreg:$0x3] =	wrdreg s25  }
0x28: {  	[dreg:$0x4] =	wrdreg $0x9  }
0x29: {  	_ =	task.clear_ibuf [dreg:s7], $0x5FFFF;
	_ =	strace $0x90000046  }
0x2a: {  	s29 =	simm.s32 $0x9;
	_ =	strace $0x80000048  }
0x2b: {  	_ =	swait.ge [sflag:s29], $0x1  }
0x2c: {  	[sflag:s29] =	ssyncadd.s32 $0xFFFFFFFF  }
0x2d: {  	_ =	strace $0x90000048  }
0x2e: {  	_ =	sfence  }
0x2f: {  	s30 =	sld [smem:$0x0];
	_ =	sdelay $0x2  }
0x30: {  	s31 =	sshll.u32 s1, $0xD;
	s1 =	sshrl.u32 s1, $0x2  }
0x31: {  	s3 =	sand.u32 $0x4000, s31;
	s1 =	sadd.s32 s1, s30  }
0x32: {  	s0 =	sor.u32 s3, s0;
	s1 =	sshll.u32 s1, $0x11  }
0x33: {  	s0 =	sor.u32 s1, s0  }
0x34: {  	s0 =	sadd.s32 $0x8F2B, s0  }
0x35: {  	[sflag:s0] =	ssyncadd.remote.s32 $0x1  }
0x36: {  	_ =	sfence.sel $0xFFFF  }
0x37: {  	[dreg:$0x0] =	wrdreg $0xFFFFFFFF;
	(pc) =	sbr.abs _section_cstart, $3  }
0x38: {  	[dreg:$0x1] =	wrdreg $0xFFFFFFFF  }
0x39: {  	_ =	task.clear_ibuf [dreg:s7], $0x2FFFF;
	_ =	strace $0x9FFFFFFF  }
0x3a: {  	(tm) =	ssettm $0x7FFFFFFF  }
0x3b: {  	_ =	shalt  }
tec
execute0_lowered:
.L_overlay_start_1:
0x0: {  	(tag) =	ssettag $0x1  }
0x1: {  	s0 =	srdreg.scid;
	s2 =	rddreg [dreg:$0x0]  }
0x2: {  	s6 =	rddreg [dreg:$0x1];
	s1 =	sshll.u32 s0, $0x4  }
0x3: {  	s7 =	simm.s32 $0x1;
	s0 =	stileid.u32;
	s1 =	sand.u32 $0x10, s1  }
0x4: {  	s8 =	simm.s32 $0x2;
	s13 =	simm.s32 $0x0;
	s1 =	sor.u32 s0, s1  }
0x5: {  	s12 =	simm.s32 $0x0;
	s10 =	simm.s32 $0x0;
	s3 =	sshll.u32 s1, $0x8  }
0x6: {  	s11 =	simm.s32 $0x0;
	s6 =	sadd.s32 $0x800, s6;
	s5 =	ssub.s32 $0x4E200, s3  }
.Ltmp0:
0x7: {  	s1 =	rddreg [dreg:$0x2];
	s4 =	sand.u32 $0x1F00, s5;
	(pc) =	sbr.rel .LBB1_1-.Ltmp0, $4  }
0x8: {  	_ =	strace $0x80000047;
	s9 =	smov.u32 s3;
	p0 =	sne.s32 s4, $0x0  }
0x9: {  	s5 =	sshrl.u32 s5, $0xD;
	s4 =	simm.s32 $0x1;
	s7 =	simm.s32 @!p0 $0x0  }
0xa: {  	[sflag:s4] =	ssyncpa.u1 $0x0;
	p0 =	por $0x0, $0x0;
	s5 =	sadd.s32 s7, s5  }
0xb: {  	[sflag:s8] =	ssyncpa.u1 $0x0;
	s8 =	simm.s32 $0x80;
	s7 =	sadd.s32 $0x1, s5  }
.LBB1_4:
0xc: {  	_ =	sdelay $0x3  }
0xd: {  	s21 =	sor.u32 s24, s23;
	v47 =	vld.idx.msk [tilespmem:v0+s16+$0x470 ss:$0x1], $0xffff  }
0xe: {  	v57 =	vld.idx.msk [tilespmem:v0+s21+$0x410 ss:$0x1], $0xffff  }
0xf: {  	v58 =	vld.idx.msk [tilespmem:v0+s21+$0x420 ss:$0x1], $0xffff  }
0x10: {  	[tilespmem:s18+$0x1860 ss:$0x41] =	vst.msk $0xffff, v8;
	v59 =	vld.idx.msk [tilespmem:v0+s21+$0x430 ss:$0x1], $0xffff  }
0x11: {  	[tilespmem:s18+$0x1C70 ss:$0x41] =	vst.msk $0xffff, v7;
	v60 =	vld.idx.msk [tilespmem:v0+s21+$0x440 ss:$0x1], $0xffff  }
0x12: {  	[tilespmem:s18+$0x2490 ss:$0x41] =	vst.msk $0xffff, v1;
	s22 =	sand.u32 $0x3B00, s21;
	v61 =	vld.idx.msk [tilespmem:v0+s21+$0x450 ss:$0x1], $0xffff  }
0x13: {  	s20 =	sand.u32 $0x80, s20;
	[tilespmem:s18+$0x28A0 ss:$0x41] =	vst.msk $0xffff, v2;
	v62 =	vld.idx.msk [tilespmem:v0+s21+$0x460 ss:$0x1], $0xffff;
	s15 =	sadd.s32 s22, s15  }
0x14: {  	[tilespmem:s18+$0x2CB0 ss:$0x41] =	vst.msk $0xffff, v3;
	v63 =	vld.idx.msk [tilespmem:v0+s21+$0x470 ss:$0x1], $0xffff;
	s15 =	sadd.s32 s20, s15  }
0x15: {  	[tilespmem:s18+$0x30C0 ss:$0x41] =	vst.msk $0xffff, v4;
	v48 =	vld [tilespmem:s15+$0x400]  }
0x16: {  	[tilespmem:s18+$0x34D0 ss:$0x41] =	vst.msk $0xffff, v5;
	v49 =	vld [tilespmem:s15+$0x0]  }
0x17: {  	s25 =	sshra.s32 s19, $0x2;
	[tilespmem:s18+$0x38E0 ss:$0x41] =	vst.msk $0xffff, v6;
	v50 =	vld [tilespmem:s15+$0x10]  }
0x18: {  	s16 =	sadd.s32 s25, s17;
	v51 =	vld [tilespmem:s15+$0x20];
	[tilespmem:s18+$0x3CF0 ss:$0x41] =	vst.msk $0xffff, v47  }
0x19: {  	v52 =	vld [tilespmem:s15+$0x30];
	[tilespmem:s16+$0x2490 ss:$0x41] =	vst.msk $0xffff, v57  }
0x1a: {  	v53 =	vld [tilespmem:s15+$0x40];
	[tilespmem:s16+$0x28A0 ss:$0x41] =	vst.msk $0xffff, v58  }
0x1b: {  	v54 =	vld [tilespmem:s15+$0x50];
	[tilespmem:s16+$0x2CB0 ss:$0x41] =	vst.msk $0xffff, v59  }
0x1c: {  	s13 =	sshll.u32 s13, $0x7;
	s26 =	sshll.u32 s12, $0x3;
	v55 =	vld [tilespmem:s15+$0x60];
	[tilespmem:s16+$0x30C0 ss:$0x41] =	vst.msk $0xffff, v60  }
0x1d: {  	s27 =	sand.u32 $0xFFFFFC00, s13;
	v56 =	vld [tilespmem:s15+$0x70];
	s15 =	sand.u32 $0xFFFFFC00, s26;
	[tilespmem:s16+$0x34D0 ss:$0x41] =	vst.msk $0xffff, v61  }
0x1e: {  	s13 =	sand.u32 $0x380, s13;
	s15 =	sadd.s32 s15, s27;
	[tilespmem:s16+$0x38E0 ss:$0x41] =	vst.msk $0xffff, v62  }
0x1f: {  	s13 =	sor.u32 s13, s15;
	[tilespmem:s16+$0x3CF0 ss:$0x41] =	vst.msk $0xffff, v63  }
0x20: {  	s13 =	sshrl.u32 s13, $0x7;
	[tilespmem:s16+$0x2080 ss:$0x41] =	vst.msk $0xffff, v48  }
0x21: {  	s28 =	smulhi.u32 $0x1A36E2F, s13;
	[tilespmem:s16+$0x0 ss:$0x41] =	vst.msk $0xffff, v49  }
0x22: {  	[tilespmem:s16+$0x410 ss:$0x41] =	vst.msk $0xffff, v50  }
0x23: {  	[tilespmem:s16+$0x820 ss:$0x41] =	vst.msk $0xffff, v51;
	s15 =	sshrl.u32 s28, $0xB  }
0x24: {  	[tilespmem:s16+$0xC30 ss:$0x41] =	vst.msk $0xffff, v52;
	s15 =	smul.u32 $0x4E200, s15  }
0x25: {  	s29 =	sshrl.u32 s12, $0x3;
	[tilespmem:s16+$0x1040 ss:$0x41] =	vst.msk $0xffff, v53  }
0x26: {  	s31 =	sand.u32 $0x7, s12;
	s30 =	sand.u32 $0xF, s29;
	[tilespmem:s16+$0x1450 ss:$0x41] =	vst.msk $0xffff, v54;
	s13 =	ssub.s32 s13, s15  }
0x27: {  	s12 =	sshll.u32 s31, $0x12;
	[tilespmem:s16+$0x1860 ss:$0x41] =	vst.msk $0xffff, v55;
	s15 =	sadd.s32 s6, s30;
	s13 =	sshll.u32 s13, $0x4  }
0x28: {  	s12 =	sor.u32 $0x40, s12;
	[tilespmem:s16+$0x1C70 ss:$0x41] =	vst.msk $0xffff, v56;
	s13 =	sadd.s32 s13, s15  }
0x29: {  	[hbm4b:s13+s12] =	stream.strided.scatter [tilespmem:s14], [sflag:$0x2], $0x4000, s8, s12, $0x18;
	[tilespmem:$0x10200] =	vst v63  }
.LBB1_5:
0x2a: {  	s14 =	sadd.s32 $0x2000, s9  }
0x2b: {  	s12 =	sadd.s32 $0x40, s10;
	s16 =	smov.u32 s10;
	p2 =	sgt.s32 s14, $0x4E1FF  }
0x2c: {  	s16 =	smov.u32 @p2 s12  }
0x2d: {  	s14 =	smov.u32 @p2 s3;
	p2 =	sgt.s32 s16, $0x3F  }
0x2e: {  	s16 =	simm.s32 @p2 $0x0;
	p2 =	sne.s32 s11, s7  }
.Ltmp1:
0x2f: {  	p1 =	slt.u32 s11, $0x2;
	(pc) =	sbr.rel @!p2 .LBB1_6-.Ltmp1, $4  }
0x30: {  	s15 =	simm.s32 @!p1 $0x2  }
0x31: {  	s13 =	smov.u32 s9;
	p0 =	por !p0, !p0;
	_ =	swait.ge @!p1 [sflag:s15], $0x4000  }
0x32: {  	s12 =	smov.u32 s10;
	[sflag:s15] =	ssyncset.done @!p1 $0x0;
	s9 =	smov.u32 s14  }
0x33: {  	s11 =	sadd.s32 $0x1, s11;
	[sflag:s15] =	ssyncadd.s32 @!p1 $0xFFFFC000;
	s10 =	smov.u32 s16  }
.LBB1_1:
0x34: {  	p1 =	sge.u32 s11, s5  }
0x35: {  	s14 =	sshrl.u32 @!p1 s10, $0x3  }
0x36: {  	s15 =	sshll.u32 @!p1 s9, $0x3;
	s14 =	smul.u32 @!p1 $0x271000, s14  }
0x37: {  	s16 =	sshll.u32 @!p1 s10, $0x7;
	s15 =	sand.u32 @!p1 $0xFFFFFC00, s15  }
0x38: {  	s14 =	sadd.s32 @!p1 s14, s15;
	s15 =	sand.u32 @!p1 $0x380, s16  }
0x39: {  	s16 =	sand.u32 @!p1 $0x7F, s9;
	s14 =	sor.u32 @!p1 s15, s14  }
0x3a: {  	s15 =	sor.u32 @!p1 s16, s14  }
0x3b: {  	s16 =	smulhi.u32 @!p1 $0xD1B71759, s15;
	_ =	sdelay $0x1  }
0x3c: {  	s14 =	smulhi.u32 @!p1 $0xD1B71759, s14;
	s16 =	sshrl.u32 @!p1 s16, $0x12  }
0x3d: {  	s16 =	smul.u32 @!p1 $0x4E200, s16  }
0x3e: {  	s31 =	sadd.s32 $0xFFFFFFFF, s11;
	s17 =	sxor.u32 @!p1 $0xFFFFFFFF, s11;
	s14 =	sshrl.u32 @!p1 s14, $0x12  }
0x3f: {  	s17 =	sshll.u32 @!p1 s17, $0xE;
	s14 =	sand.u32 @!p1 $0x3F, s14;
	s15 =	ssub.s32 @!p1 s15, s16  }
0x40: {  	s14 =	smul.u32 @!p1 $0x9C40, s14;
	s16 =	sshrl.u32 @!p1 s15, $0x3;
	s15 =	sand.u32 @!p1 $0x7, s15  }
0x41: {  	s17 =	sand.u32 @!p1 $0x4000, s17;
	s16 =	sadd.s32 @!p1 s2, s16;
	s15 =	sshll.u32 @!p1 s15, $0x12  }
0x42: {  	s14 =	sadd.s32 @!p1 s14, s16;
	s15 =	sor.u32 @!p1 $0x800, s15;
	s16 =	simm.s32 @!p1 $0x271000  }
0x43: {  	[tilespmem:s17], [sflag:$0x1] =	stream.strided.gather @!p1 [hbm4b:s14+s15], $0x4000, s16, s15, $0x38;
	[tilespmem:$0x10200] =	vst v63  }
0x44: {  	p1 =	sge.u32 s31, s5  }
.Ltmp2:
0x45: {  	_ = 	snop;
	(pc) =	sbr.rel @p1 .LBB1_5-.Ltmp2, $1  }
0x46: {  	_ =	sdelay $0x3  }
0x47: {  	s17 =	simm.s32 $0x0  }
0x48: {  	s16 =	sand.u32 $0x3800, s17;
	s18 =	sand.u32 $0x380, s17  }
0x49: {  	s14 =	sand.u32 $0x1, s11;
	s16 =	sor.u32 s18, s16  }
0x4a: {  	_ =	swait.ge [sflag:s4], $0x4000;
	s15 =	sshll.u32 s14, $0xE;
	s18 =	sand.u32 $0x3B00, s16  }
0x4b: {  	[sflag:s4] =	ssyncset.done $0x0;
	s17 =	sand.u32 $0x80, s17;
	s18 =	sadd.s32 s18, s15  }
0x4c: {  	[sflag:s4] =	ssyncadd.s32 $0xFFFFC000;
	s20 =	sadd.s32 s17, s18  }
0x4d: {  	v4 =	vld [tilespmem:s20+$0x400]  }
0x4e: {  	s19 =	simm.s32 $0x1;
	v5 =	vld [tilespmem:s20+$0x0]  }
0x4f: {  	s19 =	simm.s32 @!p0 $0x0;
	v6 =	vld [tilespmem:s20+$0x10]  }
0x50: {  	v0 =	vmov s15;
	s31 =	smul.u32 $0x10400, s19;
	v7 =	vld [tilespmem:s20+$0x20]  }
0x51: {  	v9 =	vld [tilespmem:s20+$0x30]  }
0x52: {  	s17 =	sshrl.u32 s31, $0x2;
	v10 =	vld [tilespmem:s20+$0x40]  }
0x53: {  	s17 =	sor.u32 $0x8000, s17;
	v11 =	vld [tilespmem:s20+$0x50]  }
0x54: {  	v8 =	vld [tilespmem:s20+$0x60];
	s18 =	sadd.s32 $0x0, s17  }
0x55: {  	v1 =	vld.idx.msk [tilespmem:v0+s16+$0x410 ss:$0x1], $0xffff;
	[tilespmem:s18+$0x2080 ss:$0x41] =	vst.msk $0xffff, v4  }
0x56: {  	v2 =	vld.idx.msk [tilespmem:v0+s16+$0x420 ss:$0x1], $0xffff;
	[tilespmem:s18+$0x0 ss:$0x41] =	vst.msk $0xffff, v5  }
0x57: {  	v3 =	vld.idx.msk [tilespmem:v0+s16+$0x430 ss:$0x1], $0xffff;
	[tilespmem:s18+$0x410 ss:$0x41] =	vst.msk $0xffff, v6  }
0x58: {  	s14 =	smul.u32 $0x10400, s14;
	[tilespmem:s18+$0x820 ss:$0x41] =	vst.msk $0xffff, v7;
	v7 =	vld [tilespmem:s20+$0x70]  }
0x59: {  	s21 =	simm.s32 $0x100;
	s22 =	simm.s32 $0x8;
	[tilespmem:s18+$0xC30 ss:$0x41] =	vst.msk $0xffff, v9;
	v4 =	vld.idx.msk [tilespmem:v0+s16+$0x440 ss:$0x1], $0xffff  }
0x5a: {  	s23 =	sand.u32 $0x3800, s21;
	s14 =	sshrl.u32 s14, $0x2;
	[tilespmem:s18+$0x1040 ss:$0x41] =	vst.msk $0xffff, v10;
	v5 =	vld.idx.msk [tilespmem:v0+s16+$0x450 ss:$0x1], $0xffff;
	s20 =	simm.s32 $0x80  }
0x5b: {  	s19 =	simm.s32 $0x4;
	s14 =	sor.u32 $0x8000, s14;
	[tilespmem:s18+$0x1450 ss:$0x41] =	vst.msk $0xffff, v11;
	v6 =	vld.idx.msk [tilespmem:v0+s16+$0x460 ss:$0x1], $0xffff;
	s24 =	sand.u32 $0x380, s20  }
.LBB1_3:
0x5c: {  	p1 =	sne.s32 s22, $0xFC;
	[tilespmem:s18+$0x1860 ss:$0x41] =	vst.msk $0xffff, v8;
	v8 =	vld.idx.msk [tilespmem:v0+s16+$0x470 ss:$0x1], $0xffff;
	s16 =	sor.u32 s24, s23  }
0x5d: {  	s23 =	sand.u32 $0x3B00, s16;
	v9 =	vld.idx.msk [tilespmem:v0+s16+$0x410 ss:$0x1], $0xffff;
	[tilespmem:s18+$0x1C70 ss:$0x41] =	vst.msk $0xffff, v7  }
0x5e: {  	s24 =	sand.u32 $0x80, s20;
	s23 =	sadd.s32 s23, s15;
	v7 =	vld.idx.msk [tilespmem:v0+s16+$0x420 ss:$0x1], $0xffff;
	[tilespmem:s18+$0x2490 ss:$0x41] =	vst.msk $0xffff, v1  }
0x5f: {  	s23 =	sadd.s32 s24, s23;
	v10 =	vld.idx.msk [tilespmem:v0+s16+$0x430 ss:$0x1], $0xffff;
	[tilespmem:s18+$0x28A0 ss:$0x41] =	vst.msk $0xffff, v2  }
0x60: {  	v11 =	vld [tilespmem:s23+$0x400];
	[tilespmem:s18+$0x2CB0 ss:$0x41] =	vst.msk $0xffff, v3  }
0x61: {  	v12 =	vld [tilespmem:s23+$0x0];
	[tilespmem:s18+$0x30C0 ss:$0x41] =	vst.msk $0xffff, v4  }
0x62: {  	v4 =	vld [tilespmem:s23+$0x10];
	[tilespmem:s18+$0x34D0 ss:$0x41] =	vst.msk $0xffff, v5  }
0x63: {  	s24 =	sshra.s32 s19, $0x2;
	s19 =	smov.u32 s22;
	v1 =	vmov v9;
	v5 =	vld [tilespmem:s23+$0x20];
	[tilespmem:s18+$0x38E0 ss:$0x41] =	vst.msk $0xffff, v6  }
0x64: {  	v2 =	vmov v7;
	v6 =	vld [tilespmem:s23+$0x30];
	[tilespmem:s18+$0x3CF0 ss:$0x41] =	vst.msk $0xffff, v8;
	s18 =	sadd.s32 s24, s17  }
0x65: {  	v3 =	vmov v10;
	v9 =	vld [tilespmem:s23+$0x40];
	[tilespmem:s18+$0x2080 ss:$0x41] =	vst.msk $0xffff, v11  }
0x66: {  	[tilespmem:s18+$0x0 ss:$0x41] =	vst.msk $0xffff, v12;
	v10 =	vld [tilespmem:s23+$0x50]  }
.Ltmp3:
0x67: {  	[tilespmem:s18+$0x410 ss:$0x41] =	vst.msk $0xffff, v4;
	v8 =	vld [tilespmem:s23+$0x60];
	(pc) =	sbr.rel @p1 .LBB1_3-.Ltmp3, $4  }
0x68: {  	[tilespmem:s18+$0x820 ss:$0x41] =	vst.msk $0xffff, v5;
	v7 =	vld [tilespmem:s23+$0x70]  }
0x69: {  	[tilespmem:s18+$0xC30 ss:$0x41] =	vst.msk $0xffff, v6;
	v4 =	vld.idx.msk [tilespmem:v0+s16+$0x440 ss:$0x1], $0xffff  }
0x6a: {  	s20 =	sadd.s32 $0x80, s20;
	s21 =	sadd.s32 $0x100, s21;
	[tilespmem:s18+$0x1040 ss:$0x41] =	vst.msk $0xffff, v9;
	v5 =	vld.idx.msk [tilespmem:v0+s16+$0x450 ss:$0x1], $0xffff  }
0x6b: {  	s22 =	sadd.s32 $0x4, s22;
	s24 =	sand.u32 $0x380, s20;
	s23 =	sand.u32 $0x3800, s21;
	[tilespmem:s18+$0x1450 ss:$0x41] =	vst.msk $0xffff, v10;
	v6 =	vld.idx.msk [tilespmem:v0+s16+$0x460 ss:$0x1], $0xffff  }
.Ltmp4:
0x6c: {  	_ = 	snop;
	(pc) =	sbr.rel .LBB1_4-.Ltmp4, $1  }
0x6d: {  	_ =	sdelay $0x3  }
.LBB1_6:
0x6e: {  	_ =	sfence.sel $0x180000  }
0x6f: {  	s2 =	simm.s32 $0x1;
	[bflag:$0x0] =	sbarrier.arrive $0xFFFF  }
0x70: {  	s31 =	simm.s32 $0x2;
	[sflag:s2] =	ssyncpa.u1 $0x1  }
0x71: {  	[sflag:s31] =	ssyncpa.u1 $0x1  }
0x72: {  	p0 =	sne.s32 s0, $0x0;
	_ =	strace $0x90000047  }
0x73: {  	s0 =	sadd.s32 @!p0 $0x100000, s1;
	[bflag:$0x2] =	sbarrier.arrive $0xFFFF  }
0x74: {  	[sflag:s0] =	ssyncadd.tile.s32 @!p0 $0x1;
	_ =	shalt  }
.Lfunc_end1:
_tile_overlayer_lowered:
.L_overlay_start_2:
0x75: {  	(tag) =	ssettag $0x2  }
0x76: {  	s0 =	rddreg [dreg:$0x0];
	s2 =	stileid.u32  }
0x77: {  	s1 =	rddreg [dreg:$0x1];
	p0 =	sne.s32 s2, $0x0  }
0x78: {  	s3 =	rddreg [dreg:$0x2];
	[bflag:$0x3] =	sbarrier.arrive $0xFFFF;
	s2 =	simm.s32 @!p0 $0x1C01  }
0x79: {  	[timem:s3], [sflag:s2] =	dma.local @!p0 [hbm:s0], s1  }
0x7a: {  	s0 =	simm.s32 @!p0 $0x1  }
0x7b: {  	_ =	swait.ge @!p0 [sflag:s0], s1  }
0x7c: {  	s1 =	ssub.s32 @!p0 $0x0, s1;
	[sflag:s0] =	ssyncset.done @!p0 $0x0  }
0x7d: {  	[sflag:s0] =	ssyncadd.s32 @!p0 s1  }
0x7e: {  	[bflag:$0x3] =	sbarrier.arrive $0xFFFF  }
0x7f: {  	_ =	shalt  }

</sc_bundles>
